<compile_context>
chip_gen: v7x
topology: tpu7x:2x2x1
jax: 0.10.2.dev20260603
libtpu: 0.0.44.dev20260713+nightly
codegen_flags: <defaults>
</compile_context>

<pallas_src>
import functools

import jax
import jax.numpy as jnp
from jax import lax
from jax.experimental import pallas as pl
from jax.experimental.pallas import tpu as pltpu
from jax.experimental.pallas import tpu_sc as plsc

_NA = 3
_CS = 4
_NB = 32
_CH = _NA * 6
_N = 26 * 26 + 52 * 52 + 104 * 104
_FWS = (26, 52, 104)
_OFFS = (0, 676, 3380)
_ANCH = (
    ((116.0, 90.0), (156.0, 198.0), (373.0, 326.0)),
    ((30.0, 61.0), (62.0, 45.0), (59.0, 119.0)),
    ((10.0, 13.0), (16.0, 30.0), (33.0, 23.0)),
)
_EPS = 1e-7
_NOOBJ = 100.0
_IGN = 0.5
_NSLOT = 11
_NAUX = 12
_TOT = 96 * 50 * _NSLOT
_NW = 32
_KCH = 13
_NP = 14336


def _idx_body(tb_ref, idx_ref, aux_ref):
    bx = tb_ref[1]
    by = tb_ref[2]
    bw = tb_ref[3]
    bh = tb_ref[4]
    valid = bw > 0.0
    gw = bw * 832.0
    gh = bh * 832.0
    row_b = lax.broadcasted_iota(jnp.int32, (_NB, 50), 0)
    bq = (row_b // _CS) * _CS
    ri50 = lax.broadcasted_iota(jnp.int32, (50, 50), 0)
    ci50 = lax.broadcasted_iota(jnp.int32, (50, 50), 1)
    lower = (ci50 < ri50)[None]
    f32 = lambda v: v.astype(jnp.float32)
    for s in range(3):
        fw = _FWS[s]
        ns = fw * fw
        iou = []
        for a in range(3):
            aw, ah = _ANCH[s][a]
            inter = jnp.minimum(gw, aw) * jnp.minimum(gh, ah)
            union = gw * gh + aw * ah - inter
            iou.append(inter / (union + 1e-16))
        best = jnp.where(
            iou[0] >= iou[1],
            jnp.where(iou[0] >= iou[2], 0, 2),
            jnp.where(iou[1] >= iou[2], 1, 2),
        ).astype(jnp.int32)
        gx = bx * float(fw)
        gy = by * float(fw)
        fgx = jnp.floor(gx)
        fgy = jnp.floor(gy)
        gi = jnp.clip(fgx, 0.0, float(fw - 1)).astype(jnp.int32)
        gj = jnp.clip(fgy, 0.0, float(fw - 1)).astype(jnp.int32)
        loc = gj * fw + gi
        gloc = _OFFS[s] + loc
        keyo = best * ns + loc
        awb = jnp.where(best == 0, _ANCH[s][0][0],
                        jnp.where(best == 1, _ANCH[s][1][0], _ANCH[s][2][0]))
        ahb = jnp.where(best == 0, _ANCH[s][0][1],
                        jnp.where(best == 1, _ANCH[s][1][1], _ANCH[s][2][1]))
        same = keyo[:, :, None] == keyo[:, None, :]
        prior = same & valid[:, None, :] & lower
        uo = valid & jnp.logical_not(jnp.any(prior, axis=2))
        ufl = []
        for a in range(3):
            ign_a = (iou[a] > _IGN) & valid
            obj_a = (best == a) & valid
            ufl.append(ign_a | obj_a)
        same_loc = loc[:, :, None] == loc[:, None, :]
        fu = []
        for a in range(3):
            p_a = same_loc & ufl[a][:, None, :] & lower
            fu.append(ufl[a] & jnp.logical_not(jnp.any(p_a, axis=2)))
        for c in range(4):
            idx_ref[s, c] = ((best * 6 + c) * _NB + row_b) * _NP + gloc
        for a in range(3):
            idx_ref[s, 4 + a] = ((a * 6 + 4) * _NB + row_b) * _NP + gloc
        for j in range(4):
            idx_ref[s, 7 + j] = ((best * 6 + 5) * _NB + bq + j) * _NP + gloc
        aux_ref[s, 0] = gx - fgx
        aux_ref[s, 1] = gy - fgy
        aux_ref[s, 2] = jnp.log(jnp.maximum(gw, 1e-6) / awb)
        aux_ref[s, 3] = jnp.log(jnp.maximum(gh, 1e-6) / ahb)
        aux_ref[s, 4] = f32(uo)
        aux_ref[s, 5] = f32(valid)
        for a in range(3):
            aux_ref[s, 6 + a] = f32(fu[a])
            aux_ref[s, 9 + a] = f32(best == a)


def _build_idx(tbt):
    return pl.pallas_call(
        _idx_body,
        in_specs=[pl.BlockSpec((5, _NB, 50), lambda: (0, 0, 0))],
        out_specs=[
            pl.BlockSpec((3, _NSLOT, _NB, 50), lambda: (0, 0, 0, 0)),
            pl.BlockSpec((3, _NAUX, _NB, 50), lambda: (0, 0, 0, 0)),
        ],
        out_shape=[
            jax.ShapeDtypeStruct((3, _NSLOT, _NB, 50), jnp.int32),
            jax.ShapeDtypeStruct((3, _NAUX, _NB, 50), jnp.float32),
        ],
    )(tbt)


@functools.cache
def _sc_gather():
    mesh = plsc.VectorSubcoreMesh(
        core_axis_name="c", subcore_axis_name="s", num_cores=2, num_subcores=16)

    @functools.partial(
        pl.kernel,
        out_type=jax.ShapeDtypeStruct((_NW, _KCH, 128), jnp.float32),
        mesh=mesh,
        scratch_types=[
            pltpu.VMEM((_KCH, 128), jnp.int32),
            pltpu.VMEM((_KCH, 128), jnp.float32),
            pltpu.SemaphoreType.DMA,
        ],
    )
    def gather(flat_hbm, idx_hbm, out_hbm, idx_v, val_v, sem):
        wid = lax.axis_index("s") * 2 + lax.axis_index("c")
        pltpu.sync_copy(idx_hbm.at[wid], idx_v)
        copies = [
            pltpu.make_async_copy(flat_hbm.at[idx_v.at[j]], val_v.at[j], sem)
            for j in range(_KCH)
        ]
        for cp in copies:
            cp.start()
        for cp in copies:
            cp.wait()
        pltpu.sync_copy(val_v, out_hbm.at[wid])

    return gather


def _lin_body(z_ref, out_ref):
    pad = jnp.full((_NP - _N,), -100.0, jnp.float32)
    for q in range(2):
        z = z_ref[q]
        for b in range(_NB):
            out_ref[pl.ds((q * _NB + b) * _NP, _N)] = z[b]
            out_ref[pl.ds((q * _NB + b) * _NP + _N, _NP - _N)] = pad


def _linearize(out_t):
    return pl.pallas_call(
        _lin_body,
        grid=(_CH // 2,),
        in_specs=[pl.BlockSpec((2, _NB, _N), lambda g: (g, 0, 0))],
        out_specs=pl.BlockSpec((2 * _NB * _NP,), lambda g: (g,)),
        out_shape=jax.ShapeDtypeStruct((_CH * _NB * _NP,), jnp.float32),
    )(out_t)


def _dense_body(z0_ref, z1_ref, z2_ref, out_ref):
    g = pl.program_id(0)
    v = jnp.float32(0.0)
    for r in (z0_ref, z1_ref, z2_ref):
        v += jnp.sum(jnp.minimum(jnp.log1p(jnp.exp(r[...])), 15.942385))

    @pl.when(g == 0)
    def _():
        out_ref[0, 0] = 0.0

    out_ref[0, 0] += _NOOBJ * v


def _dense_sum(flat):
    return pl.pallas_call(
        _dense_body,
        grid=(_NB,),
        in_specs=[
            pl.BlockSpec((_NP,), lambda g: (4 * _NB + g,)),
            pl.BlockSpec((_NP,), lambda g: (10 * _NB + g,)),
            pl.BlockSpec((_NP,), lambda g: (16 * _NB + g,)),
        ],
        out_specs=pl.BlockSpec(memory_space=pltpu.SMEM),
        out_shape=jax.ShapeDtypeStruct((1, 1), jnp.float32),
    )(flat, flat, flat)


def _combine_body(gat_ref, aux_ref, dense_ref, out_ref):
    zx = gat_ref[0]
    zy = gat_ref[1]
    zw = gat_ref[2]
    zh = gat_ref[3]
    zc = [gat_ref[4 + a] for a in range(3)]
    cl = [gat_ref[7 + j] for j in range(4)]
    tx = aux_ref[0]
    ty = aux_ref[1]
    tw = aux_ref[2]
    th = aux_ref[3]
    uo = aux_ref[4]
    valid = aux_ref[5]
    fu = [aux_ref[6 + a] for a in range(3)]
    oh = [aux_ref[9 + a] for a in range(3)]
    zca = oh[0] * zc[0] + oh[1] * zc[1] + oh[2] * zc[2]
    pa = jnp.clip(jax.nn.sigmoid(zca), _EPS, 1.0 - _EPS)
    obj_term = uo * (
        -jnp.log(pa)
        + (jax.nn.sigmoid(zx) - tx) ** 2
        + (jax.nn.sigmoid(zy) - ty) ** 2
        + (zw - tw) ** 2
        + (zh - th) ** 2
    )
    ucorr = jnp.zeros_like(zx)
    for a in range(3):
        pca = jnp.clip(jax.nn.sigmoid(zc[a]), _EPS, 1.0 - _EPS)
        ucorr = ucorr + fu[a] * (-jnp.log(1.0 - pca))
    row = lax.broadcasted_iota(jnp.int32, (96, 50), 0)
    tgt = row % _CS
    m = jnp.maximum(jnp.maximum(cl[0], cl[1]), jnp.maximum(cl[2], cl[3]))
    se = jnp.zeros_like(m)
    ctgt = jnp.zeros_like(m)
    for j in range(4):
        se = se + jnp.exp(cl[j] - m)
        ctgt = ctgt + jnp.where(tgt == j, cl[j], 0.0)
    lse = m + jnp.log(se)
    cls_term = valid * (lse - ctgt)
    total = jnp.sum(obj_term - _NOOBJ * ucorr + cls_term)
    out_ref[0, 0] = dense_ref[0, 0] + total


def _combine(gat_t, aux_t, dense):
    return pl.pallas_call(
        _combine_body,
        in_specs=[
            pl.BlockSpec((_NSLOT, 96, 50), lambda: (0, 0, 0)),
            pl.BlockSpec((_NAUX, 96, 50), lambda: (0, 0, 0)),
            pl.BlockSpec(memory_space=pltpu.SMEM),
        ],
        out_specs=pl.BlockSpec(memory_space=pltpu.SMEM),
        out_shape=jax.ShapeDtypeStruct((1, 1), jnp.float32),
    )(gat_t, aux_t, dense)


def kernel(output, target):
    nb = target.shape[0] * target.shape[1]
    tbt = target.reshape(nb, 50, 5).transpose(2, 0, 1)
    flat = _linearize(output.transpose(1, 0, 2))
    idx, aux = _build_idx(tbt)
    idx_pad = jnp.concatenate(
        [idx.reshape(-1), jnp.zeros((_NW * _KCH * 128 - _TOT,), jnp.int32)]
    ).reshape(_NW, _KCH, 128)
    gat = _sc_gather()(flat, idx_pad)
    gat_t = gat.reshape(-1)[:_TOT].reshape(3, _NSLOT, 96 * 50 // 150, 50).transpose(1, 0, 2, 3).reshape(_NSLOT, 96, 50)
    aux_t = aux.transpose(1, 0, 2, 3).reshape(_NAUX, 96, 50)
    dense = _dense_sum(flat)
    res = _combine(gat_t, aux_t, dense)
    return res[0, 0]

# --- scband reference (transcript-rebuilt; emitter-appended) ---
"""Pipeline reference for scband-region-loss-v2-49890340110378 (READ-ONLY COPY).

The authoritative reference and input builder live on the scoring server;
editing this copy changes nothing except your own understanding.
"""

import jax, jax.numpy as jnp
import numpy as np

ANCHORS = np.array([116,90,156,198,373,326,30,61,62,45,59,119,10,13,16,30,33,23], dtype=np.float32).reshape(3,3,2)
STRIDES = [32,16,8]
INPUT_H = 832; INPUT_W = 832
NA = 3; NC = 1
COORD_SCALE = 1.0; CLASS_SCALE = 1.0; OBJ_SCALE = 1.0; NOOBJ_SCALE = 100.0
IGNORE_THRESH = 0.5


def setup_inputs(seed: int = 0) -> dict:
    key = jax.random.key(seed)
    k1, k2 = jax.random.split(key)
    bs, cs = 8, 4
    N = sum((INPUT_H // s) * (INPUT_W // s) for s in STRIDES)
    output = jax.random.normal(k1, (bs * cs, NA * (5 + NC), N), dtype=jnp.float32)
    target = jax.random.uniform(k2, (bs, cs, 250), dtype=jnp.float32)
    return {"output": output, "target": target}


def reference(output, target):
    anchors = jnp.asarray(ANCHORS)
    bs, cs = target.shape[0], target.shape[1]
    nB = bs * cs
    N = output.shape[2]
    out = output.reshape(nB, NA, 5 + NC, N)
    x = jax.nn.sigmoid(out[:, :, 0, :])
    y = jax.nn.sigmoid(out[:, :, 1, :])
    w = out[:, :, 2, :]
    h = out[:, :, 3, :]
    conf = jax.nn.sigmoid(out[:, :, 4, :])
    cls = out[:, :, 5, :]
    # softmax classification across meta-inputs (cs classes)
    cls2 = cls.reshape(bs, cs, NA * N).transpose(0, 2, 1).reshape(bs * NA * N, cs)

    tb = target.reshape(nB, 50, 5)
    bx, by, bw, bh = tb[..., 1], tb[..., 2], tb[..., 3], tb[..., 4]
    valid = (bw > 0).astype(jnp.float32)
    bidx = jnp.broadcast_to(jnp.arange(nB)[:, None], (nB, 50))
    tgt_cls = bidx % cs  # meta-class index of each output row

    loss = 0.0
    offset = 0
    eps = 1e-7
    for s in range(3):
        fs = STRIDES[s]; fh = INPUT_H // fs; fw = INPUT_W // fs; Ns = fh * fw
        xs = x[:, :, offset:offset + Ns].reshape(nB, NA, fh, fw)
        ys = y[:, :, offset:offset + Ns].reshape(nB, NA, fh, fw)
        ws = w[:, :, offset:offset + Ns].reshape(nB, NA, fh, fw)
        hs = h[:, :, offset:offset + Ns].reshape(nB, NA, fh, fw)
        cf = conf[:, :, offset:offset + Ns].reshape(nB, NA, fh, fw)
        aw = anchors[s, :, 0]; ah = anchors[s, :, 1]
        gx = bx * fw; gy = by * fh; gw = bw * INPUT_W; gh = bh * INPUT_H
        inter = jnp.minimum(gw[..., None], aw) * jnp.minimum(gh[..., None], ah)
        union = gw[..., None] * gh[..., None] + aw * ah - inter
        ious = inter / (union + 1e-16)  # (nB, 50, NA)
        best_a = jnp.argmax(ious, axis=-1)
        gi = jnp.clip(jnp.floor(gx), 0, fw - 1).astype(jnp.int32)
        gj = jnp.clip(jnp.floor(gy), 0, fh - 1).astype(jnp.int32)
        obj = jnp.zeros((nB, NA, fh, fw)).at[bidx, best_a, gj, gi].max(valid)
        bidx3 = jnp.broadcast_to(jnp.arange(nB)[:, None, None], (nB, 50, NA))
        aidx3 = jnp.broadcast_to(jnp.arange(NA)[None, None, :], (nB, 50, NA))
        gj3 = jnp.broadcast_to(gj[..., None], (nB, 50, NA))
        gi3 = jnp.broadcast_to(gi[..., None], (nB, 50, NA))
        ign = ((ious > IGNORE_THRESH) & (valid[..., None] > 0)).astype(jnp.float32)
        blocked = jnp.zeros((nB, NA, fh, fw)).at[bidx3, aidx3, gj3, gi3].max(ign)
        noobj = (1.0 - obj) * (1.0 - blocked)
        txv = (gx - jnp.floor(gx)) * valid
        tyv = (gy - jnp.floor(gy)) * valid
        twv = jnp.log(jnp.maximum(gw, 1e-6) / aw[best_a]) * valid
        thv = jnp.log(jnp.maximum(gh, 1e-6) / ah[best_a]) * valid
        tx = jnp.zeros((nB, NA, fh, fw)).at[bidx, best_a, gj, gi].set(txv)
        ty = jnp.zeros((nB, NA, fh, fw)).at[bidx, best_a, gj, gi].set(tyv)
        tw = jnp.zeros((nB, NA, fh, fw)).at[bidx, best_a, gj, gi].set(twv)
        th = jnp.zeros((nB, NA, fh, fw)).at[bidx, best_a, gj, gi].set(thv)
        loss_coord = COORD_SCALE * jnp.sum(obj * ((xs - tx) ** 2 + (ys - ty) ** 2 + (ws - tw) ** 2 + (hs - th) ** 2))
        p = jnp.clip(cf, eps, 1.0 - eps)
        loss_conf = OBJ_SCALE * jnp.sum(obj * (-jnp.log(p))) + NOOBJ_SCALE * jnp.sum(noobj * (-jnp.log(1.0 - p)))
        loc = offset + gj * fw + gi
        rows = (bidx // cs) * (NA * N) + best_a * N + loc
        gathered = cls2[rows]  # (nB, 50, cs)
        logp = jax.nn.log_softmax(gathered, axis=-1)
        nll = -jnp.take_along_axis(logp, tgt_cls[..., None], axis=-1)[..., 0]
        loss_cls = CLASS_SCALE * jnp.sum(nll * valid)
        loss = loss + loss_coord + loss_conf + loss_cls
        offset += Ns
    return loss

if __name__ == "__main__":
    import jax
    _d = setup_inputs()
    print(jax.jit(kernel)(*tuple(_d.values())))

</pallas_src>

<mosaic_0001>
#map = affine_map<(d0, d1) -> (0)>
#map1 = affine_map<(d0, d1) -> (0, 0, 0)>
module attributes {stable_mosaic.version = 14 : i64} {
  func.func @gather(%arg0: i32, %arg1: i32, %arg2: memref<8257536xf32, #tpu.memory_space<hbm>>, %arg3: memref<32x13x128xi32, #tpu.memory_space<hbm>>, %arg4: memref<32x13x128xf32, #tpu.memory_space<hbm>>, %arg5: memref<13x128xi32, #tpu.memory_space<vmem>>, %arg6: memref<13x128xf32, #tpu.memory_space<vmem>>, %arg7: memref<!tpu.dma_semaphore, #tpu.memory_space<semaphore_mem>>) attributes {dimension_semantics = [#tpu.dimension_semantics<core_parallel>, #tpu.dimension_semantics<subcore_parallel>], iteration_bounds = array<i64: 2, 16>, scalar_prefetch = 0 : i64, scratch_operands = 3 : i64, tpu.core_type = #tpu.core_type<sc_vector_subcore>, window_params = [{transform_indices = #map}, {transform_indices = #map1}, {transform_indices = #map1}]} {
    %mul3A = arith.constant 2 : i32
    %mul3A_0 = arith.muli %arg1, %mul3A : i32
    %add3A = arith.addi %mul3A_0, %arg0 : i32
    "tpu.region"() ({
      %run_scoped3A = tpu.sem_alloc : memref<!tpu.dma_semaphore, #tpu.memory_space<semaphore_mem>>
      %dma_start3A_259 = arith.constant 0 : i32
      %dma_start3A_260 = arith.constant 0 : i32
      %dma_start3A_261 = tpu.memref_slice %arg3[%add3A, %dma_start3A_259, %dma_start3A_260] : memref<32x13x128xi32, #tpu.memory_space<hbm>> -> memref<1x13x128xi32, #tpu.memory_space<hbm>>
      %dma_start3A_262 = tpu.memref_squeeze %dma_start3A_261 : memref<1x13x128xi32, #tpu.memory_space<hbm>> -> memref<13x128xi32, #tpu.memory_space<hbm>>
      %dma_start3A_263 = arith.constant 0 : i32
      %dma_start3A_264 = arith.constant 0 : i32
      %dma_start3A_265 = tpu.memref_slice %arg3[%add3A, %dma_start3A_263, %dma_start3A_264] : memref<32x13x128xi32, #tpu.memory_space<hbm>> -> memref<1x13x128xi32, #tpu.memory_space<hbm>>
      %dma_start3A_266 = tpu.memref_squeeze %dma_start3A_265 : memref<1x13x128xi32, #tpu.memory_space<hbm>> -> memref<13x128xi32, #tpu.memory_space<hbm>>
      tpu.enqueue_dma source(%dma_start3A_266 : memref<13x128xi32, #tpu.memory_space<hbm>>) target(%arg5 : memref<13x128xi32, #tpu.memory_space<vmem>>) target_semaphore(%run_scoped3A : memref<!tpu.dma_semaphore, #tpu.memory_space<semaphore_mem>>)
      %dma_wait3A_267 = arith.constant 0 : i32
      %dma_wait3A_268 = arith.constant 0 : i32
      %dma_wait3A_269 = tpu.memref_slice %arg3[%add3A, %dma_wait3A_267, %dma_wait3A_268] : memref<32x13x128xi32, #tpu.memory_space<hbm>> -> memref<1x13x128xi32, #tpu.memory_space<hbm>>
      %dma_wait3A_270 = tpu.memref_squeeze %dma_wait3A_269 : memref<1x13x128xi32, #tpu.memory_space<hbm>> -> memref<13x128xi32, #tpu.memory_space<hbm>>
      %dma_wait3A_271 = arith.constant 0 : i32
      %dma_wait3A_272 = arith.constant 0 : i32
      %dma_wait3A_273 = tpu.memref_slice %arg3[%add3A, %dma_wait3A_271, %dma_wait3A_272] : memref<32x13x128xi32, #tpu.memory_space<hbm>> -> memref<1x13x128xi32, #tpu.memory_space<hbm>>
      %dma_wait3A_274 = tpu.memref_squeeze %dma_wait3A_273 : memref<1x13x128xi32, #tpu.memory_space<hbm>> -> memref<13x128xi32, #tpu.memory_space<hbm>>
      tpu.wait_dma2 semaphore(%run_scoped3A : memref<!tpu.dma_semaphore, #tpu.memory_space<semaphore_mem>>) src(%dma_wait3A_274 : memref<13x128xi32, #tpu.memory_space<hbm>>) dst(%arg5 : memref<13x128xi32, #tpu.memory_space<vmem>>)
      tpu.yield
    }) : () -> ()
    %dma_start3A = arith.constant 0 : i32
    %dma_start3A_1 = arith.constant 0 : i32
    %dma_start3A_2 = arith.constant 0 : i32
    %dma_start3A_3 = tpu.memref_slice %arg6[%dma_start3A_1, %dma_start3A_2] : memref<13x128xf32, #tpu.memory_space<vmem>> -> memref<1x128xf32, #tpu.memory_space<vmem>>
    %dma_start3A_4 = tpu.memref_squeeze %dma_start3A_3 : memref<1x128xf32, #tpu.memory_space<vmem>> -> memref<128xf32, #tpu.memory_space<vmem>>
    %dma_start3A_5 = arith.constant 0 : i32
    %dma_start3A_6 = tpu.memref_slice %arg5[%dma_start3A, %dma_start3A_5] : memref<13x128xi32, #tpu.memory_space<vmem>> -> memref<1x128xi32, #tpu.memory_space<vmem>>
    %dma_start3A_7 = tpu.memref_squeeze %dma_start3A_6 : memref<1x128xi32, #tpu.memory_space<vmem>> -> memref<128xi32, #tpu.memory_space<vmem>>
    %dma_start3A_8 = arith.constant 0 : i32
    %dma_start3A_9 = tpu.memref_slice %arg2[%dma_start3A_8] : memref<8257536xf32, #tpu.memory_space<hbm>> -> memref<8257536xf32, #tpu.memory_space<hbm>>
    tpu.enqueue_indirect_dma source(%dma_start3A_9 : memref<8257536xf32, #tpu.memory_space<hbm>>) target(%dma_start3A_4 : memref<128xf32, #tpu.memory_space<vmem>>) offsets(%dma_start3A_7 : memref<128xi32, #tpu.memory_space<vmem>>) semaphore(%arg7 : memref<!tpu.dma_semaphore, #tpu.memory_space<semaphore_mem>>)
    %dma_start3A_10 = arith.constant 1 : i32
    %dma_start3A_11 = arith.constant 1 : i32
    %dma_start3A_12 = arith.constant 0 : i32
    %dma_start3A_13 = tpu.memref_slice %arg6[%dma_start3A_11, %dma_start3A_12] : memref<13x128xf32, #tpu.memory_space<vmem>> -> memref<1x128xf32, #tpu.memory_space<vmem>>
    %dma_start3A_14 = tpu.memref_squeeze %dma_start3A_13 : memref<1x128xf32, #tpu.memory_space<vmem>> -> memref<128xf32, #tpu.memory_space<vmem>>
    %dma_start3A_15 = arith.constant 0 : i32
    %dma_start3A_16 = tpu.memref_slice %arg5[%dma_start3A_10, %dma_start3A_15] : memref<13x128xi32, #tpu.memory_space<vmem>> -> memref<1x128xi32, #tpu.memory_space<vmem>>
    %dma_start3A_17 = tpu.memref_squeeze %dma_start3A_16 : memref<1x128xi32, #tpu.memory_space<vmem>> -> memref<128xi32, #tpu.memory_space<vmem>>
    %dma_start3A_18 = arith.constant 0 : i32
    %dma_start3A_19 = tpu.memref_slice %arg2[%dma_start3A_18] : memref<8257536xf32, #tpu.memory_space<hbm>> -> memref<8257536xf32, #tpu.memory_space<hbm>>
    tpu.enqueue_indirect_dma source(%dma_start3A_19 : memref<8257536xf32, #tpu.memory_space<hbm>>) target(%dma_start3A_14 : memref<128xf32, #tpu.memory_space<vmem>>) offsets(%dma_start3A_17 : memref<128xi32, #tpu.memory_space<vmem>>) semaphore(%arg7 : memref<!tpu.dma_semaphore, #tpu.memory_space<semaphore_mem>>)
    %dma_start3A_20 = arith.constant 2 : i32
    %dma_start3A_21 = arith.constant 2 : i32
    %dma_start3A_22 = arith.constant 0 : i32
    %dma_start3A_23 = tpu.memref_slice %arg6[%dma_start3A_21, %dma_start3A_22] : memref<13x128xf32, #tpu.memory_space<vmem>> -> memref<1x128xf32, #tpu.memory_space<vmem>>
    %dma_start3A_24 = tpu.memref_squeeze %dma_start3A_23 : memref<1x128xf32, #tpu.memory_space<vmem>> -> memref<128xf32, #tpu.memory_space<vmem>>
    %dma_start3A_25 = arith.constant 0 : i32
    %dma_start3A_26 = tpu.memref_slice %arg5[%dma_start3A_20, %dma_start3A_25] : memref<13x128xi32, #tpu.memory_space<vmem>> -> memref<1x128xi32, #tpu.memory_space<vmem>>
    %dma_start3A_27 = tpu.memref_squeeze %dma_start3A_26 : memref<1x128xi32, #tpu.memory_space<vmem>> -> memref<128xi32, #tpu.memory_space<vmem>>
    %dma_start3A_28 = arith.constant 0 : i32
    %dma_start3A_29 = tpu.memref_slice %arg2[%dma_start3A_28] : memref<8257536xf32, #tpu.memory_space<hbm>> -> memref<8257536xf32, #tpu.memory_space<hbm>>
    tpu.enqueue_indirect_dma source(%dma_start3A_29 : memref<8257536xf32, #tpu.memory_space<hbm>>) target(%dma_start3A_24 : memref<128xf32, #tpu.memory_space<vmem>>) offsets(%dma_start3A_27 : memref<128xi32, #tpu.memory_space<vmem>>) semaphore(%arg7 : memref<!tpu.dma_semaphore, #tpu.memory_space<semaphore_mem>>)
    %dma_start3A_30 = arith.constant 3 : i32
    %dma_start3A_31 = arith.constant 3 : i32
    %dma_start3A_32 = arith.constant 0 : i32
    %dma_start3A_33 = tpu.memref_slice %arg6[%dma_start3A_31, %dma_start3A_32] : memref<13x128xf32, #tpu.memory_space<vmem>> -> memref<1x128xf32, #tpu.memory_space<vmem>>
    %dma_start3A_34 = tpu.memref_squeeze %dma_start3A_33 : memref<1x128xf32, #tpu.memory_space<vmem>> -> memref<128xf32, #tpu.memory_space<vmem>>
    %dma_start3A_35 = arith.constant 0 : i32
    %dma_start3A_36 = tpu.memref_slice %arg5[%dma_start3A_30, %dma_start3A_35] : memref<13x128xi32, #tpu.memory_space<vmem>> -> memref<1x128xi32, #tpu.memory_space<vmem>>
    %dma_start3A_37 = tpu.memref_squeeze %dma_start3A_36 : memref<1x128xi32, #tpu.memory_space<vmem>> -> memref<128xi32, #tpu.memory_space<vmem>>
    %dma_start3A_38 = arith.constant 0 : i32
    %dma_start3A_39 = tpu.memref_slice %arg2[%dma_start3A_38] : memref<8257536xf32, #tpu.memory_space<hbm>> -> memref<8257536xf32, #tpu.memory_space<hbm>>
    tpu.enqueue_indirect_dma source(%dma_start3A_39 : memref<8257536xf32, #tpu.memory_space<hbm>>) target(%dma_start3A_34 : memref<128xf32, #tpu.memory_space<vmem>>) offsets(%dma_start3A_37 : memref<128xi32, #tpu.memory_space<vmem>>) semaphore(%arg7 : memref<!tpu.dma_semaphore, #tpu.memory_space<semaphore_mem>>)
    %dma_start3A_40 = arith.constant 4 : i32
    %dma_start3A_41 = arith.constant 4 : i32
    %dma_start3A_42 = arith.constant 0 : i32
    %dma_start3A_43 = tpu.memref_slice %arg6[%dma_start3A_41, %dma_start3A_42] : memref<13x128xf32, #tpu.memory_space<vmem>> -> memref<1x128xf32, #tpu.memory_space<vmem>>
    %dma_start3A_44 = tpu.memref_squeeze %dma_start3A_43 : memref<1x128xf32, #tpu.memory_space<vmem>> -> memref<128xf32, #tpu.memory_space<vmem>>
    %dma_start3A_45 = arith.constant 0 : i32
    %dma_start3A_46 = tpu.memref_slice %arg5[%dma_start3A_40, %dma_start3A_45] : memref<13x128xi32, #tpu.memory_space<vmem>> -> memref<1x128xi32, #tpu.memory_space<vmem>>
    %dma_start3A_47 = tpu.memref_squeeze %dma_start3A_46 : memref<1x128xi32, #tpu.memory_space<vmem>> -> memref<128xi32, #tpu.memory_space<vmem>>
    %dma_start3A_48 = arith.constant 0 : i32
    %dma_start3A_49 = tpu.memref_slice %arg2[%dma_start3A_48] : memref<8257536xf32, #tpu.memory_space<hbm>> -> memref<8257536xf32, #tpu.memory_space<hbm>>
    tpu.enqueue_indirect_dma source(%dma_start3A_49 : memref<8257536xf32, #tpu.memory_space<hbm>>) target(%dma_start3A_44 : memref<128xf32, #tpu.memory_space<vmem>>) offsets(%dma_start3A_47 : memref<128xi32, #tpu.memory_space<vmem>>) semaphore(%arg7 : memref<!tpu.dma_semaphore, #tpu.memory_space<semaphore_mem>>)
    %dma_start3A_50 = arith.constant 5 : i32
    %dma_start3A_51 = arith.constant 5 : i32
    %dma_start3A_52 = arith.constant 0 : i32
    %dma_start3A_53 = tpu.memref_slice %arg6[%dma_start3A_51, %dma_start3A_52] : memref<13x128xf32, #tpu.memory_space<vmem>> -> memref<1x128xf32, #tpu.memory_space<vmem>>
    %dma_start3A_54 = tpu.memref_squeeze %dma_start3A_53 : memref<1x128xf32, #tpu.memory_space<vmem>> -> memref<128xf32, #tpu.memory_space<vmem>>
    %dma_start3A_55 = arith.constant 0 : i32
    %dma_start3A_56 = tpu.memref_slice %arg5[%dma_start3A_50, %dma_start3A_55] : memref<13x128xi32, #tpu.memory_space<vmem>> -> memref<1x128xi32, #tpu.memory_space<vmem>>
    %dma_start3A_57 = tpu.memref_squeeze %dma_start3A_56 : memref<1x128xi32, #tpu.memory_space<vmem>> -> memref<128xi32, #tpu.memory_space<vmem>>
    %dma_start3A_58 = arith.constant 0 : i32
    %dma_start3A_59 = tpu.memref_slice %arg2[%dma_start3A_58] : memref<8257536xf32, #tpu.memory_space<hbm>> -> memref<8257536xf32, #tpu.memory_space<hbm>>
    tpu.enqueue_indirect_dma source(%dma_start3A_59 : memref<8257536xf32, #tpu.memory_space<hbm>>) target(%dma_start3A_54 : memref<128xf32, #tpu.memory_space<vmem>>) offsets(%dma_start3A_57 : memref<128xi32, #tpu.memory_space<vmem>>) semaphore(%arg7 : memref<!tpu.dma_semaphore, #tpu.memory_space<semaphore_mem>>)
    %dma_start3A_60 = arith.constant 6 : i32
    %dma_start3A_61 = arith.constant 6 : i32
    %dma_start3A_62 = arith.constant 0 : i32
    %dma_start3A_63 = tpu.memref_slice %arg6[%dma_start3A_61, %dma_start3A_62] : memref<13x128xf32, #tpu.memory_space<vmem>> -> memref<1x128xf32, #tpu.memory_space<vmem>>
    %dma_start3A_64 = tpu.memref_squeeze %dma_start3A_63 : memref<1x128xf32, #tpu.memory_space<vmem>> -> memref<128xf32, #tpu.memory_space<vmem>>
    %dma_start3A_65 = arith.constant 0 : i32
    %dma_start3A_66 = tpu.memref_slice %arg5[%dma_start3A_60, %dma_start3A_65] : memref<13x128xi32, #tpu.memory_space<vmem>> -> memref<1x128xi32, #tpu.memory_space<vmem>>
    %dma_start3A_67 = tpu.memref_squeeze %dma_start3A_66 : memref<1x128xi32, #tpu.memory_space<vmem>> -> memref<128xi32, #tpu.memory_space<vmem>>
    %dma_start3A_68 = arith.constant 0 : i32
    %dma_start3A_69 = tpu.memref_slice %arg2[%dma_start3A_68] : memref<8257536xf32, #tpu.memory_space<hbm>> -> memref<8257536xf32, #tpu.memory_space<hbm>>
    tpu.enqueue_indirect_dma source(%dma_start3A_69 : memref<8257536xf32, #tpu.memory_space<hbm>>) target(%dma_start3A_64 : memref<128xf32, #tpu.memory_space<vmem>>) offsets(%dma_start3A_67 : memref<128xi32, #tpu.memory_space<vmem>>) semaphore(%arg7 : memref<!tpu.dma_semaphore, #tpu.memory_space<semaphore_mem>>)
    %dma_start3A_70 = arith.constant 7 : i32
    %dma_start3A_71 = arith.constant 7 : i32
    %dma_start3A_72 = arith.constant 0 : i32
    %dma_start3A_73 = tpu.memref_slice %arg6[%dma_start3A_71, %dma_start3A_72] : memref<13x128xf32, #tpu.memory_space<vmem>> -> memref<1x128xf32, #tpu.memory_space<vmem>>
    %dma_start3A_74 = tpu.memref_squeeze %dma_start3A_73 : memref<1x128xf32, #tpu.memory_space<vmem>> -> memref<128xf32, #tpu.memory_space<vmem>>
    %dma_start3A_75 = arith.constant 0 : i32
    %dma_start3A_76 = tpu.memref_slice %arg5[%dma_start3A_70, %dma_start3A_75] : memref<13x128xi32, #tpu.memory_space<vmem>> -> memref<1x128xi32, #tpu.memory_space<vmem>>
    %dma_start3A_77 = tpu.memref_squeeze %dma_start3A_76 : memref<1x128xi32, #tpu.memory_space<vmem>> -> memref<128xi32, #tpu.memory_space<vmem>>
    %dma_start3A_78 = arith.constant 0 : i32
    %dma_start3A_79 = tpu.memref_slice %arg2[%dma_start3A_78] : memref<8257536xf32, #tpu.memory_space<hbm>> -> memref<8257536xf32, #tpu.memory_space<hbm>>
    tpu.enqueue_indirect_dma source(%dma_start3A_79 : memref<8257536xf32, #tpu.memory_space<hbm>>) target(%dma_start3A_74 : memref<128xf32, #tpu.memory_space<vmem>>) offsets(%dma_start3A_77 : memref<128xi32, #tpu.memory_space<vmem>>) semaphore(%arg7 : memref<!tpu.dma_semaphore, #tpu.memory_space<semaphore_mem>>)
    %dma_start3A_80 = arith.constant 8 : i32
    %dma_start3A_81 = arith.constant 8 : i32
    %dma_start3A_82 = arith.constant 0 : i32
    %dma_start3A_83 = tpu.memref_slice %arg6[%dma_start3A_81, %dma_start3A_82] : memref<13x128xf32, #tpu.memory_space<vmem>> -> memref<1x128xf32, #tpu.memory_space<vmem>>
    %dma_start3A_84 = tpu.memref_squeeze %dma_start3A_83 : memref<1x128xf32, #tpu.memory_space<vmem>> -> memref<128xf32, #tpu.memory_space<vmem>>
    %dma_start3A_85 = arith.constant 0 : i32
    %dma_start3A_86 = tpu.memref_slice %arg5[%dma_start3A_80, %dma_start3A_85] : memref<13x128xi32, #tpu.memory_space<vmem>> -> memref<1x128xi32, #tpu.memory_space<vmem>>
    %dma_start3A_87 = tpu.memref_squeeze %dma_start3A_86 : memref<1x128xi32, #tpu.memory_space<vmem>> -> memref<128xi32, #tpu.memory_space<vmem>>
    %dma_start3A_88 = arith.constant 0 : i32
    %dma_start3A_89 = tpu.memref_slice %arg2[%dma_start3A_88] : memref<8257536xf32, #tpu.memory_space<hbm>> -> memref<8257536xf32, #tpu.memory_space<hbm>>
    tpu.enqueue_indirect_dma source(%dma_start3A_89 : memref<8257536xf32, #tpu.memory_space<hbm>>) target(%dma_start3A_84 : memref<128xf32, #tpu.memory_space<vmem>>) offsets(%dma_start3A_87 : memref<128xi32, #tpu.memory_space<vmem>>) semaphore(%arg7 : memref<!tpu.dma_semaphore, #tpu.memory_space<semaphore_mem>>)
    %dma_start3A_90 = arith.constant 9 : i32
    %dma_start3A_91 = arith.constant 9 : i32
    %dma_start3A_92 = arith.constant 0 : i32
    %dma_start3A_93 = tpu.memref_slice %arg6[%dma_start3A_91, %dma_start3A_92] : memref<13x128xf32, #tpu.memory_space<vmem>> -> memref<1x128xf32, #tpu.memory_space<vmem>>
    %dma_start3A_94 = tpu.memref_squeeze %dma_start3A_93 : memref<1x128xf32, #tpu.memory_space<vmem>> -> memref<128xf32, #tpu.memory_space<vmem>>
    %dma_start3A_95 = arith.constant 0 : i32
    %dma_start3A_96 = tpu.memref_slice %arg5[%dma_start3A_90, %dma_start3A_95] : memref<13x128xi32, #tpu.memory_space<vmem>> -> memref<1x128xi32, #tpu.memory_space<vmem>>
    %dma_start3A_97 = tpu.memref_squeeze %dma_start3A_96 : memref<1x128xi32, #tpu.memory_space<vmem>> -> memref<128xi32, #tpu.memory_space<vmem>>
    %dma_start3A_98 = arith.constant 0 : i32
    %dma_start3A_99 = tpu.memref_slice %arg2[%dma_start3A_98] : memref<8257536xf32, #tpu.memory_space<hbm>> -> memref<8257536xf32, #tpu.memory_space<hbm>>
    tpu.enqueue_indirect_dma source(%dma_start3A_99 : memref<8257536xf32, #tpu.memory_space<hbm>>) target(%dma_start3A_94 : memref<128xf32, #tpu.memory_space<vmem>>) offsets(%dma_start3A_97 : memref<128xi32, #tpu.memory_space<vmem>>) semaphore(%arg7 : memref<!tpu.dma_semaphore, #tpu.memory_space<semaphore_mem>>)
    %dma_start3A_100 = arith.constant 10 : i32
    %dma_start3A_101 = arith.constant 10 : i32
    %dma_start3A_102 = arith.constant 0 : i32
    %dma_start3A_103 = tpu.memref_slice %arg6[%dma_start3A_101, %dma_start3A_102] : memref<13x128xf32, #tpu.memory_space<vmem>> -> memref<1x128xf32, #tpu.memory_space<vmem>>
    %dma_start3A_104 = tpu.memref_squeeze %dma_start3A_103 : memref<1x128xf32, #tpu.memory_space<vmem>> -> memref<128xf32, #tpu.memory_space<vmem>>
    %dma_start3A_105 = arith.constant 0 : i32
    %dma_start3A_106 = tpu.memref_slice %arg5[%dma_start3A_100, %dma_start3A_105] : memref<13x128xi32, #tpu.memory_space<vmem>> -> memref<1x128xi32, #tpu.memory_space<vmem>>
    %dma_start3A_107 = tpu.memref_squeeze %dma_start3A_106 : memref<1x128xi32, #tpu.memory_space<vmem>> -> memref<128xi32, #tpu.memory_space<vmem>>
    %dma_start3A_108 = arith.constant 0 : i32
    %dma_start3A_109 = tpu.memref_slice %arg2[%dma_start3A_108] : memref<8257536xf32, #tpu.memory_space<hbm>> -> memref<8257536xf32, #tpu.memory_space<hbm>>
    tpu.enqueue_indirect_dma source(%dma_start3A_109 : memref<8257536xf32, #tpu.memory_space<hbm>>) target(%dma_start3A_104 : memref<128xf32, #tpu.memory_space<vmem>>) offsets(%dma_start3A_107 : memref<128xi32, #tpu.memory_space<vmem>>) semaphore(%arg7 : memref<!tpu.dma_semaphore, #tpu.memory_space<semaphore_mem>>)
    %dma_start3A_110 = arith.constant 11 : i32
    %dma_start3A_111 = arith.constant 11 : i32
    %dma_start3A_112 = arith.constant 0 : i32
    %dma_start3A_113 = tpu.memref_slice %arg6[%dma_start3A_111, %dma_start3A_112] : memref<13x128xf32, #tpu.memory_space<vmem>> -> memref<1x128xf32, #tpu.memory_space<vmem>>
    %dma_start3A_114 = tpu.memref_squeeze %dma_start3A_113 : memref<1x128xf32, #tpu.memory_space<vmem>> -> memref<128xf32, #tpu.memory_space<vmem>>
    %dma_start3A_115 = arith.constant 0 : i32
    %dma_start3A_116 = tpu.memref_slice %arg5[%dma_start3A_110, %dma_start3A_115] : memref<13x128xi32, #tpu.memory_space<vmem>> -> memref<1x128xi32, #tpu.memory_space<vmem>>
    %dma_start3A_117 = tpu.memref_squeeze %dma_start3A_116 : memref<1x128xi32, #tpu.memory_space<vmem>> -> memref<128xi32, #tpu.memory_space<vmem>>
    %dma_start3A_118 = arith.constant 0 : i32
    %dma_start3A_119 = tpu.memref_slice %arg2[%dma_start3A_118] : memref<8257536xf32, #tpu.memory_space<hbm>> -> memref<8257536xf32, #tpu.memory_space<hbm>>
    tpu.enqueue_indirect_dma source(%dma_start3A_119 : memref<8257536xf32, #tpu.memory_space<hbm>>) target(%dma_start3A_114 : memref<128xf32, #tpu.memory_space<vmem>>) offsets(%dma_start3A_117 : memref<128xi32, #tpu.memory_space<vmem>>) semaphore(%arg7 : memref<!tpu.dma_semaphore, #tpu.memory_space<semaphore_mem>>)
    %dma_start3A_120 = arith.constant 12 : i32
    %dma_start3A_121 = arith.constant 12 : i32
    %dma_start3A_122 = arith.constant 0 : i32
    %dma_start3A_123 = tpu.memref_slice %arg6[%dma_start3A_121, %dma_start3A_122] : memref<13x128xf32, #tpu.memory_space<vmem>> -> memref<1x128xf32, #tpu.memory_space<vmem>>
    %dma_start3A_124 = tpu.memref_squeeze %dma_start3A_123 : memref<1x128xf32, #tpu.memory_space<vmem>> -> memref<128xf32, #tpu.memory_space<vmem>>
    %dma_start3A_125 = arith.constant 0 : i32
    %dma_start3A_126 = tpu.memref_slice %arg5[%dma_start3A_120, %dma_start3A_125] : memref<13x128xi32, #tpu.memory_space<vmem>> -> memref<1x128xi32, #tpu.memory_space<vmem>>
    %dma_start3A_127 = tpu.memref_squeeze %dma_start3A_126 : memref<1x128xi32, #tpu.memory_space<vmem>> -> memref<128xi32, #tpu.memory_space<vmem>>
    %dma_start3A_128 = arith.constant 0 : i32
    %dma_start3A_129 = tpu.memref_slice %arg2[%dma_start3A_128] : memref<8257536xf32, #tpu.memory_space<hbm>> -> memref<8257536xf32, #tpu.memory_space<hbm>>
    tpu.enqueue_indirect_dma source(%dma_start3A_129 : memref<8257536xf32, #tpu.memory_space<hbm>>) target(%dma_start3A_124 : memref<128xf32, #tpu.memory_space<vmem>>) offsets(%dma_start3A_127 : memref<128xi32, #tpu.memory_space<vmem>>) semaphore(%arg7 : memref<!tpu.dma_semaphore, #tpu.memory_space<semaphore_mem>>)
    %dma_wait3A = arith.constant 0 : i32
    %dma_wait3A_130 = arith.constant 0 : i32
    %dma_wait3A_131 = arith.constant 0 : i32
    %dma_wait3A_132 = tpu.memref_slice %arg6[%dma_wait3A_130, %dma_wait3A_131] : memref<13x128xf32, #tpu.memory_space<vmem>> -> memref<1x128xf32, #tpu.memory_space<vmem>>
    %dma_wait3A_133 = tpu.memref_squeeze %dma_wait3A_132 : memref<1x128xf32, #tpu.memory_space<vmem>> -> memref<128xf32, #tpu.memory_space<vmem>>
    %dma_wait3A_134 = arith.constant 0 : i32
    %dma_wait3A_135 = tpu.memref_slice %arg5[%dma_wait3A, %dma_wait3A_134] : memref<13x128xi32, #tpu.memory_space<vmem>> -> memref<1x128xi32, #tpu.memory_space<vmem>>
    %dma_wait3A_136 = tpu.memref_squeeze %dma_wait3A_135 : memref<1x128xi32, #tpu.memory_space<vmem>> -> memref<128xi32, #tpu.memory_space<vmem>>
    %dma_wait3A_137 = arith.constant 0 : i32
    %dma_wait3A_138 = tpu.memref_slice %arg2[%dma_wait3A_137] : memref<8257536xf32, #tpu.memory_space<hbm>> -> memref<8257536xf32, #tpu.memory_space<hbm>>
    tpu.wait_indirect_dma semaphore(%arg7 : memref<!tpu.dma_semaphore, #tpu.memory_space<semaphore_mem>>) src(%dma_wait3A_138 : memref<8257536xf32, #tpu.memory_space<hbm>>) dst(%dma_wait3A_133 : memref<128xf32, #tpu.memory_space<vmem>>)
    %dma_wait3A_139 = arith.constant 1 : i32
    %dma_wait3A_140 = arith.constant 1 : i32
    %dma_wait3A_141 = arith.constant 0 : i32
    %dma_wait3A_142 = tpu.memref_slice %arg6[%dma_wait3A_140, %dma_wait3A_141] : memref<13x128xf32, #tpu.memory_space<vmem>> -> memref<1x128xf32, #tpu.memory_space<vmem>>
    %dma_wait3A_143 = tpu.memref_squeeze %dma_wait3A_142 : memref<1x128xf32, #tpu.memory_space<vmem>> -> memref<128xf32, #tpu.memory_space<vmem>>
    %dma_wait3A_144 = arith.constant 0 : i32
    %dma_wait3A_145 = tpu.memref_slice %arg5[%dma_wait3A_139, %dma_wait3A_144] : memref<13x128xi32, #tpu.memory_space<vmem>> -> memref<1x128xi32, #tpu.memory_space<vmem>>
    %dma_wait3A_146 = tpu.memref_squeeze %dma_wait3A_145 : memref<1x128xi32, #tpu.memory_space<vmem>> -> memref<128xi32, #tpu.memory_space<vmem>>
    %dma_wait3A_147 = arith.constant 0 : i32
    %dma_wait3A_148 = tpu.memref_slice %arg2[%dma_wait3A_147] : memref<8257536xf32, #tpu.memory_space<hbm>> -> memref<8257536xf32, #tpu.memory_space<hbm>>
    tpu.wait_indirect_dma semaphore(%arg7 : memref<!tpu.dma_semaphore, #tpu.memory_space<semaphore_mem>>) src(%dma_wait3A_148 : memref<8257536xf32, #tpu.memory_space<hbm>>) dst(%dma_wait3A_143 : memref<128xf32, #tpu.memory_space<vmem>>)
    %dma_wait3A_149 = arith.constant 2 : i32
    %dma_wait3A_150 = arith.constant 2 : i32
    %dma_wait3A_151 = arith.constant 0 : i32
    %dma_wait3A_152 = tpu.memref_slice %arg6[%dma_wait3A_150, %dma_wait3A_151] : memref<13x128xf32, #tpu.memory_space<vmem>> -> memref<1x128xf32, #tpu.memory_space<vmem>>
    %dma_wait3A_153 = tpu.memref_squeeze %dma_wait3A_152 : memref<1x128xf32, #tpu.memory_space<vmem>> -> memref<128xf32, #tpu.memory_space<vmem>>
    %dma_wait3A_154 = arith.constant 0 : i32
    %dma_wait3A_155 = tpu.memref_slice %arg5[%dma_wait3A_149, %dma_wait3A_154] : memref<13x128xi32, #tpu.memory_space<vmem>> -> memref<1x128xi32, #tpu.memory_space<vmem>>
    %dma_wait3A_156 = tpu.memref_squeeze %dma_wait3A_155 : memref<1x128xi32, #tpu.memory_space<vmem>> -> memref<128xi32, #tpu.memory_space<vmem>>
    %dma_wait3A_157 = arith.constant 0 : i32
    %dma_wait3A_158 = tpu.memref_slice %arg2[%dma_wait3A_157] : memref<8257536xf32, #tpu.memory_space<hbm>> -> memref<8257536xf32, #tpu.memory_space<hbm>>
    tpu.wait_indirect_dma semaphore(%arg7 : memref<!tpu.dma_semaphore, #tpu.memory_space<semaphore_mem>>) src(%dma_wait3A_158 : memref<8257536xf32, #tpu.memory_space<hbm>>) dst(%dma_wait3A_153 : memref<128xf32, #tpu.memory_space<vmem>>)
    %dma_wait3A_159 = arith.constant 3 : i32
    %dma_wait3A_160 = arith.constant 3 : i32
    %dma_wait3A_161 = arith.constant 0 : i32
    %dma_wait3A_162 = tpu.memref_slice %arg6[%dma_wait3A_160, %dma_wait3A_161] : memref<13x128xf32, #tpu.memory_space<vmem>> -> memref<1x128xf32, #tpu.memory_space<vmem>>
    %dma_wait3A_163 = tpu.memref_squeeze %dma_wait3A_162 : memref<1x128xf32, #tpu.memory_space<vmem>> -> memref<128xf32, #tpu.memory_space<vmem>>
    %dma_wait3A_164 = arith.constant 0 : i32
    %dma_wait3A_165 = tpu.memref_slice %arg5[%dma_wait3A_159, %dma_wait3A_164] : memref<13x128xi32, #tpu.memory_space<vmem>> -> memref<1x128xi32, #tpu.memory_space<vmem>>
    %dma_wait3A_166 = tpu.memref_squeeze %dma_wait3A_165 : memref<1x128xi32, #tpu.memory_space<vmem>> -> memref<128xi32, #tpu.memory_space<vmem>>
    %dma_wait3A_167 = arith.constant 0 : i32
    %dma_wait3A_168 = tpu.memref_slice %arg2[%dma_wait3A_167] : memref<8257536xf32, #tpu.memory_space<hbm>> -> memref<8257536xf32, #tpu.memory_space<hbm>>
    tpu.wait_indirect_dma semaphore(%arg7 : memref<!tpu.dma_semaphore, #tpu.memory_space<semaphore_mem>>) src(%dma_wait3A_168 : memref<8257536xf32, #tpu.memory_space<hbm>>) dst(%dma_wait3A_163 : memref<128xf32, #tpu.memory_space<vmem>>)
    %dma_wait3A_169 = arith.constant 4 : i32
    %dma_wait3A_170 = arith.constant 4 : i32
    %dma_wait3A_171 = arith.constant 0 : i32
    %dma_wait3A_172 = tpu.memref_slice %arg6[%dma_wait3A_170, %dma_wait3A_171] : memref<13x128xf32, #tpu.memory_space<vmem>> -> memref<1x128xf32, #tpu.memory_space<vmem>>
    %dma_wait3A_173 = tpu.memref_squeeze %dma_wait3A_172 : memref<1x128xf32, #tpu.memory_space<vmem>> -> memref<128xf32, #tpu.memory_space<vmem>>
    %dma_wait3A_174 = arith.constant 0 : i32
    %dma_wait3A_175 = tpu.memref_slice %arg5[%dma_wait3A_169, %dma_wait3A_174] : memref<13x128xi32, #tpu.memory_space<vmem>> -> memref<1x128xi32, #tpu.memory_space<vmem>>
    %dma_wait3A_176 = tpu.memref_squeeze %dma_wait3A_175 : memref<1x128xi32, #tpu.memory_space<vmem>> -> memref<128xi32, #tpu.memory_space<vmem>>
    %dma_wait3A_177 = arith.constant 0 : i32
    %dma_wait3A_178 = tpu.memref_slice %arg2[%dma_wait3A_177] : memref<8257536xf32, #tpu.memory_space<hbm>> -> memref<8257536xf32, #tpu.memory_space<hbm>>
    tpu.wait_indirect_dma semaphore(%arg7 : memref<!tpu.dma_semaphore, #tpu.memory_space<semaphore_mem>>) src(%dma_wait3A_178 : memref<8257536xf32, #tpu.memory_space<hbm>>) dst(%dma_wait3A_173 : memref<128xf32, #tpu.memory_space<vmem>>)
    %dma_wait3A_179 = arith.constant 5 : i32
    %dma_wait3A_180 = arith.constant 5 : i32
    %dma_wait3A_181 = arith.constant 0 : i32
    %dma_wait3A_182 = tpu.memref_slice %arg6[%dma_wait3A_180, %dma_wait3A_181] : memref<13x128xf32, #tpu.memory_space<vmem>> -> memref<1x128xf32, #tpu.memory_space<vmem>>
    %dma_wait3A_183 = tpu.memref_squeeze %dma_wait3A_182 : memref<1x128xf32, #tpu.memory_space<vmem>> -> memref<128xf32, #tpu.memory_space<vmem>>
    %dma_wait3A_184 = arith.constant 0 : i32
    %dma_wait3A_185 = tpu.memref_slice %arg5[%dma_wait3A_179, %dma_wait3A_184] : memref<13x128xi32, #tpu.memory_space<vmem>> -> memref<1x128xi32, #tpu.memory_space<vmem>>
    %dma_wait3A_186 = tpu.memref_squeeze %dma_wait3A_185 : memref<1x128xi32, #tpu.memory_space<vmem>> -> memref<128xi32, #tpu.memory_space<vmem>>
    %dma_wait3A_187 = arith.constant 0 : i32
    %dma_wait3A_188 = tpu.memref_slice %arg2[%dma_wait3A_187] : memref<8257536xf32, #tpu.memory_space<hbm>> -> memref<8257536xf32, #tpu.memory_space<hbm>>
    tpu.wait_indirect_dma semaphore(%arg7 : memref<!tpu.dma_semaphore, #tpu.memory_space<semaphore_mem>>) src(%dma_wait3A_188 : memref<8257536xf32, #tpu.memory_space<hbm>>) dst(%dma_wait3A_183 : memref<128xf32, #tpu.memory_space<vmem>>)
    %dma_wait3A_189 = arith.constant 6 : i32
    %dma_wait3A_190 = arith.constant 6 : i32
    %dma_wait3A_191 = arith.constant 0 : i32
    %dma_wait3A_192 = tpu.memref_slice %arg6[%dma_wait3A_190, %dma_wait3A_191] : memref<13x128xf32, #tpu.memory_space<vmem>> -> memref<1x128xf32, #tpu.memory_space<vmem>>
    %dma_wait3A_193 = tpu.memref_squeeze %dma_wait3A_192 : memref<1x128xf32, #tpu.memory_space<vmem>> -> memref<128xf32, #tpu.memory_space<vmem>>
    %dma_wait3A_194 = arith.constant 0 : i32
    %dma_wait3A_195 = tpu.memref_slice %arg5[%dma_wait3A_189, %dma_wait3A_194] : memref<13x128xi32, #tpu.memory_space<vmem>> -> memref<1x128xi32, #tpu.memory_space<vmem>>
    %dma_wait3A_196 = tpu.memref_squeeze %dma_wait3A_195 : memref<1x128xi32, #tpu.memory_space<vmem>> -> memref<128xi32, #tpu.memory_space<vmem>>
    %dma_wait3A_197 = arith.constant 0 : i32
    %dma_wait3A_198 = tpu.memref_slice %arg2[%dma_wait3A_197] : memref<8257536xf32, #tpu.memory_space<hbm>> -> memref<8257536xf32, #tpu.memory_space<hbm>>
    tpu.wait_indirect_dma semaphore(%arg7 : memref<!tpu.dma_semaphore, #tpu.memory_space<semaphore_mem>>) src(%dma_wait3A_198 : memref<8257536xf32, #tpu.memory_space<hbm>>) dst(%dma_wait3A_193 : memref<128xf32, #tpu.memory_space<vmem>>)
    %dma_wait3A_199 = arith.constant 7 : i32
    %dma_wait3A_200 = arith.constant 7 : i32
    %dma_wait3A_201 = arith.constant 0 : i32
    %dma_wait3A_202 = tpu.memref_slice %arg6[%dma_wait3A_200, %dma_wait3A_201] : memref<13x128xf32, #tpu.memory_space<vmem>> -> memref<1x128xf32, #tpu.memory_space<vmem>>
    %dma_wait3A_203 = tpu.memref_squeeze %dma_wait3A_202 : memref<1x128xf32, #tpu.memory_space<vmem>> -> memref<128xf32, #tpu.memory_space<vmem>>
    %dma_wait3A_204 = arith.constant 0 : i32
    %dma_wait3A_205 = tpu.memref_slice %arg5[%dma_wait3A_199, %dma_wait3A_204] : memref<13x128xi32, #tpu.memory_space<vmem>> -> memref<1x128xi32, #tpu.memory_space<vmem>>
    %dma_wait3A_206 = tpu.memref_squeeze %dma_wait3A_205 : memref<1x128xi32, #tpu.memory_space<vmem>> -> memref<128xi32, #tpu.memory_space<vmem>>
    %dma_wait3A_207 = arith.constant 0 : i32
    %dma_wait3A_208 = tpu.memref_slice %arg2[%dma_wait3A_207] : memref<8257536xf32, #tpu.memory_space<hbm>> -> memref<8257536xf32, #tpu.memory_space<hbm>>
    tpu.wait_indirect_dma semaphore(%arg7 : memref<!tpu.dma_semaphore, #tpu.memory_space<semaphore_mem>>) src(%dma_wait3A_208 : memref<8257536xf32, #tpu.memory_space<hbm>>) dst(%dma_wait3A_203 : memref<128xf32, #tpu.memory_space<vmem>>)
    %dma_wait3A_209 = arith.constant 8 : i32
    %dma_wait3A_210 = arith.constant 8 : i32
    %dma_wait3A_211 = arith.constant 0 : i32
    %dma_wait3A_212 = tpu.memref_slice %arg6[%dma_wait3A_210, %dma_wait3A_211] : memref<13x128xf32, #tpu.memory_space<vmem>> -> memref<1x128xf32, #tpu.memory_space<vmem>>
    %dma_wait3A_213 = tpu.memref_squeeze %dma_wait3A_212 : memref<1x128xf32, #tpu.memory_space<vmem>> -> memref<128xf32, #tpu.memory_space<vmem>>
    %dma_wait3A_214 = arith.constant 0 : i32
    %dma_wait3A_215 = tpu.memref_slice %arg5[%dma_wait3A_209, %dma_wait3A_214] : memref<13x128xi32, #tpu.memory_space<vmem>> -> memref<1x128xi32, #tpu.memory_space<vmem>>
    %dma_wait3A_216 = tpu.memref_squeeze %dma_wait3A_215 : memref<1x128xi32, #tpu.memory_space<vmem>> -> memref<128xi32, #tpu.memory_space<vmem>>
    %dma_wait3A_217 = arith.constant 0 : i32
    %dma_wait3A_218 = tpu.memref_slice %arg2[%dma_wait3A_217] : memref<8257536xf32, #tpu.memory_space<hbm>> -> memref<8257536xf32, #tpu.memory_space<hbm>>
    tpu.wait_indirect_dma semaphore(%arg7 : memref<!tpu.dma_semaphore, #tpu.memory_space<semaphore_mem>>) src(%dma_wait3A_218 : memref<8257536xf32, #tpu.memory_space<hbm>>) dst(%dma_wait3A_213 : memref<128xf32, #tpu.memory_space<vmem>>)
    %dma_wait3A_219 = arith.constant 9 : i32
    %dma_wait3A_220 = arith.constant 9 : i32
    %dma_wait3A_221 = arith.constant 0 : i32
    %dma_wait3A_222 = tpu.memref_slice %arg6[%dma_wait3A_220, %dma_wait3A_221] : memref<13x128xf32, #tpu.memory_space<vmem>> -> memref<1x128xf32, #tpu.memory_space<vmem>>
    %dma_wait3A_223 = tpu.memref_squeeze %dma_wait3A_222 : memref<1x128xf32, #tpu.memory_space<vmem>> -> memref<128xf32, #tpu.memory_space<vmem>>
    %dma_wait3A_224 = arith.constant 0 : i32
    %dma_wait3A_225 = tpu.memref_slice %arg5[%dma_wait3A_219, %dma_wait3A_224] : memref<13x128xi32, #tpu.memory_space<vmem>> -> memref<1x128xi32, #tpu.memory_space<vmem>>
    %dma_wait3A_226 = tpu.memref_squeeze %dma_wait3A_225 : memref<1x128xi32, #tpu.memory_space<vmem>> -> memref<128xi32, #tpu.memory_space<vmem>>
    %dma_wait3A_227 = arith.constant 0 : i32
    %dma_wait3A_228 = tpu.memref_slice %arg2[%dma_wait3A_227] : memref<8257536xf32, #tpu.memory_space<hbm>> -> memref<8257536xf32, #tpu.memory_space<hbm>>
    tpu.wait_indirect_dma semaphore(%arg7 : memref<!tpu.dma_semaphore, #tpu.memory_space<semaphore_mem>>) src(%dma_wait3A_228 : memref<8257536xf32, #tpu.memory_space<hbm>>) dst(%dma_wait3A_223 : memref<128xf32, #tpu.memory_space<vmem>>)
    %dma_wait3A_229 = arith.constant 10 : i32
    %dma_wait3A_230 = arith.constant 10 : i32
    %dma_wait3A_231 = arith.constant 0 : i32
    %dma_wait3A_232 = tpu.memref_slice %arg6[%dma_wait3A_230, %dma_wait3A_231] : memref<13x128xf32, #tpu.memory_space<vmem>> -> memref<1x128xf32, #tpu.memory_space<vmem>>
    %dma_wait3A_233 = tpu.memref_squeeze %dma_wait3A_232 : memref<1x128xf32, #tpu.memory_space<vmem>> -> memref<128xf32, #tpu.memory_space<vmem>>
    %dma_wait3A_234 = arith.constant 0 : i32
    %dma_wait3A_235 = tpu.memref_slice %arg5[%dma_wait3A_229, %dma_wait3A_234] : memref<13x128xi32, #tpu.memory_space<vmem>> -> memref<1x128xi32, #tpu.memory_space<vmem>>
    %dma_wait3A_236 = tpu.memref_squeeze %dma_wait3A_235 : memref<1x128xi32, #tpu.memory_space<vmem>> -> memref<128xi32, #tpu.memory_space<vmem>>
    %dma_wait3A_237 = arith.constant 0 : i32
    %dma_wait3A_238 = tpu.memref_slice %arg2[%dma_wait3A_237] : memref<8257536xf32, #tpu.memory_space<hbm>> -> memref<8257536xf32, #tpu.memory_space<hbm>>
    tpu.wait_indirect_dma semaphore(%arg7 : memref<!tpu.dma_semaphore, #tpu.memory_space<semaphore_mem>>) src(%dma_wait3A_238 : memref<8257536xf32, #tpu.memory_space<hbm>>) dst(%dma_wait3A_233 : memref<128xf32, #tpu.memory_space<vmem>>)
    %dma_wait3A_239 = arith.constant 11 : i32
    %dma_wait3A_240 = arith.constant 11 : i32
    %dma_wait3A_241 = arith.constant 0 : i32
    %dma_wait3A_242 = tpu.memref_slice %arg6[%dma_wait3A_240, %dma_wait3A_241] : memref<13x128xf32, #tpu.memory_space<vmem>> -> memref<1x128xf32, #tpu.memory_space<vmem>>
    %dma_wait3A_243 = tpu.memref_squeeze %dma_wait3A_242 : memref<1x128xf32, #tpu.memory_space<vmem>> -> memref<128xf32, #tpu.memory_space<vmem>>
    %dma_wait3A_244 = arith.constant 0 : i32
    %dma_wait3A_245 = tpu.memref_slice %arg5[%dma_wait3A_239, %dma_wait3A_244] : memref<13x128xi32, #tpu.memory_space<vmem>> -> memref<1x128xi32, #tpu.memory_space<vmem>>
    %dma_wait3A_246 = tpu.memref_squeeze %dma_wait3A_245 : memref<1x128xi32, #tpu.memory_space<vmem>> -> memref<128xi32, #tpu.memory_space<vmem>>
    %dma_wait3A_247 = arith.constant 0 : i32
    %dma_wait3A_248 = tpu.memref_slice %arg2[%dma_wait3A_247] : memref<8257536xf32, #tpu.memory_space<hbm>> -> memref<8257536xf32, #tpu.memory_space<hbm>>
    tpu.wait_indirect_dma semaphore(%arg7 : memref<!tpu.dma_semaphore, #tpu.memory_space<semaphore_mem>>) src(%dma_wait3A_248 : memref<8257536xf32, #tpu.memory_space<hbm>>) dst(%dma_wait3A_243 : memref<128xf32, #tpu.memory_space<vmem>>)
    %dma_wait3A_249 = arith.constant 12 : i32
    %dma_wait3A_250 = arith.constant 12 : i32
    %dma_wait3A_251 = arith.constant 0 : i32
    %dma_wait3A_252 = tpu.memref_slice %arg6[%dma_wait3A_250, %dma_wait3A_251] : memref<13x128xf32, #tpu.memory_space<vmem>> -> memref<1x128xf32, #tpu.memory_space<vmem>>
    %dma_wait3A_253 = tpu.memref_squeeze %dma_wait3A_252 : memref<1x128xf32, #tpu.memory_space<vmem>> -> memref<128xf32, #tpu.memory_space<vmem>>
    %dma_wait3A_254 = arith.constant 0 : i32
    %dma_wait3A_255 = tpu.memref_slice %arg5[%dma_wait3A_249, %dma_wait3A_254] : memref<13x128xi32, #tpu.memory_space<vmem>> -> memref<1x128xi32, #tpu.memory_space<vmem>>
    %dma_wait3A_256 = tpu.memref_squeeze %dma_wait3A_255 : memref<1x128xi32, #tpu.memory_space<vmem>> -> memref<128xi32, #tpu.memory_space<vmem>>
    %dma_wait3A_257 = arith.constant 0 : i32
    %dma_wait3A_258 = tpu.memref_slice %arg2[%dma_wait3A_257] : memref<8257536xf32, #tpu.memory_space<hbm>> -> memref<8257536xf32, #tpu.memory_space<hbm>>
    tpu.wait_indirect_dma semaphore(%arg7 : memref<!tpu.dma_semaphore, #tpu.memory_space<semaphore_mem>>) src(%dma_wait3A_258 : memref<8257536xf32, #tpu.memory_space<hbm>>) dst(%dma_wait3A_253 : memref<128xf32, #tpu.memory_space<vmem>>)
    "tpu.region"() ({
      %run_scoped3A = tpu.sem_alloc : memref<!tpu.dma_semaphore, #tpu.memory_space<semaphore_mem>>
      %dma_start3A_259 = arith.constant 0 : i32
      %dma_start3A_260 = arith.constant 0 : i32
      %dma_start3A_261 = tpu.memref_slice %arg4[%add3A, %dma_start3A_259, %dma_start3A_260] : memref<32x13x128xf32, #tpu.memory_space<hbm>> -> memref<1x13x128xf32, #tpu.memory_space<hbm>>
      %dma_start3A_262 = tpu.memref_squeeze %dma_start3A_261 : memref<1x13x128xf32, #tpu.memory_space<hbm>> -> memref<13x128xf32, #tpu.memory_space<hbm>>
      %dma_start3A_263 = arith.constant 0 : i32
      %dma_start3A_264 = arith.constant 0 : i32
      %dma_start3A_265 = tpu.memref_slice %arg4[%add3A, %dma_start3A_263, %dma_start3A_264] : memref<32x13x128xf32, #tpu.memory_space<hbm>> -> memref<1x13x128xf32, #tpu.memory_space<hbm>>
      %dma_start3A_266 = tpu.memref_squeeze %dma_start3A_265 : memref<1x13x128xf32, #tpu.memory_space<hbm>> -> memref<13x128xf32, #tpu.memory_space<hbm>>
      tpu.enqueue_dma source(%arg6 : memref<13x128xf32, #tpu.memory_space<vmem>>) target(%dma_start3A_266 : memref<13x128xf32, #tpu.memory_space<hbm>>) target_semaphore(%run_scoped3A : memref<!tpu.dma_semaphore, #tpu.memory_space<semaphore_mem>>)
      %dma_wait3A_267 = arith.constant 0 : i32
      %dma_wait3A_268 = arith.constant 0 : i32
      %dma_wait3A_269 = tpu.memref_slice %arg4[%add3A, %dma_wait3A_267, %dma_wait3A_268] : memref<32x13x128xf32, #tpu.memory_space<hbm>> -> memref<1x13x128xf32, #tpu.memory_space<hbm>>
      %dma_wait3A_270 = tpu.memref_squeeze %dma_wait3A_269 : memref<1x13x128xf32, #tpu.memory_space<hbm>> -> memref<13x128xf32, #tpu.memory_space<hbm>>
      %dma_wait3A_271 = arith.constant 0 : i32
      %dma_wait3A_272 = arith.constant 0 : i32
      %dma_wait3A_273 = tpu.memref_slice %arg4[%add3A, %dma_wait3A_271, %dma_wait3A_272] : memref<32x13x128xf32, #tpu.memory_space<hbm>> -> memref<1x13x128xf32, #tpu.memory_space<hbm>>
      %dma_wait3A_274 = tpu.memref_squeeze %dma_wait3A_273 : memref<1x13x128xf32, #tpu.memory_space<hbm>> -> memref<13x128xf32, #tpu.memory_space<hbm>>
      tpu.wait_dma2 semaphore(%run_scoped3A : memref<!tpu.dma_semaphore, #tpu.memory_space<semaphore_mem>>) src(%arg6 : memref<13x128xf32, #tpu.memory_space<vmem>>) dst(%dma_wait3A_274 : memref<13x128xf32, #tpu.memory_space<hbm>>)
      tpu.yield
    }) : () -> ()
    return
  }
}

module attributes {stable_mosaic.version = 14 : i64} {
  func.func @_idx_body(%arg0: memref<5x32x50xf32, #tpu.memory_space<vmem>>, %arg1: memref<3x11x32x50xi32, #tpu.memory_space<vmem>>, %arg2: memref<3x12x32x50xf32, #tpu.memory_space<vmem>>) attributes {dimension_semantics = [], scalar_prefetch = 0 : i64, scratch_operands = 0 : i64, tpu.core_type = #tpu.core_type<tc>} {
    %get3A = arith.constant 1 : index
    %get3A_0 = arith.constant 0 : index
    %get3A_1 = arith.constant 0 : index
    %get3A_2 = vector.load %arg0[%get3A, %get3A_0, %get3A_1] : memref<5x32x50xf32, #tpu.memory_space<vmem>>, vector<1x32x50xf32>
    %get3A_3 = vector.shape_cast %get3A_2 : vector<1x32x50xf32> to vector<32x50xf32>
    %get3A_4 = arith.constant 2 : index
    %get3A_5 = arith.constant 0 : index
    %get3A_6 = arith.constant 0 : index
    %get3A_7 = vector.load %arg0[%get3A_4, %get3A_5, %get3A_6] : memref<5x32x50xf32, #tpu.memory_space<vmem>>, vector<1x32x50xf32>
    %get3A_8 = vector.shape_cast %get3A_7 : vector<1x32x50xf32> to vector<32x50xf32>
    %get3A_9 = arith.constant 3 : index
    %get3A_10 = arith.constant 0 : index
    %get3A_11 = arith.constant 0 : index
    %get3A_12 = vector.load %arg0[%get3A_9, %get3A_10, %get3A_11] : memref<5x32x50xf32, #tpu.memory_space<vmem>>, vector<1x32x50xf32>
    %get3A_13 = vector.shape_cast %get3A_12 : vector<1x32x50xf32> to vector<32x50xf32>
    %get3A_14 = arith.constant 4 : index
    %get3A_15 = arith.constant 0 : index
    %get3A_16 = arith.constant 0 : index
    %get3A_17 = vector.load %arg0[%get3A_14, %get3A_15, %get3A_16] : memref<5x32x50xf32, #tpu.memory_space<vmem>>, vector<1x32x50xf32>
    %get3A_18 = vector.shape_cast %get3A_17 : vector<1x32x50xf32> to vector<32x50xf32>
    %gt3A = arith.constant 0.000000e+00 : f32
    %gt3A_19 = vector.broadcast %gt3A : f32 to vector<32x50xf32>
    %gt3A_20 = arith.cmpf ogt, %get3A_13, %gt3A_19 : vector<32x50xf32>
    %mul3A = arith.constant 8.320000e+02 : f32
    %mul3A_21 = vector.broadcast %mul3A : f32 to vector<32x50xf32>
    %mul3A_22 = arith.mulf %get3A_13, %mul3A_21 : vector<32x50xf32>
    %mul3A_23 = arith.constant 8.320000e+02 : f32
    %mul3A_24 = vector.broadcast %mul3A_23 : f32 to vector<32x50xf32>
    %mul3A_25 = arith.mulf %get3A_18, %mul3A_24 : vector<32x50xf32>
    %iota3A = tpu.iota {dimensions = array<i32: 0>} : vector<32x50xi32>
    %jit3A = arith.constant 4 : i32
    %div3A = vector.broadcast %jit3A : i32 to vector<32x50xi32>
    %div3A_26 = arith.divsi %iota3A, %div3A : vector<32x50xi32>
    %sign3A = arith.constant 0 : i32
    %sign3A_27 = vector.broadcast %sign3A : i32 to vector<32x50xi32>
    %sign3A_28 = arith.cmpi sgt, %iota3A, %sign3A_27 : vector<32x50xi32>
    %sign3A_29 = arith.extui %sign3A_28 : vector<32x50xi1> to vector<32x50xi32>
    %sign3A_30 = arith.constant 0 : i32
    %sign3A_31 = vector.broadcast %sign3A_30 : i32 to vector<32x50xi32>
    %sign3A_32 = arith.cmpi slt, %iota3A, %sign3A_31 : vector<32x50xi32>
    %sign3A_33 = arith.extui %sign3A_32 : vector<32x50xi1> to vector<32x50xi32>
    %sign3A_34 = arith.subi %sign3A_29, %sign3A_33 : vector<32x50xi32>
    %sign3A_35 = arith.constant 0 : i32
    %sign3A_36 = arith.cmpi sgt, %jit3A, %sign3A_35 : i32
    %sign3A_37 = arith.extui %sign3A_36 : i1 to i32
    %sign3A_38 = arith.constant 0 : i32
    %sign3A_39 = arith.cmpi slt, %jit3A, %sign3A_38 : i32
    %sign3A_40 = arith.extui %sign3A_39 : i1 to i32
    %sign3A_41 = arith.subi %sign3A_37, %sign3A_40 : i32
    %ne3A = vector.broadcast %sign3A_41 : i32 to vector<32x50xi32>
    %ne3A_42 = arith.cmpi ne, %sign3A_34, %ne3A : vector<32x50xi32>
    %rem3A = vector.broadcast %jit3A : i32 to vector<32x50xi32>
    %rem3A_43 = arith.remsi %iota3A, %rem3A : vector<32x50xi32>
    %ne3A_44 = arith.constant 0 : i32
    %ne3A_45 = vector.broadcast %ne3A_44 : i32 to vector<32x50xi32>
    %ne3A_46 = arith.cmpi ne, %rem3A_43, %ne3A_45 : vector<32x50xi32>
    %and3A = arith.andi %ne3A_42, %ne3A_46 : vector<32x50xi1>
    %sub3A = arith.constant 1 : i32
    %sub3A_47 = vector.broadcast %sub3A : i32 to vector<32x50xi32>
    %sub3A_48 = arith.subi %div3A_26, %sub3A_47 : vector<32x50xi32>
    %select_n3A = arith.select %and3A, %sub3A_48, %div3A_26 : vector<32x50xi1>, vector<32x50xi32>
    %mul3A_49 = arith.constant 4 : i32
    %mul3A_50 = vector.broadcast %mul3A_49 : i32 to vector<32x50xi32>
    %mul3A_51 = arith.muli %select_n3A, %mul3A_50 : vector<32x50xi32>
    %iota3A_52 = tpu.iota {dimensions = array<i32: 0>} : vector<50x50xi32>
    %iota3A_53 = tpu.iota {dimensions = array<i32: 1>} : vector<50x50xi32>
    %lt3A = arith.cmpi slt, %iota3A_53, %iota3A_52 : vector<50x50xi32>
    %broadcast_in_dim3A = vector.shape_cast %lt3A : vector<50x50xi1> to vector<1x50x50xi1>
    %min3A = arith.constant 1.160000e+02 : f32
    %min3A_54 = vector.broadcast %min3A : f32 to vector<32x50xf32>
    %min3A_55 = arith.minimumf %mul3A_22, %min3A_54 : vector<32x50xf32>
    %min3A_56 = arith.constant 9.000000e+01 : f32
    %min3A_57 = vector.broadcast %min3A_56 : f32 to vector<32x50xf32>
    %min3A_58 = arith.minimumf %mul3A_25, %min3A_57 : vector<32x50xf32>
    %mul3A_59 = arith.mulf %min3A_55, %min3A_58 : vector<32x50xf32>
    %mul3A_60 = arith.mulf %mul3A_22, %mul3A_25 : vector<32x50xf32>
    %add3A = arith.constant 1.044000e+04 : f32
    %add3A_61 = vector.broadcast %add3A : f32 to vector<32x50xf32>
    %add3A_62 = arith.addf %mul3A_60, %add3A_61 : vector<32x50xf32>
    %sub3A_63 = arith.subf %add3A_62, %mul3A_59 : vector<32x50xf32>
    %add3A_64 = arith.constant 1.000000e-16 : f32
    %add3A_65 = vector.broadcast %add3A_64 : f32 to vector<32x50xf32>
    %add3A_66 = arith.addf %sub3A_63, %add3A_65 : vector<32x50xf32>
    %div3A_67 = arith.divf %mul3A_59, %add3A_66 : vector<32x50xf32>
    %min3A_68 = arith.constant 1.560000e+02 : f32
    %min3A_69 = vector.broadcast %min3A_68 : f32 to vector<32x50xf32>
    %min3A_70 = arith.minimumf %mul3A_22, %min3A_69 : vector<32x50xf32>
    %min3A_71 = arith.constant 1.980000e+02 : f32
    %min3A_72 = vector.broadcast %min3A_71 : f32 to vector<32x50xf32>
    %min3A_73 = arith.minimumf %mul3A_25, %min3A_72 : vector<32x50xf32>
    %mul3A_74 = arith.mulf %min3A_70, %min3A_73 : vector<32x50xf32>
    %mul3A_75 = arith.mulf %mul3A_22, %mul3A_25 : vector<32x50xf32>
    %add3A_76 = arith.constant 3.088800e+04 : f32
    %add3A_77 = vector.broadcast %add3A_76 : f32 to vector<32x50xf32>
    %add3A_78 = arith.addf %mul3A_75, %add3A_77 : vector<32x50xf32>
    %sub3A_79 = arith.subf %add3A_78, %mul3A_74 : vector<32x50xf32>
    %add3A_80 = arith.constant 1.000000e-16 : f32
    %add3A_81 = vector.broadcast %add3A_80 : f32 to vector<32x50xf32>
    %add3A_82 = arith.addf %sub3A_79, %add3A_81 : vector<32x50xf32>
    %div3A_83 = arith.divf %mul3A_74, %add3A_82 : vector<32x50xf32>
    %min3A_84 = arith.constant 3.730000e+02 : f32
    %min3A_85 = vector.broadcast %min3A_84 : f32 to vector<32x50xf32>
    %min3A_86 = arith.minimumf %mul3A_22, %min3A_85 : vector<32x50xf32>
    %min3A_87 = arith.constant 3.260000e+02 : f32
    %min3A_88 = vector.broadcast %min3A_87 : f32 to vector<32x50xf32>
    %min3A_89 = arith.minimumf %mul3A_25, %min3A_88 : vector<32x50xf32>
    %mul3A_90 = arith.mulf %min3A_86, %min3A_89 : vector<32x50xf32>
    %mul3A_91 = arith.mulf %mul3A_22, %mul3A_25 : vector<32x50xf32>
    %add3A_92 = arith.constant 1.215980e+05 : f32
    %add3A_93 = vector.broadcast %add3A_92 : f32 to vector<32x50xf32>
    %add3A_94 = arith.addf %mul3A_91, %add3A_93 : vector<32x50xf32>
    %sub3A_95 = arith.subf %add3A_94, %mul3A_90 : vector<32x50xf32>
    %add3A_96 = arith.constant 1.000000e-16 : f32
    %add3A_97 = vector.broadcast %add3A_96 : f32 to vector<32x50xf32>
    %add3A_98 = arith.addf %sub3A_95, %add3A_97 : vector<32x50xf32>
    %div3A_99 = arith.divf %mul3A_90, %add3A_98 : vector<32x50xf32>
    %ge3A = arith.cmpf oge, %div3A_67, %div3A_83 : vector<32x50xf32>
    %ge3A_100 = arith.cmpf oge, %div3A_67, %div3A_99 : vector<32x50xf32>
    %jit3A_101 = arith.constant 0 : i32
    %jit3A_102 = arith.constant 2 : i32
    %broadcast_in_dim3A_103 = vector.broadcast %jit3A_101 : i32 to vector<32x50xi32>
    %broadcast_in_dim3A_104 = vector.broadcast %jit3A_102 : i32 to vector<32x50xi32>
    %select_n3A_105 = arith.select %ge3A_100, %broadcast_in_dim3A_103, %broadcast_in_dim3A_104 : vector<32x50xi1>, vector<32x50xi32>
    %ge3A_106 = arith.cmpf oge, %div3A_83, %div3A_99 : vector<32x50xf32>
    %jit3A_107 = arith.constant 1 : i32
    %jit3A_108 = arith.constant 2 : i32
    %broadcast_in_dim3A_109 = vector.broadcast %jit3A_107 : i32 to vector<32x50xi32>
    %broadcast_in_dim3A_110 = vector.broadcast %jit3A_108 : i32 to vector<32x50xi32>
    %select_n3A_111 = arith.select %ge3A_106, %broadcast_in_dim3A_109, %broadcast_in_dim3A_110 : vector<32x50xi1>, vector<32x50xi32>
    %select_n3A_112 = arith.select %ge3A, %select_n3A_105, %select_n3A_111 : vector<32x50xi1>, vector<32x50xi32>
    %mul3A_113 = arith.constant 2.600000e+01 : f32
    %mul3A_114 = vector.broadcast %mul3A_113 : f32 to vector<32x50xf32>
    %mul3A_115 = arith.mulf %get3A_3, %mul3A_114 : vector<32x50xf32>
    %mul3A_116 = arith.constant 2.600000e+01 : f32
    %mul3A_117 = vector.broadcast %mul3A_116 : f32 to vector<32x50xf32>
    %mul3A_118 = arith.mulf %get3A_8, %mul3A_117 : vector<32x50xf32>
    %floor3A = math.floor %mul3A_115 : vector<32x50xf32>
    %floor3A_119 = math.floor %mul3A_118 : vector<32x50xf32>
    %jit3A_120 = arith.constant 0.000000e+00 : f32
    %jit3A_121 = arith.constant 2.500000e+01 : f32
    %max3A = vector.broadcast %jit3A_120 : f32 to vector<32x50xf32>
    %max3A_122 = arith.maximumf %max3A, %floor3A : vector<32x50xf32>
    %min3A_123 = vector.broadcast %jit3A_121 : f32 to vector<32x50xf32>
    %min3A_124 = arith.minimumf %min3A_123, %max3A_122 : vector<32x50xf32>
    %convert_element_type3A = arith.fptosi %min3A_124 : vector<32x50xf32> to vector<32x50xi32>
    %jit3A_125 = arith.constant 0.000000e+00 : f32
    %jit3A_126 = arith.constant 2.500000e+01 : f32
    %max3A_127 = vector.broadcast %jit3A_125 : f32 to vector<32x50xf32>
    %max3A_128 = arith.maximumf %max3A_127, %floor3A_119 : vector<32x50xf32>
    %min3A_129 = vector.broadcast %jit3A_126 : f32 to vector<32x50xf32>
    %min3A_130 = arith.minimumf %min3A_129, %max3A_128 : vector<32x50xf32>
    %convert_element_type3A_131 = arith.fptosi %min3A_130 : vector<32x50xf32> to vector<32x50xi32>
    %mul3A_132 = arith.constant 26 : i32
    %mul3A_133 = vector.broadcast %mul3A_132 : i32 to vector<32x50xi32>
    %mul3A_134 = arith.muli %convert_element_type3A_131, %mul3A_133 : vector<32x50xi32>
    %add3A_135 = arith.addi %mul3A_134, %convert_element_type3A : vector<32x50xi32>
    %add3A_136 = arith.constant 0 : i32
    %add3A_137 = vector.broadcast %add3A_136 : i32 to vector<32x50xi32>
    %add3A_138 = arith.addi %add3A_137, %add3A_135 : vector<32x50xi32>
    %mul3A_139 = arith.constant 676 : i32
    %mul3A_140 = vector.broadcast %mul3A_139 : i32 to vector<32x50xi32>
    %mul3A_141 = arith.muli %select_n3A_112, %mul3A_140 : vector<32x50xi32>
    %add3A_142 = arith.addi %mul3A_141, %add3A_135 : vector<32x50xi32>
    %eq3A = arith.constant 0 : i32
    %eq3A_143 = vector.broadcast %eq3A : i32 to vector<32x50xi32>
    %eq3A_144 = arith.cmpi eq, %select_n3A_112, %eq3A_143 : vector<32x50xi32>
    %eq3A_145 = arith.constant 1 : i32
    %eq3A_146 = vector.broadcast %eq3A_145 : i32 to vector<32x50xi32>
    %eq3A_147 = arith.cmpi eq, %select_n3A_112, %eq3A_146 : vector<32x50xi32>
    %jit3A_148 = arith.constant 1.560000e+02 : f32
    %jit3A_149 = arith.constant 3.730000e+02 : f32
    %broadcast_in_dim3A_150 = vector.broadcast %jit3A_148 : f32 to vector<32x50xf32>
    %broadcast_in_dim3A_151 = vector.broadcast %jit3A_149 : f32 to vector<32x50xf32>
    %select_n3A_152 = arith.select %eq3A_147, %broadcast_in_dim3A_150, %broadcast_in_dim3A_151 : vector<32x50xi1>, vector<32x50xf32>
    %jit3A_153 = arith.constant 1.160000e+02 : f32
    %broadcast_in_dim3A_154 = vector.broadcast %jit3A_153 : f32 to vector<32x50xf32>
    %select_n3A_155 = arith.select %eq3A_144, %broadcast_in_dim3A_154, %select_n3A_152 : vector<32x50xi1>, vector<32x50xf32>
    %eq3A_156 = arith.constant 0 : i32
    %eq3A_157 = vector.broadcast %eq3A_156 : i32 to vector<32x50xi32>
    %eq3A_158 = arith.cmpi eq, %select_n3A_112, %eq3A_157 : vector<32x50xi32>
    %eq3A_159 = arith.constant 1 : i32
    %eq3A_160 = vector.broadcast %eq3A_159 : i32 to vector<32x50xi32>
    %eq3A_161 = arith.cmpi eq, %select_n3A_112, %eq3A_160 : vector<32x50xi32>
    %jit3A_162 = arith.constant 1.980000e+02 : f32
    %jit3A_163 = arith.constant 3.260000e+02 : f32
    %broadcast_in_dim3A_164 = vector.broadcast %jit3A_162 : f32 to vector<32x50xf32>
    %broadcast_in_dim3A_165 = vector.broadcast %jit3A_163 : f32 to vector<32x50xf32>
    %select_n3A_166 = arith.select %eq3A_161, %broadcast_in_dim3A_164, %broadcast_in_dim3A_165 : vector<32x50xi1>, vector<32x50xf32>
    %jit3A_167 = arith.constant 9.000000e+01 : f32
    %broadcast_in_dim3A_168 = vector.broadcast %jit3A_167 : f32 to vector<32x50xf32>
    %select_n3A_169 = arith.select %eq3A_158, %broadcast_in_dim3A_168, %select_n3A_166 : vector<32x50xi1>, vector<32x50xf32>
    %broadcast_in_dim3A_170 = vector.shape_cast %add3A_142 : vector<32x50xi32> to vector<32x50x1xi32>
    %broadcast_in_dim3A_171 = vector.shape_cast %add3A_142 : vector<32x50xi32> to vector<32x1x50xi32>
    %eq3A_172 = vector.broadcast %broadcast_in_dim3A_170 : vector<32x50x1xi32> to vector<32x50x50xi32>
    %eq3A_173 = vector.broadcast %broadcast_in_dim3A_171 : vector<32x1x50xi32> to vector<32x50x50xi32>
    %eq3A_174 = arith.cmpi eq, %eq3A_172, %eq3A_173 : vector<32x50x50xi32>
    %broadcast_in_dim3A_175 = vector.shape_cast %gt3A_20 : vector<32x50xi1> to vector<32x1x50xi1>
    %and3A_176 = vector.broadcast %broadcast_in_dim3A_175 : vector<32x1x50xi1> to vector<32x50x50xi1>
    %and3A_177 = arith.andi %eq3A_174, %and3A_176 : vector<32x50x50xi1>
    %and3A_178 = vector.broadcast %broadcast_in_dim3A : vector<1x50x50xi1> to vector<32x50x50xi1>
    %and3A_179 = arith.andi %and3A_177, %and3A_178 : vector<32x50x50xi1>
    %reduce_or3A = arith.constant 1.000000e+00 : f32
    %reduce_or3A_180 = arith.constant 0.000000e+00 : f32
    %reduce_or3A_181 = vector.broadcast %reduce_or3A : f32 to vector<32x50x50xf32>
    %reduce_or3A_182 = vector.broadcast %reduce_or3A_180 : f32 to vector<32x50x50xf32>
    %reduce_or3A_183 = arith.select %and3A_179, %reduce_or3A_181, %reduce_or3A_182 : vector<32x50x50xi1>, vector<32x50x50xf32>
    %reduce_or3A_184 = arith.constant dense<0xFF800000> : vector<32x50xf32>
    %reduce_or3A_185 = vector.multi_reduction <maximumf>, %reduce_or3A_183, %reduce_or3A_184 [2] : vector<32x50x50xf32> to vector<32x50xf32>
    %reduce_or3A_186 = arith.constant 0.000000e+00 : f32
    %reduce_or3A_187 = vector.broadcast %reduce_or3A_186 : f32 to vector<32x50xf32>
    %reduce_or3A_188 = arith.cmpf ogt, %reduce_or3A_185, %reduce_or3A_187 : vector<32x50xf32>
    %not3A = arith.constant dense<true> : vector<32x50xi1>
    %not3A_189 = arith.xori %reduce_or3A_188, %not3A : vector<32x50xi1>
    %and3A_190 = arith.andi %gt3A_20, %not3A_189 : vector<32x50xi1>
    %gt3A_191 = arith.constant 5.000000e-01 : f32
    %gt3A_192 = vector.broadcast %gt3A_191 : f32 to vector<32x50xf32>
    %gt3A_193 = arith.cmpf ogt, %div3A_67, %gt3A_192 : vector<32x50xf32>
    %and3A_194 = arith.andi %gt3A_193, %gt3A_20 : vector<32x50xi1>
    %eq3A_195 = arith.constant 0 : i32
    %eq3A_196 = vector.broadcast %eq3A_195 : i32 to vector<32x50xi32>
    %eq3A_197 = arith.cmpi eq, %select_n3A_112, %eq3A_196 : vector<32x50xi32>
    %and3A_198 = arith.andi %eq3A_197, %gt3A_20 : vector<32x50xi1>
    %or3A = arith.ori %and3A_194, %and3A_198 : vector<32x50xi1>
    %gt3A_199 = arith.constant 5.000000e-01 : f32
    %gt3A_200 = vector.broadcast %gt3A_199 : f32 to vector<32x50xf32>
    %gt3A_201 = arith.cmpf ogt, %div3A_83, %gt3A_200 : vector<32x50xf32>
    %and3A_202 = arith.andi %gt3A_201, %gt3A_20 : vector<32x50xi1>
    %eq3A_203 = arith.constant 1 : i32
    %eq3A_204 = vector.broadcast %eq3A_203 : i32 to vector<32x50xi32>
    %eq3A_205 = arith.cmpi eq, %select_n3A_112, %eq3A_204 : vector<32x50xi32>
    %and3A_206 = arith.andi %eq3A_205, %gt3A_20 : vector<32x50xi1>
    %or3A_207 = arith.ori %and3A_202, %and3A_206 : vector<32x50xi1>
    %gt3A_208 = arith.constant 5.000000e-01 : f32
    %gt3A_209 = vector.broadcast %gt3A_208 : f32 to vector<32x50xf32>
    %gt3A_210 = arith.cmpf ogt, %div3A_99, %gt3A_209 : vector<32x50xf32>
    %and3A_211 = arith.andi %gt3A_210, %gt3A_20 : vector<32x50xi1>
    %eq3A_212 = arith.constant 2 : i32
    %eq3A_213 = vector.broadcast %eq3A_212 : i32 to vector<32x50xi32>
    %eq3A_214 = arith.cmpi eq, %select_n3A_112, %eq3A_213 : vector<32x50xi32>
    %and3A_215 = arith.andi %eq3A_214, %gt3A_20 : vector<32x50xi1>
    %or3A_216 = arith.ori %and3A_211, %and3A_215 : vector<32x50xi1>
    %broadcast_in_dim3A_217 = vector.shape_cast %add3A_135 : vector<32x50xi32> to vector<32x50x1xi32>
    %broadcast_in_dim3A_218 = vector.shape_cast %add3A_135 : vector<32x50xi32> to vector<32x1x50xi32>
    %eq3A_219 = vector.broadcast %broadcast_in_dim3A_217 : vector<32x50x1xi32> to vector<32x50x50xi32>
    %eq3A_220 = vector.broadcast %broadcast_in_dim3A_218 : vector<32x1x50xi32> to vector<32x50x50xi32>
    %eq3A_221 = arith.cmpi eq, %eq3A_219, %eq3A_220 : vector<32x50x50xi32>
    %broadcast_in_dim3A_222 = vector.shape_cast %or3A : vector<32x50xi1> to vector<32x1x50xi1>
    %and3A_223 = vector.broadcast %broadcast_in_dim3A_222 : vector<32x1x50xi1> to vector<32x50x50xi1>
    %and3A_224 = arith.andi %eq3A_221, %and3A_223 : vector<32x50x50xi1>
    %and3A_225 = vector.broadcast %broadcast_in_dim3A : vector<1x50x50xi1> to vector<32x50x50xi1>
    %and3A_226 = arith.andi %and3A_224, %and3A_225 : vector<32x50x50xi1>
    %reduce_or3A_227 = arith.constant 1.000000e+00 : f32
    %reduce_or3A_228 = arith.constant 0.000000e+00 : f32
    %reduce_or3A_229 = vector.broadcast %reduce_or3A_227 : f32 to vector<32x50x50xf32>
    %reduce_or3A_230 = vector.broadcast %reduce_or3A_228 : f32 to vector<32x50x50xf32>
    %reduce_or3A_231 = arith.select %and3A_226, %reduce_or3A_229, %reduce_or3A_230 : vector<32x50x50xi1>, vector<32x50x50xf32>
    %reduce_or3A_232 = arith.constant dense<0xFF800000> : vector<32x50xf32>
    %reduce_or3A_233 = vector.multi_reduction <maximumf>, %reduce_or3A_231, %reduce_or3A_232 [2] : vector<32x50x50xf32> to vector<32x50xf32>
    %reduce_or3A_234 = arith.constant 0.000000e+00 : f32
    %reduce_or3A_235 = vector.broadcast %reduce_or3A_234 : f32 to vector<32x50xf32>
    %reduce_or3A_236 = arith.cmpf ogt, %reduce_or3A_233, %reduce_or3A_235 : vector<32x50xf32>
    %not3A_237 = arith.constant dense<true> : vector<32x50xi1>
    %not3A_238 = arith.xori %reduce_or3A_236, %not3A_237 : vector<32x50xi1>
    %and3A_239 = arith.andi %or3A, %not3A_238 : vector<32x50xi1>
    %broadcast_in_dim3A_240 = vector.shape_cast %or3A_207 : vector<32x50xi1> to vector<32x1x50xi1>
    %and3A_241 = vector.broadcast %broadcast_in_dim3A_240 : vector<32x1x50xi1> to vector<32x50x50xi1>
    %and3A_242 = arith.andi %eq3A_221, %and3A_241 : vector<32x50x50xi1>
    %and3A_243 = vector.broadcast %broadcast_in_dim3A : vector<1x50x50xi1> to vector<32x50x50xi1>
    %and3A_244 = arith.andi %and3A_242, %and3A_243 : vector<32x50x50xi1>
    %reduce_or3A_245 = arith.constant 1.000000e+00 : f32
    %reduce_or3A_246 = arith.constant 0.000000e+00 : f32
    %reduce_or3A_247 = vector.broadcast %reduce_or3A_245 : f32 to vector<32x50x50xf32>
    %reduce_or3A_248 = vector.broadcast %reduce_or3A_246 : f32 to vector<32x50x50xf32>
    %reduce_or3A_249 = arith.select %and3A_244, %reduce_or3A_247, %reduce_or3A_248 : vector<32x50x50xi1>, vector<32x50x50xf32>
    %reduce_or3A_250 = arith.constant dense<0xFF800000> : vector<32x50xf32>
    %reduce_or3A_251 = vector.multi_reduction <maximumf>, %reduce_or3A_249, %reduce_or3A_250 [2] : vector<32x50x50xf32> to vector<32x50xf32>
    %reduce_or3A_252 = arith.constant 0.000000e+00 : f32
    %reduce_or3A_253 = vector.broadcast %reduce_or3A_252 : f32 to vector<32x50xf32>
    %reduce_or3A_254 = arith.cmpf ogt, %reduce_or3A_251, %reduce_or3A_253 : vector<32x50xf32>
    %not3A_255 = arith.constant dense<true> : vector<32x50xi1>
    %not3A_256 = arith.xori %reduce_or3A_254, %not3A_255 : vector<32x50xi1>
    %and3A_257 = arith.andi %or3A_207, %not3A_256 : vector<32x50xi1>
    %broadcast_in_dim3A_258 = vector.shape_cast %or3A_216 : vector<32x50xi1> to vector<32x1x50xi1>
    %and3A_259 = vector.broadcast %broadcast_in_dim3A_258 : vector<32x1x50xi1> to vector<32x50x50xi1>
    %and3A_260 = arith.andi %eq3A_221, %and3A_259 : vector<32x50x50xi1>
    %and3A_261 = vector.broadcast %broadcast_in_dim3A : vector<1x50x50xi1> to vector<32x50x50xi1>
    %and3A_262 = arith.andi %and3A_260, %and3A_261 : vector<32x50x50xi1>
    %reduce_or3A_263 = arith.constant 1.000000e+00 : f32
    %reduce_or3A_264 = arith.constant 0.000000e+00 : f32
    %reduce_or3A_265 = vector.broadcast %reduce_or3A_263 : f32 to vector<32x50x50xf32>
    %reduce_or3A_266 = vector.broadcast %reduce_or3A_264 : f32 to vector<32x50x50xf32>
    %reduce_or3A_267 = arith.select %and3A_262, %reduce_or3A_265, %reduce_or3A_266 : vector<32x50x50xi1>, vector<32x50x50xf32>
    %reduce_or3A_268 = arith.constant dense<0xFF800000> : vector<32x50xf32>
    %reduce_or3A_269 = vector.multi_reduction <maximumf>, %reduce_or3A_267, %reduce_or3A_268 [2] : vector<32x50x50xf32> to vector<32x50xf32>
    %reduce_or3A_270 = arith.constant 0.000000e+00 : f32
    %reduce_or3A_271 = vector.broadcast %reduce_or3A_270 : f32 to vector<32x50xf32>
    %reduce_or3A_272 = arith.cmpf ogt, %reduce_or3A_269, %reduce_or3A_271 : vector<32x50xf32>
    %not3A_273 = arith.constant dense<true> : vector<32x50xi1>
    %not3A_274 = arith.xori %reduce_or3A_272, %not3A_273 : vector<32x50xi1>
    %and3A_275 = arith.andi %or3A_216, %not3A_274 : vector<32x50xi1>
    %mul3A_276 = arith.constant 6 : i32
    %mul3A_277 = vector.broadcast %mul3A_276 : i32 to vector<32x50xi32>
    %mul3A_278 = arith.muli %select_n3A_112, %mul3A_277 : vector<32x50xi32>
    %add3A_279 = arith.constant 0 : i32
    %add3A_280 = vector.broadcast %add3A_279 : i32 to vector<32x50xi32>
    %add3A_281 = arith.addi %mul3A_278, %add3A_280 : vector<32x50xi32>
    %mul3A_282 = arith.constant 32 : i32
    %mul3A_283 = vector.broadcast %mul3A_282 : i32 to vector<32x50xi32>
    %mul3A_284 = arith.muli %add3A_281, %mul3A_283 : vector<32x50xi32>
    %add3A_285 = arith.addi %mul3A_284, %iota3A : vector<32x50xi32>
    %mul3A_286 = arith.constant 14336 : i32
    %mul3A_287 = vector.broadcast %mul3A_286 : i32 to vector<32x50xi32>
    %mul3A_288 = arith.muli %add3A_285, %mul3A_287 : vector<32x50xi32>
    %add3A_289 = arith.addi %mul3A_288, %add3A_138 : vector<32x50xi32>
    %swap3A = arith.constant 0 : index
    %swap3A_290 = arith.constant 0 : index
    %swap3A_291 = arith.constant 0 : index
    %swap3A_292 = arith.constant 0 : index
    %swap3A_293 = vector.load %arg1[%swap3A, %swap3A_290, %swap3A_291, %swap3A_292] : memref<3x11x32x50xi32, #tpu.memory_space<vmem>>, vector<1x1x32x50xi32>
    %swap3A_294 = vector.shape_cast %swap3A_293 : vector<1x1x32x50xi32> to vector<32x50xi32>
    %swap3A_295 = vector.shape_cast %add3A_289 : vector<32x50xi32> to vector<1x1x32x50xi32>
    tpu.vector_store %arg1[%swap3A, %swap3A_290, %swap3A_291, %swap3A_292], %swap3A_295 {strides = array<i32>} : memref<3x11x32x50xi32, #tpu.memory_space<vmem>>, vector<1x1x32x50xi32>,
    %mul3A_296 = arith.constant 6 : i32
    %mul3A_297 = vector.broadcast %mul3A_296 : i32 to vector<32x50xi32>
    %mul3A_298 = arith.muli %select_n3A_112, %mul3A_297 : vector<32x50xi32>
    %add3A_299 = arith.constant 1 : i32
    %add3A_300 = vector.broadcast %add3A_299 : i32 to vector<32x50xi32>
    %add3A_301 = arith.addi %mul3A_298, %add3A_300 : vector<32x50xi32>
    %mul3A_302 = arith.constant 32 : i32
    %mul3A_303 = vector.broadcast %mul3A_302 : i32 to vector<32x50xi32>
    %mul3A_304 = arith.muli %add3A_301, %mul3A_303 : vector<32x50xi32>
    %add3A_305 = arith.addi %mul3A_304, %iota3A : vector<32x50xi32>
    %mul3A_306 = arith.constant 14336 : i32
    %mul3A_307 = vector.broadcast %mul3A_306 : i32 to vector<32x50xi32>
    %mul3A_308 = arith.muli %add3A_305, %mul3A_307 : vector<32x50xi32>
    %add3A_309 = arith.addi %mul3A_308, %add3A_138 : vector<32x50xi32>
    %swap3A_310 = arith.constant 0 : index
    %swap3A_311 = arith.constant 1 : index
    %swap3A_312 = arith.constant 0 : index
    %swap3A_313 = arith.constant 0 : index
    %swap3A_314 = vector.load %arg1[%swap3A_310, %swap3A_311, %swap3A_312, %swap3A_313] : memref<3x11x32x50xi32, #tpu.memory_space<vmem>>, vector<1x1x32x50xi32>
    %swap3A_315 = vector.shape_cast %swap3A_314 : vector<1x1x32x50xi32> to vector<32x50xi32>
    %swap3A_316 = vector.shape_cast %add3A_309 : vector<32x50xi32> to vector<1x1x32x50xi32>
    tpu.vector_store %arg1[%swap3A_310, %swap3A_311, %swap3A_312, %swap3A_313], %swap3A_316 {strides = array<i32>} : memref<3x11x32x50xi32, #tpu.memory_space<vmem>>, vector<1x1x32x50xi32>,
    %mul3A_317 = arith.constant 6 : i32
    %mul3A_318 = vector.broadcast %mul3A_317 : i32 to vector<32x50xi32>
    %mul3A_319 = arith.muli %select_n3A_112, %mul3A_318 : vector<32x50xi32>
    %add3A_320 = arith.constant 2 : i32
    %add3A_321 = vector.broadcast %add3A_320 : i32 to vector<32x50xi32>
    %add3A_322 = arith.addi %mul3A_319, %add3A_321 : vector<32x50xi32>
    %mul3A_323 = arith.constant 32 : i32
    %mul3A_324 = vector.broadcast %mul3A_323 : i32 to vector<32x50xi32>
    %mul3A_325 = arith.muli %add3A_322, %mul3A_324 : vector<32x50xi32>
    %add3A_326 = arith.addi %mul3A_325, %iota3A : vector<32x50xi32>
    %mul3A_327 = arith.constant 14336 : i32
    %mul3A_328 = vector.broadcast %mul3A_327 : i32 to vector<32x50xi32>
    %mul3A_329 = arith.muli %add3A_326, %mul3A_328 : vector<32x50xi32>
    %add3A_330 = arith.addi %mul3A_329, %add3A_138 : vector<32x50xi32>
    %swap3A_331 = arith.constant 0 : index
    %swap3A_332 = arith.constant 2 : index
    %swap3A_333 = arith.constant 0 : index
    %swap3A_334 = arith.constant 0 : index
    %swap3A_335 = vector.load %arg1[%swap3A_331, %swap3A_332, %swap3A_333, %swap3A_334] : memref<3x11x32x50xi32, #tpu.memory_space<vmem>>, vector<1x1x32x50xi32>
    %swap3A_336 = vector.shape_cast %swap3A_335 : vector<1x1x32x50xi32> to vector<32x50xi32>
    %swap3A_337 = vector.shape_cast %add3A_330 : vector<32x50xi32> to vector<1x1x32x50xi32>
    tpu.vector_store %arg1[%swap3A_331, %swap3A_332, %swap3A_333, %swap3A_334], %swap3A_337 {strides = array<i32>} : memref<3x11x32x50xi32, #tpu.memory_space<vmem>>, vector<1x1x32x50xi32>,
    %mul3A_338 = arith.constant 6 : i32
    %mul3A_339 = vector.broadcast %mul3A_338 : i32 to vector<32x50xi32>
    %mul3A_340 = arith.muli %select_n3A_112, %mul3A_339 : vector<32x50xi32>
    %add3A_341 = arith.constant 3 : i32
    %add3A_342 = vector.broadcast %add3A_341 : i32 to vector<32x50xi32>
    %add3A_343 = arith.addi %mul3A_340, %add3A_342 : vector<32x50xi32>
    %mul3A_344 = arith.constant 32 : i32
    %mul3A_345 = vector.broadcast %mul3A_344 : i32 to vector<32x50xi32>
    %mul3A_346 = arith.muli %add3A_343, %mul3A_345 : vector<32x50xi32>
    %add3A_347 = arith.addi %mul3A_346, %iota3A : vector<32x50xi32>
    %mul3A_348 = arith.constant 14336 : i32
    %mul3A_349 = vector.broadcast %mul3A_348 : i32 to vector<32x50xi32>
    %mul3A_350 = arith.muli %add3A_347, %mul3A_349 : vector<32x50xi32>
    %add3A_351 = arith.addi %mul3A_350, %add3A_138 : vector<32x50xi32>
    %swap3A_352 = arith.constant 0 : index
    %swap3A_353 = arith.constant 3 : index
    %swap3A_354 = arith.constant 0 : index
    %swap3A_355 = arith.constant 0 : index
    %swap3A_356 = vector.load %arg1[%swap3A_352, %swap3A_353, %swap3A_354, %swap3A_355] : memref<3x11x32x50xi32, #tpu.memory_space<vmem>>, vector<1x1x32x50xi32>
    %swap3A_357 = vector.shape_cast %swap3A_356 : vector<1x1x32x50xi32> to vector<32x50xi32>
    %swap3A_358 = vector.shape_cast %add3A_351 : vector<32x50xi32> to vector<1x1x32x50xi32>
    tpu.vector_store %arg1[%swap3A_352, %swap3A_353, %swap3A_354, %swap3A_355], %swap3A_358 {strides = array<i32>} : memref<3x11x32x50xi32, #tpu.memory_space<vmem>>, vector<1x1x32x50xi32>,
    %add3A_359 = arith.constant 128 : i32
    %add3A_360 = vector.broadcast %add3A_359 : i32 to vector<32x50xi32>
    %add3A_361 = arith.addi %add3A_360, %iota3A : vector<32x50xi32>
    %mul3A_362 = arith.constant 14336 : i32
    %mul3A_363 = vector.broadcast %mul3A_362 : i32 to vector<32x50xi32>
    %mul3A_364 = arith.muli %add3A_361, %mul3A_363 : vector<32x50xi32>
    %add3A_365 = arith.addi %mul3A_364, %add3A_138 : vector<32x50xi32>
    %swap3A_366 = arith.constant 0 : index
    %swap3A_367 = arith.constant 4 : index
    %swap3A_368 = arith.constant 0 : index
    %swap3A_369 = arith.constant 0 : index
    %swap3A_370 = vector.load %arg1[%swap3A_366, %swap3A_367, %swap3A_368, %swap3A_369] : memref<3x11x32x50xi32, #tpu.memory_space<vmem>>, vector<1x1x32x50xi32>
    %swap3A_371 = vector.shape_cast %swap3A_370 : vector<1x1x32x50xi32> to vector<32x50xi32>
    %swap3A_372 = vector.shape_cast %add3A_365 : vector<32x50xi32> to vector<1x1x32x50xi32>
    tpu.vector_store %arg1[%swap3A_366, %swap3A_367, %swap3A_368, %swap3A_369], %swap3A_372 {strides = array<i32>} : memref<3x11x32x50xi32, #tpu.memory_space<vmem>>, vector<1x1x32x50xi32>,
    %add3A_373 = arith.constant 320 : i32
    %add3A_374 = vector.broadcast %add3A_373 : i32 to vector<32x50xi32>
    %add3A_375 = arith.addi %add3A_374, %iota3A : vector<32x50xi32>
    %mul3A_376 = arith.constant 14336 : i32
    %mul3A_377 = vector.broadcast %mul3A_376 : i32 to vector<32x50xi32>
    %mul3A_378 = arith.muli %add3A_375, %mul3A_377 : vector<32x50xi32>
    %add3A_379 = arith.addi %mul3A_378, %add3A_138 : vector<32x50xi32>
    %swap3A_380 = arith.constant 0 : index
    %swap3A_381 = arith.constant 5 : index
    %swap3A_382 = arith.constant 0 : index
    %swap3A_383 = arith.constant 0 : index
    %swap3A_384 = vector.load %arg1[%swap3A_380, %swap3A_381, %swap3A_382, %swap3A_383] : memref<3x11x32x50xi32, #tpu.memory_space<vmem>>, vector<1x1x32x50xi32>
    %swap3A_385 = vector.shape_cast %swap3A_384 : vector<1x1x32x50xi32> to vector<32x50xi32>
    %swap3A_386 = vector.shape_cast %add3A_379 : vector<32x50xi32> to vector<1x1x32x50xi32>
    tpu.vector_store %arg1[%swap3A_380, %swap3A_381, %swap3A_382, %swap3A_383], %swap3A_386 {strides = array<i32>} : memref<3x11x32x50xi32, #tpu.memory_space<vmem>>, vector<1x1x32x50xi32>,
    %add3A_387 = arith.constant 512 : i32
    %add3A_388 = vector.broadcast %add3A_387 : i32 to vector<32x50xi32>
    %add3A_389 = arith.addi %add3A_388, %iota3A : vector<32x50xi32>
    %mul3A_390 = arith.constant 14336 : i32
    %mul3A_391 = vector.broadcast %mul3A_390 : i32 to vector<32x50xi32>
    %mul3A_392 = arith.muli %add3A_389, %mul3A_391 : vector<32x50xi32>
    %add3A_393 = arith.addi %mul3A_392, %add3A_138 : vector<32x50xi32>
    %swap3A_394 = arith.constant 0 : index
    %swap3A_395 = arith.constant 6 : index
    %swap3A_396 = arith.constant 0 : index
    %swap3A_397 = arith.constant 0 : index
    %swap3A_398 = vector.load %arg1[%swap3A_394, %swap3A_395, %swap3A_396, %swap3A_397] : memref<3x11x32x50xi32, #tpu.memory_space<vmem>>, vector<1x1x32x50xi32>
    %swap3A_399 = vector.shape_cast %swap3A_398 : vector<1x1x32x50xi32> to vector<32x50xi32>
    %swap3A_400 = vector.shape_cast %add3A_393 : vector<32x50xi32> to vector<1x1x32x50xi32>
    tpu.vector_store %arg1[%swap3A_394, %swap3A_395, %swap3A_396, %swap3A_397], %swap3A_400 {strides = array<i32>} : memref<3x11x32x50xi32, #tpu.memory_space<vmem>>, vector<1x1x32x50xi32>,
    %mul3A_401 = arith.constant 6 : i32
    %mul3A_402 = vector.broadcast %mul3A_401 : i32 to vector<32x50xi32>
    %mul3A_403 = arith.muli %select_n3A_112, %mul3A_402 : vector<32x50xi32>
    %add3A_404 = arith.constant 5 : i32
    %add3A_405 = vector.broadcast %add3A_404 : i32 to vector<32x50xi32>
    %add3A_406 = arith.addi %mul3A_403, %add3A_405 : vector<32x50xi32>
    %mul3A_407 = arith.constant 32 : i32
    %mul3A_408 = vector.broadcast %mul3A_407 : i32 to vector<32x50xi32>
    %mul3A_409 = arith.muli %add3A_406, %mul3A_408 : vector<32x50xi32>
    %add3A_410 = arith.addi %mul3A_409, %mul3A_51 : vector<32x50xi32>
    %add3A_411 = arith.constant 0 : i32
    %add3A_412 = vector.broadcast %add3A_411 : i32 to vector<32x50xi32>
    %add3A_413 = arith.addi %add3A_410, %add3A_412 : vector<32x50xi32>
    %mul3A_414 = arith.constant 14336 : i32
    %mul3A_415 = vector.broadcast %mul3A_414 : i32 to vector<32x50xi32>
    %mul3A_416 = arith.muli %add3A_413, %mul3A_415 : vector<32x50xi32>
    %add3A_417 = arith.addi %mul3A_416, %add3A_138 : vector<32x50xi32>
    %swap3A_418 = arith.constant 0 : index
    %swap3A_419 = arith.constant 7 : index
    %swap3A_420 = arith.constant 0 : index
    %swap3A_421 = arith.constant 0 : index
    %swap3A_422 = vector.load %arg1[%swap3A_418, %swap3A_419, %swap3A_420, %swap3A_421] : memref<3x11x32x50xi32, #tpu.memory_space<vmem>>, vector<1x1x32x50xi32>
    %swap3A_423 = vector.shape_cast %swap3A_422 : vector<1x1x32x50xi32> to vector<32x50xi32>
    %swap3A_424 = vector.shape_cast %add3A_417 : vector<32x50xi32> to vector<1x1x32x50xi32>
    tpu.vector_store %arg1[%swap3A_418, %swap3A_419, %swap3A_420, %swap3A_421], %swap3A_424 {strides = array<i32>} : memref<3x11x32x50xi32, #tpu.memory_space<vmem>>, vector<1x1x32x50xi32>,
    %mul3A_425 = arith.constant 6 : i32
    %mul3A_426 = vector.broadcast %mul3A_425 : i32 to vector<32x50xi32>
    %mul3A_427 = arith.muli %select_n3A_112, %mul3A_426 : vector<32x50xi32>
    %add3A_428 = arith.constant 5 : i32
    %add3A_429 = vector.broadcast %add3A_428 : i32 to vector<32x50xi32>
    %add3A_430 = arith.addi %mul3A_427, %add3A_429 : vector<32x50xi32>
    %mul3A_431 = arith.constant 32 : i32
    %mul3A_432 = vector.broadcast %mul3A_431 : i32 to vector<32x50xi32>
    %mul3A_433 = arith.muli %add3A_430, %mul3A_432 : vector<32x50xi32>
    %add3A_434 = arith.addi %mul3A_433, %mul3A_51 : vector<32x50xi32>
    %add3A_435 = arith.constant 1 : i32
    %add3A_436 = vector.broadcast %add3A_435 : i32 to vector<32x50xi32>
    %add3A_437 = arith.addi %add3A_434, %add3A_436 : vector<32x50xi32>
    %mul3A_438 = arith.constant 14336 : i32
    %mul3A_439 = vector.broadcast %mul3A_438 : i32 to vector<32x50xi32>
    %mul3A_440 = arith.muli %add3A_437, %mul3A_439 : vector<32x50xi32>
    %add3A_441 = arith.addi %mul3A_440, %add3A_138 : vector<32x50xi32>
    %swap3A_442 = arith.constant 0 : index
    %swap3A_443 = arith.constant 8 : index
    %swap3A_444 = arith.constant 0 : index
    %swap3A_445 = arith.constant 0 : index
    %swap3A_446 = vector.load %arg1[%swap3A_442, %swap3A_443, %swap3A_444, %swap3A_445] : memref<3x11x32x50xi32, #tpu.memory_space<vmem>>, vector<1x1x32x50xi32>
    %swap3A_447 = vector.shape_cast %swap3A_446 : vector<1x1x32x50xi32> to vector<32x50xi32>
    %swap3A_448 = vector.shape_cast %add3A_441 : vector<32x50xi32> to vector<1x1x32x50xi32>
    tpu.vector_store %arg1[%swap3A_442, %swap3A_443, %swap3A_444, %swap3A_445], %swap3A_448 {strides = array<i32>} : memref<3x11x32x50xi32, #tpu.memory_space<vmem>>, vector<1x1x32x50xi32>,
    %mul3A_449 = arith.constant 6 : i32
    %mul3A_450 = vector.broadcast %mul3A_449 : i32 to vector<32x50xi32>
    %mul3A_451 = arith.muli %select_n3A_112, %mul3A_450 : vector<32x50xi32>
    %add3A_452 = arith.constant 5 : i32
    %add3A_453 = vector.broadcast %add3A_452 : i32 to vector<32x50xi32>
    %add3A_454 = arith.addi %mul3A_451, %add3A_453 : vector<32x50xi32>
    %mul3A_455 = arith.constant 32 : i32
    %mul3A_456 = vector.broadcast %mul3A_455 : i32 to vector<32x50xi32>
    %mul3A_457 = arith.muli %add3A_454, %mul3A_456 : vector<32x50xi32>
    %add3A_458 = arith.addi %mul3A_457, %mul3A_51 : vector<32x50xi32>
    %add3A_459 = arith.constant 2 : i32
    %add3A_460 = vector.broadcast %add3A_459 : i32 to vector<32x50xi32>
    %add3A_461 = arith.addi %add3A_458, %add3A_460 : vector<32x50xi32>
    %mul3A_462 = arith.constant 14336 : i32
    %mul3A_463 = vector.broadcast %mul3A_462 : i32 to vector<32x50xi32>
    %mul3A_464 = arith.muli %add3A_461, %mul3A_463 : vector<32x50xi32>
    %add3A_465 = arith.addi %mul3A_464, %add3A_138 : vector<32x50xi32>
    %swap3A_466 = arith.constant 0 : index
    %swap3A_467 = arith.constant 9 : index
    %swap3A_468 = arith.constant 0 : index
    %swap3A_469 = arith.constant 0 : index
    %swap3A_470 = vector.load %arg1[%swap3A_466, %swap3A_467, %swap3A_468, %swap3A_469] : memref<3x11x32x50xi32, #tpu.memory_space<vmem>>, vector<1x1x32x50xi32>
    %swap3A_471 = vector.shape_cast %swap3A_470 : vector<1x1x32x50xi32> to vector<32x50xi32>
    %swap3A_472 = vector.shape_cast %add3A_465 : vector<32x50xi32> to vector<1x1x32x50xi32>
    tpu.vector_store %arg1[%swap3A_466, %swap3A_467, %swap3A_468, %swap3A_469], %swap3A_472 {strides = array<i32>} : memref<3x11x32x50xi32, #tpu.memory_space<vmem>>, vector<1x1x32x50xi32>,
    %mul3A_473 = arith.constant 6 : i32
    %mul3A_474 = vector.broadcast %mul3A_473 : i32 to vector<32x50xi32>
    %mul3A_475 = arith.muli %select_n3A_112, %mul3A_474 : vector<32x50xi32>
    %add3A_476 = arith.constant 5 : i32
    %add3A_477 = vector.broadcast %add3A_476 : i32 to vector<32x50xi32>
    %add3A_478 = arith.addi %mul3A_475, %add3A_477 : vector<32x50xi32>
    %mul3A_479 = arith.constant 32 : i32
    %mul3A_480 = vector.broadcast %mul3A_479 : i32 to vector<32x50xi32>
    %mul3A_481 = arith.muli %add3A_478, %mul3A_480 : vector<32x50xi32>
    %add3A_482 = arith.addi %mul3A_481, %mul3A_51 : vector<32x50xi32>
    %add3A_483 = arith.constant 3 : i32
    %add3A_484 = vector.broadcast %add3A_483 : i32 to vector<32x50xi32>
    %add3A_485 = arith.addi %add3A_482, %add3A_484 : vector<32x50xi32>
    %mul3A_486 = arith.constant 14336 : i32
    %mul3A_487 = vector.broadcast %mul3A_486 : i32 to vector<32x50xi32>
    %mul3A_488 = arith.muli %add3A_485, %mul3A_487 : vector<32x50xi32>
    %add3A_489 = arith.addi %mul3A_488, %add3A_138 : vector<32x50xi32>
    %swap3A_490 = arith.constant 0 : index
    %swap3A_491 = arith.constant 10 : index
    %swap3A_492 = arith.constant 0 : index
    %swap3A_493 = arith.constant 0 : index
    %swap3A_494 = vector.load %arg1[%swap3A_490, %swap3A_491, %swap3A_492, %swap3A_493] : memref<3x11x32x50xi32, #tpu.memory_space<vmem>>, vector<1x1x32x50xi32>
    %swap3A_495 = vector.shape_cast %swap3A_494 : vector<1x1x32x50xi32> to vector<32x50xi32>
    %swap3A_496 = vector.shape_cast %add3A_489 : vector<32x50xi32> to vector<1x1x32x50xi32>
    tpu.vector_store %arg1[%swap3A_490, %swap3A_491, %swap3A_492, %swap3A_493], %swap3A_496 {strides = array<i32>} : memref<3x11x32x50xi32, #tpu.memory_space<vmem>>, vector<1x1x32x50xi32>,
    %sub3A_497 = arith.subf %mul3A_115, %floor3A : vector<32x50xf32>
    %swap3A_498 = arith.constant 0 : index
    %swap3A_499 = arith.constant 0 : index
    %swap3A_500 = arith.constant 0 : index
    %swap3A_501 = arith.constant 0 : index
    %swap3A_502 = vector.load %arg2[%swap3A_498, %swap3A_499, %swap3A_500, %swap3A_501] : memref<3x12x32x50xf32, #tpu.memory_space<vmem>>, vector<1x1x32x50xf32>
    %swap3A_503 = vector.shape_cast %swap3A_502 : vector<1x1x32x50xf32> to vector<32x50xf32>
    %swap3A_504 = vector.shape_cast %sub3A_497 : vector<32x50xf32> to vector<1x1x32x50xf32>
    tpu.vector_store %arg2[%swap3A_498, %swap3A_499, %swap3A_500, %swap3A_501], %swap3A_504 {strides = array<i32>} : memref<3x12x32x50xf32, #tpu.memory_space<vmem>>, vector<1x1x32x50xf32>,
    %sub3A_505 = arith.subf %mul3A_118, %floor3A_119 : vector<32x50xf32>
    %swap3A_506 = arith.constant 0 : index
    %swap3A_507 = arith.constant 1 : index
    %swap3A_508 = arith.constant 0 : index
    %swap3A_509 = arith.constant 0 : index
    %swap3A_510 = vector.load %arg2[%swap3A_506, %swap3A_507, %swap3A_508, %swap3A_509] : memref<3x12x32x50xf32, #tpu.memory_space<vmem>>, vector<1x1x32x50xf32>
    %swap3A_511 = vector.shape_cast %swap3A_510 : vector<1x1x32x50xf32> to vector<32x50xf32>
    %swap3A_512 = vector.shape_cast %sub3A_505 : vector<32x50xf32> to vector<1x1x32x50xf32>
    tpu.vector_store %arg2[%swap3A_506, %swap3A_507, %swap3A_508, %swap3A_509], %swap3A_512 {strides = array<i32>} : memref<3x12x32x50xf32, #tpu.memory_space<vmem>>, vector<1x1x32x50xf32>,
    %max3A_513 = arith.constant 9.99999997E-7 : f32
    %max3A_514 = vector.broadcast %max3A_513 : f32 to vector<32x50xf32>
    %max3A_515 = arith.maximumf %mul3A_22, %max3A_514 : vector<32x50xf32>
    %div3A_516 = arith.divf %max3A_515, %select_n3A_155 : vector<32x50xf32>
    %log3A = math.log %div3A_516 : vector<32x50xf32>
    %swap3A_517 = arith.constant 0 : index
    %swap3A_518 = arith.constant 2 : index
    %swap3A_519 = arith.constant 0 : index
    %swap3A_520 = arith.constant 0 : index
    %swap3A_521 = vector.load %arg2[%swap3A_517, %swap3A_518, %swap3A_519, %swap3A_520] : memref<3x12x32x50xf32, #tpu.memory_space<vmem>>, vector<1x1x32x50xf32>
    %swap3A_522 = vector.shape_cast %swap3A_521 : vector<1x1x32x50xf32> to vector<32x50xf32>
    %swap3A_523 = vector.shape_cast %log3A : vector<32x50xf32> to vector<1x1x32x50xf32>
    tpu.vector_store %arg2[%swap3A_517, %swap3A_518, %swap3A_519, %swap3A_520], %swap3A_523 {strides = array<i32>} : memref<3x12x32x50xf32, #tpu.memory_space<vmem>>, vector<1x1x32x50xf32>,
    %max3A_524 = arith.constant 9.99999997E-7 : f32
    %max3A_525 = vector.broadcast %max3A_524 : f32 to vector<32x50xf32>
    %max3A_526 = arith.maximumf %mul3A_25, %max3A_525 : vector<32x50xf32>
    %div3A_527 = arith.divf %max3A_526, %select_n3A_169 : vector<32x50xf32>
    %log3A_528 = math.log %div3A_527 : vector<32x50xf32>
    %swap3A_529 = arith.constant 0 : index
    %swap3A_530 = arith.constant 3 : index
    %swap3A_531 = arith.constant 0 : index
    %swap3A_532 = arith.constant 0 : index
    %swap3A_533 = vector.load %arg2[%swap3A_529, %swap3A_530, %swap3A_531, %swap3A_532] : memref<3x12x32x50xf32, #tpu.memory_space<vmem>>, vector<1x1x32x50xf32>
    %swap3A_534 = vector.shape_cast %swap3A_533 : vector<1x1x32x50xf32> to vector<32x50xf32>
    %swap3A_535 = vector.shape_cast %log3A_528 : vector<32x50xf32> to vector<1x1x32x50xf32>
    tpu.vector_store %arg2[%swap3A_529, %swap3A_530, %swap3A_531, %swap3A_532], %swap3A_535 {strides = array<i32>} : memref<3x12x32x50xf32, #tpu.memory_space<vmem>>, vector<1x1x32x50xf32>,
    %convert_element_type3A_536 = arith.extui %and3A_190 : vector<32x50xi1> to vector<32x50xi32>
    %convert_element_type3A_537 = arith.sitofp %convert_element_type3A_536 : vector<32x50xi32> to vector<32x50xf32>
    %swap3A_538 = arith.constant 0 : index
    %swap3A_539 = arith.constant 4 : index
    %swap3A_540 = arith.constant 0 : index
    %swap3A_541 = arith.constant 0 : index
    %swap3A_542 = vector.load %arg2[%swap3A_538, %swap3A_539, %swap3A_540, %swap3A_541] : memref<3x12x32x50xf32, #tpu.memory_space<vmem>>, vector<1x1x32x50xf32>
    %swap3A_543 = vector.shape_cast %swap3A_542 : vector<1x1x32x50xf32> to vector<32x50xf32>
    %swap3A_544 = vector.shape_cast %convert_element_type3A_537 : vector<32x50xf32> to vector<1x1x32x50xf32>
    tpu.vector_store %arg2[%swap3A_538, %swap3A_539, %swap3A_540, %swap3A_541], %swap3A_544 {strides = array<i32>} : memref<3x12x32x50xf32, #tpu.memory_space<vmem>>, vector<1x1x32x50xf32>,
    %convert_element_type3A_545 = arith.extui %gt3A_20 : vector<32x50xi1> to vector<32x50xi32>
    %convert_element_type3A_546 = arith.sitofp %convert_element_type3A_545 : vector<32x50xi32> to vector<32x50xf32>
    %swap3A_547 = arith.constant 0 : index
    %swap3A_548 = arith.constant 5 : index
    %swap3A_549 = arith.constant 0 : index
    %swap3A_550 = arith.constant 0 : index
    %swap3A_551 = vector.load %arg2[%swap3A_547, %swap3A_548, %swap3A_549, %swap3A_550] : memref<3x12x32x50xf32, #tpu.memory_space<vmem>>, vector<1x1x32x50xf32>
    %swap3A_552 = vector.shape_cast %swap3A_551 : vector<1x1x32x50xf32> to vector<32x50xf32>
    %swap3A_553 = vector.shape_cast %convert_element_type3A_546 : vector<32x50xf32> to vector<1x1x32x50xf32>
    tpu.vector_store %arg2[%swap3A_547, %swap3A_548, %swap3A_549, %swap3A_550], %swap3A_553 {strides = array<i32>} : memref<3x12x32x50xf32, #tpu.memory_space<vmem>>, vector<1x1x32x50xf32>,
    %convert_element_type3A_554 = arith.extui %and3A_239 : vector<32x50xi1> to vector<32x50xi32>
    %convert_element_type3A_555 = arith.sitofp %convert_element_type3A_554 : vector<32x50xi32> to vector<32x50xf32>
    %swap3A_556 = arith.constant 0 : index
    %swap3A_557 = arith.constant 6 : index
    %swap3A_558 = arith.constant 0 : index
    %swap3A_559 = arith.constant 0 : index
    %swap3A_560 = vector.load %arg2[%swap3A_556, %swap3A_557, %swap3A_558, %swap3A_559] : memref<3x12x32x50xf32, #tpu.memory_space<vmem>>, vector<1x1x32x50xf32>
    %swap3A_561 = vector.shape_cast %swap3A_560 : vector<1x1x32x50xf32> to vector<32x50xf32>
    %swap3A_562 = vector.shape_cast %convert_element_type3A_555 : vector<32x50xf32> to vector<1x1x32x50xf32>
    tpu.vector_store %arg2[%swap3A_556, %swap3A_557, %swap3A_558, %swap3A_559], %swap3A_562 {strides = array<i32>} : memref<3x12x32x50xf32, #tpu.memory_space<vmem>>, vector<1x1x32x50xf32>,
    %eq3A_563 = arith.constant 0 : i32
    %eq3A_564 = vector.broadcast %eq3A_563 : i32 to vector<32x50xi32>
    %eq3A_565 = arith.cmpi eq, %select_n3A_112, %eq3A_564 : vector<32x50xi32>
    %convert_element_type3A_566 = arith.extui %eq3A_565 : vector<32x50xi1> to vector<32x50xi32>
    %convert_element_type3A_567 = arith.sitofp %convert_element_type3A_566 : vector<32x50xi32> to vector<32x50xf32>
    %swap3A_568 = arith.constant 0 : index
    %swap3A_569 = arith.constant 9 : index
    %swap3A_570 = arith.constant 0 : index
    %swap3A_571 = arith.constant 0 : index
    %swap3A_572 = vector.load %arg2[%swap3A_568, %swap3A_569, %swap3A_570, %swap3A_571] : memref<3x12x32x50xf32, #tpu.memory_space<vmem>>, vector<1x1x32x50xf32>
    %swap3A_573 = vector.shape_cast %swap3A_572 : vector<1x1x32x50xf32> to vector<32x50xf32>
    %swap3A_574 = vector.shape_cast %convert_element_type3A_567 : vector<32x50xf32> to vector<1x1x32x50xf32>
    tpu.vector_store %arg2[%swap3A_568, %swap3A_569, %swap3A_570, %swap3A_571], %swap3A_574 {strides = array<i32>} : memref<3x12x32x50xf32, #tpu.memory_space<vmem>>, vector<1x1x32x50xf32>,
    %convert_element_type3A_575 = arith.extui %and3A_257 : vector<32x50xi1> to vector<32x50xi32>
    %convert_element_type3A_576 = arith.sitofp %convert_element_type3A_575 : vector<32x50xi32> to vector<32x50xf32>
    %swap3A_577 = arith.constant 0 : index
    %swap3A_578 = arith.constant 7 : index
    %swap3A_579 = arith.constant 0 : index
    %swap3A_580 = arith.constant 0 : index
    %swap3A_581 = vector.load %arg2[%swap3A_577, %swap3A_578, %swap3A_579, %swap3A_580] : memref<3x12x32x50xf32, #tpu.memory_space<vmem>>, vector<1x1x32x50xf32>
    %swap3A_582 = vector.shape_cast %swap3A_581 : vector<1x1x32x50xf32> to vector<32x50xf32>
    %swap3A_583 = vector.shape_cast %convert_element_type3A_576 : vector<32x50xf32> to vector<1x1x32x50xf32>
    tpu.vector_store %arg2[%swap3A_577, %swap3A_578, %swap3A_579, %swap3A_580], %swap3A_583 {strides = array<i32>} : memref<3x12x32x50xf32, #tpu.memory_space<vmem>>, vector<1x1x32x50xf32>,
    %eq3A_584 = arith.constant 1 : i32
    %eq3A_585 = vector.broadcast %eq3A_584 : i32 to vector<32x50xi32>
    %eq3A_586 = arith.cmpi eq, %select_n3A_112, %eq3A_585 : vector<32x50xi32>
    %convert_element_type3A_587 = arith.extui %eq3A_586 : vector<32x50xi1> to vector<32x50xi32>
    %convert_element_type3A_588 = arith.sitofp %convert_element_type3A_587 : vector<32x50xi32> to vector<32x50xf32>
    %swap3A_589 = arith.constant 0 : index
    %swap3A_590 = arith.constant 10 : index
    %swap3A_591 = arith.constant 0 : index
    %swap3A_592 = arith.constant 0 : index
    %swap3A_593 = vector.load %arg2[%swap3A_589, %swap3A_590, %swap3A_591, %swap3A_592] : memref<3x12x32x50xf32, #tpu.memory_space<vmem>>, vector<1x1x32x50xf32>
    %swap3A_594 = vector.shape_cast %swap3A_593 : vector<1x1x32x50xf32> to vector<32x50xf32>
    %swap3A_595 = vector.shape_cast %convert_element_type3A_588 : vector<32x50xf32> to vector<1x1x32x50xf32>
    tpu.vector_store %arg2[%swap3A_589, %swap3A_590, %swap3A_591, %swap3A_592], %swap3A_595 {strides = array<i32>} : memref<3x12x32x50xf32, #tpu.memory_space<vmem>>, vector<1x1x32x50xf32>,
    %convert_element_type3A_596 = arith.extui %and3A_275 : vector<32x50xi1> to vector<32x50xi32>
    %convert_element_type3A_597 = arith.sitofp %convert_element_type3A_596 : vector<32x50xi32> to vector<32x50xf32>
    %swap3A_598 = arith.constant 0 : index
    %swap3A_599 = arith.constant 8 : index
    %swap3A_600 = arith.constant 0 : index
    %swap3A_601 = arith.constant 0 : index
    %swap3A_602 = vector.load %arg2[%swap3A_598, %swap3A_599, %swap3A_600, %swap3A_601] : memref<3x12x32x50xf32, #tpu.memory_space<vmem>>, vector<1x1x32x50xf32>
    %swap3A_603 = vector.shape_cast %swap3A_602 : vector<1x1x32x50xf32> to vector<32x50xf32>
    %swap3A_604 = vector.shape_cast %convert_element_type3A_597 : vector<32x50xf32> to vector<1x1x32x50xf32>
    tpu.vector_store %arg2[%swap3A_598, %swap3A_599, %swap3A_600, %swap3A_601], %swap3A_604 {strides = array<i32>} : memref<3x12x32x50xf32, #tpu.memory_space<vmem>>, vector<1x1x32x50xf32>,
    %eq3A_605 = arith.constant 2 : i32
    %eq3A_606 = vector.broadcast %eq3A_605 : i32 to vector<32x50xi32>
    %eq3A_607 = arith.cmpi eq, %select_n3A_112, %eq3A_606 : vector<32x50xi32>
    %convert_element_type3A_608 = arith.extui %eq3A_607 : vector<32x50xi1> to vector<32x50xi32>
    %convert_element_type3A_609 = arith.sitofp %convert_element_type3A_608 : vector<32x50xi32> to vector<32x50xf32>
    %swap3A_610 = arith.constant 0 : index
    %swap3A_611 = arith.constant 11 : index
    %swap3A_612 = arith.constant 0 : index
    %swap3A_613 = arith.constant 0 : index
    %swap3A_614 = vector.load %arg2[%swap3A_610, %swap3A_611, %swap3A_612, %swap3A_613] : memref<3x12x32x50xf32, #tpu.memory_space<vmem>>, vector<1x1x32x50xf32>
    %swap3A_615 = vector.shape_cast %swap3A_614 : vector<1x1x32x50xf32> to vector<32x50xf32>
    %swap3A_616 = vector.shape_cast %convert_element_type3A_609 : vector<32x50xf32> to vector<1x1x32x50xf32>
    tpu.vector_store %arg2[%swap3A_610, %swap3A_611, %swap3A_612, %swap3A_613], %swap3A_616 {strides = array<i32>} : memref<3x12x32x50xf32, #tpu.memory_space<vmem>>, vector<1x1x32x50xf32>,
    %min3A_617 = arith.constant 3.000000e+01 : f32
    %min3A_618 = vector.broadcast %min3A_617 : f32 to vector<32x50xf32>
    %min3A_619 = arith.minimumf %mul3A_22, %min3A_618 : vector<32x50xf32>
    %min3A_620 = arith.constant 6.100000e+01 : f32
    %min3A_621 = vector.broadcast %min3A_620 : f32 to vector<32x50xf32>
    %min3A_622 = arith.minimumf %mul3A_25, %min3A_621 : vector<32x50xf32>
    %mul3A_623 = arith.mulf %min3A_619, %min3A_622 : vector<32x50xf32>
    %mul3A_624 = arith.mulf %mul3A_22, %mul3A_25 : vector<32x50xf32>
    %add3A_625 = arith.constant 1.830000e+03 : f32
    %add3A_626 = vector.broadcast %add3A_625 : f32 to vector<32x50xf32>
    %add3A_627 = arith.addf %mul3A_624, %add3A_626 : vector<32x50xf32>
    %sub3A_628 = arith.subf %add3A_627, %mul3A_623 : vector<32x50xf32>
    %add3A_629 = arith.constant 1.000000e-16 : f32
    %add3A_630 = vector.broadcast %add3A_629 : f32 to vector<32x50xf32>
    %add3A_631 = arith.addf %sub3A_628, %add3A_630 : vector<32x50xf32>
    %div3A_632 = arith.divf %mul3A_623, %add3A_631 : vector<32x50xf32>
    %min3A_633 = arith.constant 6.200000e+01 : f32
    %min3A_634 = vector.broadcast %min3A_633 : f32 to vector<32x50xf32>
    %min3A_635 = arith.minimumf %mul3A_22, %min3A_634 : vector<32x50xf32>
    %min3A_636 = arith.constant 4.500000e+01 : f32
    %min3A_637 = vector.broadcast %min3A_636 : f32 to vector<32x50xf32>
    %min3A_638 = arith.minimumf %mul3A_25, %min3A_637 : vector<32x50xf32>
    %mul3A_639 = arith.mulf %min3A_635, %min3A_638 : vector<32x50xf32>
    %mul3A_640 = arith.mulf %mul3A_22, %mul3A_25 : vector<32x50xf32>
    %add3A_641 = arith.constant 2.790000e+03 : f32
    %add3A_642 = vector.broadcast %add3A_641 : f32 to vector<32x50xf32>
    %add3A_643 = arith.addf %mul3A_640, %add3A_642 : vector<32x50xf32>
    %sub3A_644 = arith.subf %add3A_643, %mul3A_639 : vector<32x50xf32>
    %add3A_645 = arith.constant 1.000000e-16 : f32
    %add3A_646 = vector.broadcast %add3A_645 : f32 to vector<32x50xf32>
    %add3A_647 = arith.addf %sub3A_644, %add3A_646 : vector<32x50xf32>
    %div3A_648 = arith.divf %mul3A_639, %add3A_647 : vector<32x50xf32>
    %min3A_649 = arith.constant 5.900000e+01 : f32
    %min3A_650 = vector.broadcast %min3A_649 : f32 to vector<32x50xf32>
    %min3A_651 = arith.minimumf %mul3A_22, %min3A_650 : vector<32x50xf32>
    %min3A_652 = arith.constant 1.190000e+02 : f32
    %min3A_653 = vector.broadcast %min3A_652 : f32 to vector<32x50xf32>
    %min3A_654 = arith.minimumf %mul3A_25, %min3A_653 : vector<32x50xf32>
    %mul3A_655 = arith.mulf %min3A_651, %min3A_654 : vector<32x50xf32>
    %mul3A_656 = arith.mulf %mul3A_22, %mul3A_25 : vector<32x50xf32>
    %add3A_657 = arith.constant 7.021000e+03 : f32
    %add3A_658 = vector.broadcast %add3A_657 : f32 to vector<32x50xf32>
    %add3A_659 = arith.addf %mul3A_656, %add3A_658 : vector<32x50xf32>
    %sub3A_660 = arith.subf %add3A_659, %mul3A_655 : vector<32x50xf32>
    %add3A_661 = arith.constant 1.000000e-16 : f32
    %add3A_662 = vector.broadcast %add3A_661 : f32 to vector<32x50xf32>
    %add3A_663 = arith.addf %sub3A_660, %add3A_662 : vector<32x50xf32>
    %div3A_664 = arith.divf %mul3A_655, %add3A_663 : vector<32x50xf32>
    %ge3A_665 = arith.cmpf oge, %div3A_632, %div3A_648 : vector<32x50xf32>
    %ge3A_666 = arith.cmpf oge, %div3A_632, %div3A_664 : vector<32x50xf32>
    %jit3A_667 = arith.constant 0 : i32
    %jit3A_668 = arith.constant 2 : i32
    %broadcast_in_dim3A_669 = vector.broadcast %jit3A_667 : i32 to vector<32x50xi32>
    %broadcast_in_dim3A_670 = vector.broadcast %jit3A_668 : i32 to vector<32x50xi32>
    %select_n3A_671 = arith.select %ge3A_666, %broadcast_in_dim3A_669, %broadcast_in_dim3A_670 : vector<32x50xi1>, vector<32x50xi32>
    %ge3A_672 = arith.cmpf oge, %div3A_648, %div3A_664 : vector<32x50xf32>
    %jit3A_673 = arith.constant 1 : i32
    %jit3A_674 = arith.constant 2 : i32
    %broadcast_in_dim3A_675 = vector.broadcast %jit3A_673 : i32 to vector<32x50xi32>
    %broadcast_in_dim3A_676 = vector.broadcast %jit3A_674 : i32 to vector<32x50xi32>
    %select_n3A_677 = arith.select %ge3A_672, %broadcast_in_dim3A_675, %broadcast_in_dim3A_676 : vector<32x50xi1>, vector<32x50xi32>
    %select_n3A_678 = arith.select %ge3A_665, %select_n3A_671, %select_n3A_677 : vector<32x50xi1>, vector<32x50xi32>
    %mul3A_679 = arith.constant 5.200000e+01 : f32
    %mul3A_680 = vector.broadcast %mul3A_679 : f32 to vector<32x50xf32>
    %mul3A_681 = arith.mulf %get3A_3, %mul3A_680 : vector<32x50xf32>
    %mul3A_682 = arith.constant 5.200000e+01 : f32
    %mul3A_683 = vector.broadcast %mul3A_682 : f32 to vector<32x50xf32>
    %mul3A_684 = arith.mulf %get3A_8, %mul3A_683 : vector<32x50xf32>
    %floor3A_685 = math.floor %mul3A_681 : vector<32x50xf32>
    %floor3A_686 = math.floor %mul3A_684 : vector<32x50xf32>
    %jit3A_687 = arith.constant 0.000000e+00 : f32
    %jit3A_688 = arith.constant 5.100000e+01 : f32
    %max3A_689 = vector.broadcast %jit3A_687 : f32 to vector<32x50xf32>
    %max3A_690 = arith.maximumf %max3A_689, %floor3A_685 : vector<32x50xf32>
    %min3A_691 = vector.broadcast %jit3A_688 : f32 to vector<32x50xf32>
    %min3A_692 = arith.minimumf %min3A_691, %max3A_690 : vector<32x50xf32>
    %convert_element_type3A_693 = arith.fptosi %min3A_692 : vector<32x50xf32> to vector<32x50xi32>
    %jit3A_694 = arith.constant 0.000000e+00 : f32
    %jit3A_695 = arith.constant 5.100000e+01 : f32
    %max3A_696 = vector.broadcast %jit3A_694 : f32 to vector<32x50xf32>
    %max3A_697 = arith.maximumf %max3A_696, %floor3A_686 : vector<32x50xf32>
    %min3A_698 = vector.broadcast %jit3A_695 : f32 to vector<32x50xf32>
    %min3A_699 = arith.minimumf %min3A_698, %max3A_697 : vector<32x50xf32>
    %convert_element_type3A_700 = arith.fptosi %min3A_699 : vector<32x50xf32> to vector<32x50xi32>
    %mul3A_701 = arith.constant 52 : i32
    %mul3A_702 = vector.broadcast %mul3A_701 : i32 to vector<32x50xi32>
    %mul3A_703 = arith.muli %convert_element_type3A_700, %mul3A_702 : vector<32x50xi32>
    %add3A_704 = arith.addi %mul3A_703, %convert_element_type3A_693 : vector<32x50xi32>
    %add3A_705 = arith.constant 676 : i32
    %add3A_706 = vector.broadcast %add3A_705 : i32 to vector<32x50xi32>
    %add3A_707 = arith.addi %add3A_706, %add3A_704 : vector<32x50xi32>
    %mul3A_708 = arith.constant 2704 : i32
    %mul3A_709 = vector.broadcast %mul3A_708 : i32 to vector<32x50xi32>
    %mul3A_710 = arith.muli %select_n3A_678, %mul3A_709 : vector<32x50xi32>
    %add3A_711 = arith.addi %mul3A_710, %add3A_704 : vector<32x50xi32>
    %eq3A_712 = arith.constant 0 : i32
    %eq3A_713 = vector.broadcast %eq3A_712 : i32 to vector<32x50xi32>
    %eq3A_714 = arith.cmpi eq, %select_n3A_678, %eq3A_713 : vector<32x50xi32>
    %eq3A_715 = arith.constant 1 : i32
    %eq3A_716 = vector.broadcast %eq3A_715 : i32 to vector<32x50xi32>
    %eq3A_717 = arith.cmpi eq, %select_n3A_678, %eq3A_716 : vector<32x50xi32>
    %jit3A_718 = arith.constant 6.200000e+01 : f32
    %jit3A_719 = arith.constant 5.900000e+01 : f32
    %broadcast_in_dim3A_720 = vector.broadcast %jit3A_718 : f32 to vector<32x50xf32>
    %broadcast_in_dim3A_721 = vector.broadcast %jit3A_719 : f32 to vector<32x50xf32>
    %select_n3A_722 = arith.select %eq3A_717, %broadcast_in_dim3A_720, %broadcast_in_dim3A_721 : vector<32x50xi1>, vector<32x50xf32>
    %jit3A_723 = arith.constant 3.000000e+01 : f32
    %broadcast_in_dim3A_724 = vector.broadcast %jit3A_723 : f32 to vector<32x50xf32>
    %select_n3A_725 = arith.select %eq3A_714, %broadcast_in_dim3A_724, %select_n3A_722 : vector<32x50xi1>, vector<32x50xf32>
    %eq3A_726 = arith.constant 0 : i32
    %eq3A_727 = vector.broadcast %eq3A_726 : i32 to vector<32x50xi32>
    %eq3A_728 = arith.cmpi eq, %select_n3A_678, %eq3A_727 : vector<32x50xi32>
    %eq3A_729 = arith.constant 1 : i32
    %eq3A_730 = vector.broadcast %eq3A_729 : i32 to vector<32x50xi32>
    %eq3A_731 = arith.cmpi eq, %select_n3A_678, %eq3A_730 : vector<32x50xi32>
    %jit3A_732 = arith.constant 4.500000e+01 : f32
    %jit3A_733 = arith.constant 1.190000e+02 : f32
    %broadcast_in_dim3A_734 = vector.broadcast %jit3A_732 : f32 to vector<32x50xf32>
    %broadcast_in_dim3A_735 = vector.broadcast %jit3A_733 : f32 to vector<32x50xf32>
    %select_n3A_736 = arith.select %eq3A_731, %broadcast_in_dim3A_734, %broadcast_in_dim3A_735 : vector<32x50xi1>, vector<32x50xf32>
    %jit3A_737 = arith.constant 6.100000e+01 : f32
    %broadcast_in_dim3A_738 = vector.broadcast %jit3A_737 : f32 to vector<32x50xf32>
    %select_n3A_739 = arith.select %eq3A_728, %broadcast_in_dim3A_738, %select_n3A_736 : vector<32x50xi1>, vector<32x50xf32>
    %broadcast_in_dim3A_740 = vector.shape_cast %add3A_711 : vector<32x50xi32> to vector<32x50x1xi32>
    %broadcast_in_dim3A_741 = vector.shape_cast %add3A_711 : vector<32x50xi32> to vector<32x1x50xi32>
    %eq3A_742 = vector.broadcast %broadcast_in_dim3A_740 : vector<32x50x1xi32> to vector<32x50x50xi32>
    %eq3A_743 = vector.broadcast %broadcast_in_dim3A_741 : vector<32x1x50xi32> to vector<32x50x50xi32>
    %eq3A_744 = arith.cmpi eq, %eq3A_742, %eq3A_743 : vector<32x50x50xi32>
    %broadcast_in_dim3A_745 = vector.shape_cast %gt3A_20 : vector<32x50xi1> to vector<32x1x50xi1>
    %and3A_746 = vector.broadcast %broadcast_in_dim3A_745 : vector<32x1x50xi1> to vector<32x50x50xi1>
    %and3A_747 = arith.andi %eq3A_744, %and3A_746 : vector<32x50x50xi1>
    %and3A_748 = vector.broadcast %broadcast_in_dim3A : vector<1x50x50xi1> to vector<32x50x50xi1>
    %and3A_749 = arith.andi %and3A_747, %and3A_748 : vector<32x50x50xi1>
    %reduce_or3A_750 = arith.constant 1.000000e+00 : f32
    %reduce_or3A_751 = arith.constant 0.000000e+00 : f32
    %reduce_or3A_752 = vector.broadcast %reduce_or3A_750 : f32 to vector<32x50x50xf32>
    %reduce_or3A_753 = vector.broadcast %reduce_or3A_751 : f32 to vector<32x50x50xf32>
    %reduce_or3A_754 = arith.select %and3A_749, %reduce_or3A_752, %reduce_or3A_753 : vector<32x50x50xi1>, vector<32x50x50xf32>
    %reduce_or3A_755 = arith.constant dense<0xFF800000> : vector<32x50xf32>
    %reduce_or3A_756 = vector.multi_reduction <maximumf>, %reduce_or3A_754, %reduce_or3A_755 [2] : vector<32x50x50xf32> to vector<32x50xf32>
    %reduce_or3A_757 = arith.constant 0.000000e+00 : f32
    %reduce_or3A_758 = vector.broadcast %reduce_or3A_757 : f32 to vector<32x50xf32>
    %reduce_or3A_759 = arith.cmpf ogt, %reduce_or3A_756, %reduce_or3A_758 : vector<32x50xf32>
    %not3A_760 = arith.constant dense<true> : vector<32x50xi1>
    %not3A_761 = arith.xori %reduce_or3A_759, %not3A_760 : vector<32x50xi1>
    %and3A_762 = arith.andi %gt3A_20, %not3A_761 : vector<32x50xi1>
    %gt3A_763 = arith.constant 5.000000e-01 : f32
    %gt3A_764 = vector.broadcast %gt3A_763 : f32 to vector<32x50xf32>
    %gt3A_765 = arith.cmpf ogt, %div3A_632, %gt3A_764 : vector<32x50xf32>
    %and3A_766 = arith.andi %gt3A_765, %gt3A_20 : vector<32x50xi1>
    %eq3A_767 = arith.constant 0 : i32
    %eq3A_768 = vector.broadcast %eq3A_767 : i32 to vector<32x50xi32>
    %eq3A_769 = arith.cmpi eq, %select_n3A_678, %eq3A_768 : vector<32x50xi32>
    %and3A_770 = arith.andi %eq3A_769, %gt3A_20 : vector<32x50xi1>
    %or3A_771 = arith.ori %and3A_766, %and3A_770 : vector<32x50xi1>
    %gt3A_772 = arith.constant 5.000000e-01 : f32
    %gt3A_773 = vector.broadcast %gt3A_772 : f32 to vector<32x50xf32>
    %gt3A_774 = arith.cmpf ogt, %div3A_648, %gt3A_773 : vector<32x50xf32>
    %and3A_775 = arith.andi %gt3A_774, %gt3A_20 : vector<32x50xi1>
    %eq3A_776 = arith.constant 1 : i32
    %eq3A_777 = vector.broadcast %eq3A_776 : i32 to vector<32x50xi32>
    %eq3A_778 = arith.cmpi eq, %select_n3A_678, %eq3A_777 : vector<32x50xi32>
    %and3A_779 = arith.andi %eq3A_778, %gt3A_20 : vector<32x50xi1>
    %or3A_780 = arith.ori %and3A_775, %and3A_779 : vector<32x50xi1>
    %gt3A_781 = arith.constant 5.000000e-01 : f32
    %gt3A_782 = vector.broadcast %gt3A_781 : f32 to vector<32x50xf32>
    %gt3A_783 = arith.cmpf ogt, %div3A_664, %gt3A_782 : vector<32x50xf32>
    %and3A_784 = arith.andi %gt3A_783, %gt3A_20 : vector<32x50xi1>
    %eq3A_785 = arith.constant 2 : i32
    %eq3A_786 = vector.broadcast %eq3A_785 : i32 to vector<32x50xi32>
    %eq3A_787 = arith.cmpi eq, %select_n3A_678, %eq3A_786 : vector<32x50xi32>
    %and3A_788 = arith.andi %eq3A_787, %gt3A_20 : vector<32x50xi1>
    %or3A_789 = arith.ori %and3A_784, %and3A_788 : vector<32x50xi1>
    %broadcast_in_dim3A_790 = vector.shape_cast %add3A_704 : vector<32x50xi32> to vector<32x50x1xi32>
    %broadcast_in_dim3A_791 = vector.shape_cast %add3A_704 : vector<32x50xi32> to vector<32x1x50xi32>
    %eq3A_792 = vector.broadcast %broadcast_in_dim3A_790 : vector<32x50x1xi32> to vector<32x50x50xi32>
    %eq3A_793 = vector.broadcast %broadcast_in_dim3A_791 : vector<32x1x50xi32> to vector<32x50x50xi32>
    %eq3A_794 = arith.cmpi eq, %eq3A_792, %eq3A_793 : vector<32x50x50xi32>
    %broadcast_in_dim3A_795 = vector.shape_cast %or3A_771 : vector<32x50xi1> to vector<32x1x50xi1>
    %and3A_796 = vector.broadcast %broadcast_in_dim3A_795 : vector<32x1x50xi1> to vector<32x50x50xi1>
    %and3A_797 = arith.andi %eq3A_794, %and3A_796 : vector<32x50x50xi1>
    %and3A_798 = vector.broadcast %broadcast_in_dim3A : vector<1x50x50xi1> to vector<32x50x50xi1>
    %and3A_799 = arith.andi %and3A_797, %and3A_798 : vector<32x50x50xi1>
    %reduce_or3A_800 = arith.constant 1.000000e+00 : f32
    %reduce_or3A_801 = arith.constant 0.000000e+00 : f32
    %reduce_or3A_802 = vector.broadcast %reduce_or3A_800 : f32 to vector<32x50x50xf32>
    %reduce_or3A_803 = vector.broadcast %reduce_or3A_801 : f32 to vector<32x50x50xf32>
    %reduce_or3A_804 = arith.select %and3A_799, %reduce_or3A_802, %reduce_or3A_803 : vector<32x50x50xi1>, vector<32x50x50xf32>
    %reduce_or3A_805 = arith.constant dense<0xFF800000> : vector<32x50xf32>
    %reduce_or3A_806 = vector.multi_reduction <maximumf>, %reduce_or3A_804, %reduce_or3A_805 [2] : vector<32x50x50xf32> to vector<32x50xf32>
    %reduce_or3A_807 = arith.constant 0.000000e+00 : f32
    %reduce_or3A_808 = vector.broadcast %reduce_or3A_807 : f32 to vector<32x50xf32>
    %reduce_or3A_809 = arith.cmpf ogt, %reduce_or3A_806, %reduce_or3A_808 : vector<32x50xf32>
    %not3A_810 = arith.constant dense<true> : vector<32x50xi1>
    %not3A_811 = arith.xori %reduce_or3A_809, %not3A_810 : vector<32x50xi1>
    %and3A_812 = arith.andi %or3A_771, %not3A_811 : vector<32x50xi1>
    %broadcast_in_dim3A_813 = vector.shape_cast %or3A_780 : vector<32x50xi1> to vector<32x1x50xi1>
    %and3A_814 = vector.broadcast %broadcast_in_dim3A_813 : vector<32x1x50xi1> to vector<32x50x50xi1>
    %and3A_815 = arith.andi %eq3A_794, %and3A_814 : vector<32x50x50xi1>
    %and3A_816 = vector.broadcast %broadcast_in_dim3A : vector<1x50x50xi1> to vector<32x50x50xi1>
    %and3A_817 = arith.andi %and3A_815, %and3A_816 : vector<32x50x50xi1>
    %reduce_or3A_818 = arith.constant 1.000000e+00 : f32
    %reduce_or3A_819 = arith.constant 0.000000e+00 : f32
    %reduce_or3A_820 = vector.broadcast %reduce_or3A_818 : f32 to vector<32x50x50xf32>
    %reduce_or3A_821 = vector.broadcast %reduce_or3A_819 : f32 to vector<32x50x50xf32>
    %reduce_or3A_822 = arith.select %and3A_817, %reduce_or3A_820, %reduce_or3A_821 : vector<32x50x50xi1>, vector<32x50x50xf32>
    %reduce_or3A_823 = arith.constant dense<0xFF800000> : vector<32x50xf32>
    %reduce_or3A_824 = vector.multi_reduction <maximumf>, %reduce_or3A_822, %reduce_or3A_823 [2] : vector<32x50x50xf32> to vector<32x50xf32>
    %reduce_or3A_825 = arith.constant 0.000000e+00 : f32
    %reduce_or3A_826 = vector.broadcast %reduce_or3A_825 : f32 to vector<32x50xf32>
    %reduce_or3A_827 = arith.cmpf ogt, %reduce_or3A_824, %reduce_or3A_826 : vector<32x50xf32>
    %not3A_828 = arith.constant dense<true> : vector<32x50xi1>
    %not3A_829 = arith.xori %reduce_or3A_827, %not3A_828 : vector<32x50xi1>
    %and3A_830 = arith.andi %or3A_780, %not3A_829 : vector<32x50xi1>
    %broadcast_in_dim3A_831 = vector.shape_cast %or3A_789 : vector<32x50xi1> to vector<32x1x50xi1>
    %and3A_832 = vector.broadcast %broadcast_in_dim3A_831 : vector<32x1x50xi1> to vector<32x50x50xi1>
    %and3A_833 = arith.andi %eq3A_794, %and3A_832 : vector<32x50x50xi1>
    %and3A_834 = vector.broadcast %broadcast_in_dim3A : vector<1x50x50xi1> to vector<32x50x50xi1>
    %and3A_835 = arith.andi %and3A_833, %and3A_834 : vector<32x50x50xi1>
    %reduce_or3A_836 = arith.constant 1.000000e+00 : f32
    %reduce_or3A_837 = arith.constant 0.000000e+00 : f32
    %reduce_or3A_838 = vector.broadcast %reduce_or3A_836 : f32 to vector<32x50x50xf32>
    %reduce_or3A_839 = vector.broadcast %reduce_or3A_837 : f32 to vector<32x50x50xf32>
    %reduce_or3A_840 = arith.select %and3A_835, %reduce_or3A_838, %reduce_or3A_839 : vector<32x50x50xi1>, vector<32x50x50xf32>
    %reduce_or3A_841 = arith.constant dense<0xFF800000> : vector<32x50xf32>
    %reduce_or3A_842 = vector.multi_reduction <maximumf>, %reduce_or3A_840, %reduce_or3A_841 [2] : vector<32x50x50xf32> to vector<32x50xf32>
    %reduce_or3A_843 = arith.constant 0.000000e+00 : f32
    %reduce_or3A_844 = vector.broadcast %reduce_or3A_843 : f32 to vector<32x50xf32>
    %reduce_or3A_845 = arith.cmpf ogt, %reduce_or3A_842, %reduce_or3A_844 : vector<32x50xf32>
    %not3A_846 = arith.constant dense<true> : vector<32x50xi1>
    %not3A_847 = arith.xori %reduce_or3A_845, %not3A_846 : vector<32x50xi1>
    %and3A_848 = arith.andi %or3A_789, %not3A_847 : vector<32x50xi1>
    %mul3A_849 = arith.constant 6 : i32
    %mul3A_850 = vector.broadcast %mul3A_849 : i32 to vector<32x50xi32>
    %mul3A_851 = arith.muli %select_n3A_678, %mul3A_850 : vector<32x50xi32>
    %add3A_852 = arith.constant 0 : i32
    %add3A_853 = vector.broadcast %add3A_852 : i32 to vector<32x50xi32>
    %add3A_854 = arith.addi %mul3A_851, %add3A_853 : vector<32x50xi32>
    %mul3A_855 = arith.constant 32 : i32
    %mul3A_856 = vector.broadcast %mul3A_855 : i32 to vector<32x50xi32>
    %mul3A_857 = arith.muli %add3A_854, %mul3A_856 : vector<32x50xi32>
    %add3A_858 = arith.addi %mul3A_857, %iota3A : vector<32x50xi32>
    %mul3A_859 = arith.constant 14336 : i32
    %mul3A_860 = vector.broadcast %mul3A_859 : i32 to vector<32x50xi32>
    %mul3A_861 = arith.muli %add3A_858, %mul3A_860 : vector<32x50xi32>
    %add3A_862 = arith.addi %mul3A_861, %add3A_707 : vector<32x50xi32>
    %swap3A_863 = arith.constant 1 : index
    %swap3A_864 = arith.constant 0 : index
    %swap3A_865 = arith.constant 0 : index
    %swap3A_866 = arith.constant 0 : index
    %swap3A_867 = vector.load %arg1[%swap3A_863, %swap3A_864, %swap3A_865, %swap3A_866] : memref<3x11x32x50xi32, #tpu.memory_space<vmem>>, vector<1x1x32x50xi32>
    %swap3A_868 = vector.shape_cast %swap3A_867 : vector<1x1x32x50xi32> to vector<32x50xi32>
    %swap3A_869 = vector.shape_cast %add3A_862 : vector<32x50xi32> to vector<1x1x32x50xi32>
    tpu.vector_store %arg1[%swap3A_863, %swap3A_864, %swap3A_865, %swap3A_866], %swap3A_869 {strides = array<i32>} : memref<3x11x32x50xi32, #tpu.memory_space<vmem>>, vector<1x1x32x50xi32>,
    %mul3A_870 = arith.constant 6 : i32
    %mul3A_871 = vector.broadcast %mul3A_870 : i32 to vector<32x50xi32>
    %mul3A_872 = arith.muli %select_n3A_678, %mul3A_871 : vector<32x50xi32>
    %add3A_873 = arith.constant 1 : i32
    %add3A_874 = vector.broadcast %add3A_873 : i32 to vector<32x50xi32>
    %add3A_875 = arith.addi %mul3A_872, %add3A_874 : vector<32x50xi32>
    %mul3A_876 = arith.constant 32 : i32
    %mul3A_877 = vector.broadcast %mul3A_876 : i32 to vector<32x50xi32>
    %mul3A_878 = arith.muli %add3A_875, %mul3A_877 : vector<32x50xi32>
    %add3A_879 = arith.addi %mul3A_878, %iota3A : vector<32x50xi32>
    %mul3A_880 = arith.constant 14336 : i32
    %mul3A_881 = vector.broadcast %mul3A_880 : i32 to vector<32x50xi32>
    %mul3A_882 = arith.muli %add3A_879, %mul3A_881 : vector<32x50xi32>
    %add3A_883 = arith.addi %mul3A_882, %add3A_707 : vector<32x50xi32>
    %swap3A_884 = arith.constant 1 : index
    %swap3A_885 = arith.constant 1 : index
    %swap3A_886 = arith.constant 0 : index
    %swap3A_887 = arith.constant 0 : index
    %swap3A_888 = vector.load %arg1[%swap3A_884, %swap3A_885, %swap3A_886, %swap3A_887] : memref<3x11x32x50xi32, #tpu.memory_space<vmem>>, vector<1x1x32x50xi32>
    %swap3A_889 = vector.shape_cast %swap3A_888 : vector<1x1x32x50xi32> to vector<32x50xi32>
    %swap3A_890 = vector.shape_cast %add3A_883 : vector<32x50xi32> to vector<1x1x32x50xi32>
    tpu.vector_store %arg1[%swap3A_884, %swap3A_885, %swap3A_886, %swap3A_887], %swap3A_890 {strides = array<i32>} : memref<3x11x32x50xi32, #tpu.memory_space<vmem>>, vector<1x1x32x50xi32>,
    %mul3A_891 = arith.constant 6 : i32
    %mul3A_892 = vector.broadcast %mul3A_891 : i32 to vector<32x50xi32>
    %mul3A_893 = arith.muli %select_n3A_678, %mul3A_892 : vector<32x50xi32>
    %add3A_894 = arith.constant 2 : i32
    %add3A_895 = vector.broadcast %add3A_894 : i32 to vector<32x50xi32>
    %add3A_896 = arith.addi %mul3A_893, %add3A_895 : vector<32x50xi32>
    %mul3A_897 = arith.constant 32 : i32
    %mul3A_898 = vector.broadcast %mul3A_897 : i32 to vector<32x50xi32>
    %mul3A_899 = arith.muli %add3A_896, %mul3A_898 : vector<32x50xi32>
    %add3A_900 = arith.addi %mul3A_899, %iota3A : vector<32x50xi32>
    %mul3A_901 = arith.constant 14336 : i32
    %mul3A_902 = vector.broadcast %mul3A_901 : i32 to vector<32x50xi32>
    %mul3A_903 = arith.muli %add3A_900, %mul3A_902 : vector<32x50xi32>
    %add3A_904 = arith.addi %mul3A_903, %add3A_707 : vector<32x50xi32>
    %swap3A_905 = arith.constant 1 : index
    %swap3A_906 = arith.constant 2 : index
    %swap3A_907 = arith.constant 0 : index
    %swap3A_908 = arith.constant 0 : index
    %swap3A_909 = vector.load %arg1[%swap3A_905, %swap3A_906, %swap3A_907, %swap3A_908] : memref<3x11x32x50xi32, #tpu.memory_space<vmem>>, vector<1x1x32x50xi32>
    %swap3A_910 = vector.shape_cast %swap3A_909 : vector<1x1x32x50xi32> to vector<32x50xi32>
    %swap3A_911 = vector.shape_cast %add3A_904 : vector<32x50xi32> to vector<1x1x32x50xi32>
    tpu.vector_store %arg1[%swap3A_905, %swap3A_906, %swap3A_907, %swap3A_908], %swap3A_911 {strides = array<i32>} : memref<3x11x32x50xi32, #tpu.memory_space<vmem>>, vector<1x1x32x50xi32>,
    %mul3A_912 = arith.constant 6 : i32
    %mul3A_913 = vector.broadcast %mul3A_912 : i32 to vector<32x50xi32>
    %mul3A_914 = arith.muli %select_n3A_678, %mul3A_913 : vector<32x50xi32>
    %add3A_915 = arith.constant 3 : i32
    %add3A_916 = vector.broadcast %add3A_915 : i32 to vector<32x50xi32>
    %add3A_917 = arith.addi %mul3A_914, %add3A_916 : vector<32x50xi32>
    %mul3A_918 = arith.constant 32 : i32
    %mul3A_919 = vector.broadcast %mul3A_918 : i32 to vector<32x50xi32>
    %mul3A_920 = arith.muli %add3A_917, %mul3A_919 : vector<32x50xi32>
    %add3A_921 = arith.addi %mul3A_920, %iota3A : vector<32x50xi32>
    %mul3A_922 = arith.constant 14336 : i32
    %mul3A_923 = vector.broadcast %mul3A_922 : i32 to vector<32x50xi32>
    %mul3A_924 = arith.muli %add3A_921, %mul3A_923 : vector<32x50xi32>
    %add3A_925 = arith.addi %mul3A_924, %add3A_707 : vector<32x50xi32>
    %swap3A_926 = arith.constant 1 : index
    %swap3A_927 = arith.constant 3 : index
    %swap3A_928 = arith.constant 0 : index
    %swap3A_929 = arith.constant 0 : index
    %swap3A_930 = vector.load %arg1[%swap3A_926, %swap3A_927, %swap3A_928, %swap3A_929] : memref<3x11x32x50xi32, #tpu.memory_space<vmem>>, vector<1x1x32x50xi32>
    %swap3A_931 = vector.shape_cast %swap3A_930 : vector<1x1x32x50xi32> to vector<32x50xi32>
    %swap3A_932 = vector.shape_cast %add3A_925 : vector<32x50xi32> to vector<1x1x32x50xi32>
    tpu.vector_store %arg1[%swap3A_926, %swap3A_927, %swap3A_928, %swap3A_929], %swap3A_932 {strides = array<i32>} : memref<3x11x32x50xi32, #tpu.memory_space<vmem>>, vector<1x1x32x50xi32>,
    %add3A_933 = arith.constant 128 : i32
    %add3A_934 = vector.broadcast %add3A_933 : i32 to vector<32x50xi32>
    %add3A_935 = arith.addi %add3A_934, %iota3A : vector<32x50xi32>
    %mul3A_936 = arith.constant 14336 : i32
    %mul3A_937 = vector.broadcast %mul3A_936 : i32 to vector<32x50xi32>
    %mul3A_938 = arith.muli %add3A_935, %mul3A_937 : vector<32x50xi32>
    %add3A_939 = arith.addi %mul3A_938, %add3A_707 : vector<32x50xi32>
    %swap3A_940 = arith.constant 1 : index
    %swap3A_941 = arith.constant 4 : index
    %swap3A_942 = arith.constant 0 : index
    %swap3A_943 = arith.constant 0 : index
    %swap3A_944 = vector.load %arg1[%swap3A_940, %swap3A_941, %swap3A_942, %swap3A_943] : memref<3x11x32x50xi32, #tpu.memory_space<vmem>>, vector<1x1x32x50xi32>
    %swap3A_945 = vector.shape_cast %swap3A_944 : vector<1x1x32x50xi32> to vector<32x50xi32>
    %swap3A_946 = vector.shape_cast %add3A_939 : vector<32x50xi32> to vector<1x1x32x50xi32>
    tpu.vector_store %arg1[%swap3A_940, %swap3A_941, %swap3A_942, %swap3A_943], %swap3A_946 {strides = array<i32>} : memref<3x11x32x50xi32, #tpu.memory_space<vmem>>, vector<1x1x32x50xi32>,
    %add3A_947 = arith.constant 320 : i32
    %add3A_948 = vector.broadcast %add3A_947 : i32 to vector<32x50xi32>
    %add3A_949 = arith.addi %add3A_948, %iota3A : vector<32x50xi32>
    %mul3A_950 = arith.constant 14336 : i32
    %mul3A_951 = vector.broadcast %mul3A_950 : i32 to vector<32x50xi32>
    %mul3A_952 = arith.muli %add3A_949, %mul3A_951 : vector<32x50xi32>
    %add3A_953 = arith.addi %mul3A_952, %add3A_707 : vector<32x50xi32>
    %swap3A_954 = arith.constant 1 : index
    %swap3A_955 = arith.constant 5 : index
    %swap3A_956 = arith.constant 0 : index
    %swap3A_957 = arith.constant 0 : index
    %swap3A_958 = vector.load %arg1[%swap3A_954, %swap3A_955, %swap3A_956, %swap3A_957] : memref<3x11x32x50xi32, #tpu.memory_space<vmem>>, vector<1x1x32x50xi32>
    %swap3A_959 = vector.shape_cast %swap3A_958 : vector<1x1x32x50xi32> to vector<32x50xi32>
    %swap3A_960 = vector.shape_cast %add3A_953 : vector<32x50xi32> to vector<1x1x32x50xi32>
    tpu.vector_store %arg1[%swap3A_954, %swap3A_955, %swap3A_956, %swap3A_957], %swap3A_960 {strides = array<i32>} : memref<3x11x32x50xi32, #tpu.memory_space<vmem>>, vector<1x1x32x50xi32>,
    %add3A_961 = arith.constant 512 : i32
    %add3A_962 = vector.broadcast %add3A_961 : i32 to vector<32x50xi32>
    %add3A_963 = arith.addi %add3A_962, %iota3A : vector<32x50xi32>
    %mul3A_964 = arith.constant 14336 : i32
    %mul3A_965 = vector.broadcast %mul3A_964 : i32 to vector<32x50xi32>
    %mul3A_966 = arith.muli %add3A_963, %mul3A_965 : vector<32x50xi32>
    %add3A_967 = arith.addi %mul3A_966, %add3A_707 : vector<32x50xi32>
    %swap3A_968 = arith.constant 1 : index
    %swap3A_969 = arith.constant 6 : index
    %swap3A_970 = arith.constant 0 : index
    %swap3A_971 = arith.constant 0 : index
    %swap3A_972 = vector.load %arg1[%swap3A_968, %swap3A_969, %swap3A_970, %swap3A_971] : memref<3x11x32x50xi32, #tpu.memory_space<vmem>>, vector<1x1x32x50xi32>
    %swap3A_973 = vector.shape_cast %swap3A_972 : vector<1x1x32x50xi32> to vector<32x50xi32>
    %swap3A_974 = vector.shape_cast %add3A_967 : vector<32x50xi32> to vector<1x1x32x50xi32>
    tpu.vector_store %arg1[%swap3A_968, %swap3A_969, %swap3A_970, %swap3A_971], %swap3A_974 {strides = array<i32>} : memref<3x11x32x50xi32, #tpu.memory_space<vmem>>, vector<1x1x32x50xi32>,
    %mul3A_975 = arith.constant 6 : i32
    %mul3A_976 = vector.broadcast %mul3A_975 : i32 to vector<32x50xi32>
    %mul3A_977 = arith.muli %select_n3A_678, %mul3A_976 : vector<32x50xi32>
    %add3A_978 = arith.constant 5 : i32
    %add3A_979 = vector.broadcast %add3A_978 : i32 to vector<32x50xi32>
    %add3A_980 = arith.addi %mul3A_977, %add3A_979 : vector<32x50xi32>
    %mul3A_981 = arith.constant 32 : i32
    %mul3A_982 = vector.broadcast %mul3A_981 : i32 to vector<32x50xi32>
    %mul3A_983 = arith.muli %add3A_980, %mul3A_982 : vector<32x50xi32>
    %add3A_984 = arith.addi %mul3A_983, %mul3A_51 : vector<32x50xi32>
    %add3A_985 = arith.constant 0 : i32
    %add3A_986 = vector.broadcast %add3A_985 : i32 to vector<32x50xi32>
    %add3A_987 = arith.addi %add3A_984, %add3A_986 : vector<32x50xi32>
    %mul3A_988 = arith.constant 14336 : i32
    %mul3A_989 = vector.broadcast %mul3A_988 : i32 to vector<32x50xi32>
    %mul3A_990 = arith.muli %add3A_987, %mul3A_989 : vector<32x50xi32>
    %add3A_991 = arith.addi %mul3A_990, %add3A_707 : vector<32x50xi32>
    %swap3A_992 = arith.constant 1 : index
    %swap3A_993 = arith.constant 7 : index
    %swap3A_994 = arith.constant 0 : index
    %swap3A_995 = arith.constant 0 : index
    %swap3A_996 = vector.load %arg1[%swap3A_992, %swap3A_993, %swap3A_994, %swap3A_995] : memref<3x11x32x50xi32, #tpu.memory_space<vmem>>, vector<1x1x32x50xi32>
    %swap3A_997 = vector.shape_cast %swap3A_996 : vector<1x1x32x50xi32> to vector<32x50xi32>
    %swap3A_998 = vector.shape_cast %add3A_991 : vector<32x50xi32> to vector<1x1x32x50xi32>
    tpu.vector_store %arg1[%swap3A_992, %swap3A_993, %swap3A_994, %swap3A_995], %swap3A_998 {strides = array<i32>} : memref<3x11x32x50xi32, #tpu.memory_space<vmem>>, vector<1x1x32x50xi32>,
    %mul3A_999 = arith.constant 6 : i32
    %mul3A_1000 = vector.broadcast %mul3A_999 : i32 to vector<32x50xi32>
    %mul3A_1001 = arith.muli %select_n3A_678, %mul3A_1000 : vector<32x50xi32>
    %add3A_1002 = arith.constant 5 : i32
    %add3A_1003 = vector.broadcast %add3A_1002 : i32 to vector<32x50xi32>
    %add3A_1004 = arith.addi %mul3A_1001, %add3A_1003 : vector<32x50xi32>
    %mul3A_1005 = arith.constant 32 : i32
    %mul3A_1006 = vector.broadcast %mul3A_1005 : i32 to vector<32x50xi32>
    %mul3A_1007 = arith.muli %add3A_1004, %mul3A_1006 : vector<32x50xi32>
    %add3A_1008 = arith.addi %mul3A_1007, %mul3A_51 : vector<32x50xi32>
    %add3A_1009 = arith.constant 1 : i32
    %add3A_1010 = vector.broadcast %add3A_1009 : i32 to vector<32x50xi32>
    %add3A_1011 = arith.addi %add3A_1008, %add3A_1010 : vector<32x50xi32>
    %mul3A_1012 = arith.constant 14336 : i32
    %mul3A_1013 = vector.broadcast %mul3A_1012 : i32 to vector<32x50xi32>
    %mul3A_1014 = arith.muli %add3A_1011, %mul3A_1013 : vector<32x50xi32>
    %add3A_1015 = arith.addi %mul3A_1014, %add3A_707 : vector<32x50xi32>
    %swap3A_1016 = arith.constant 1 : index
    %swap3A_1017 = arith.constant 8 : index
    %swap3A_1018 = arith.constant 0 : index
    %swap3A_1019 = arith.constant 0 : index
    %swap3A_1020 = vector.load %arg1[%swap3A_1016, %swap3A_1017, %swap3A_1018, %swap3A_1019] : memref<3x11x32x50xi32, #tpu.memory_space<vmem>>, vector<1x1x32x50xi32>
    %swap3A_1021 = vector.shape_cast %swap3A_1020 : vector<1x1x32x50xi32> to vector<32x50xi32>
    %swap3A_1022 = vector.shape_cast %add3A_1015 : vector<32x50xi32> to vector<1x1x32x50xi32>
    tpu.vector_store %arg1[%swap3A_1016, %swap3A_1017, %swap3A_1018, %swap3A_1019], %swap3A_1022 {strides = array<i32>} : memref<3x11x32x50xi32, #tpu.memory_space<vmem>>, vector<1x1x32x50xi32>,
    %mul3A_1023 = arith.constant 6 : i32
    %mul3A_1024 = vector.broadcast %mul3A_1023 : i32 to vector<32x50xi32>
    %mul3A_1025 = arith.muli %select_n3A_678, %mul3A_1024 : vector<32x50xi32>
    %add3A_1026 = arith.constant 5 : i32
    %add3A_1027 = vector.broadcast %add3A_1026 : i32 to vector<32x50xi32>
    %add3A_1028 = arith.addi %mul3A_1025, %add3A_1027 : vector<32x50xi32>
    %mul3A_1029 = arith.constant 32 : i32
    %mul3A_1030 = vector.broadcast %mul3A_1029 : i32 to vector<32x50xi32>
    %mul3A_1031 = arith.muli %add3A_1028, %mul3A_1030 : vector<32x50xi32>
    %add3A_1032 = arith.addi %mul3A_1031, %mul3A_51 : vector<32x50xi32>
    %add3A_1033 = arith.constant 2 : i32
    %add3A_1034 = vector.broadcast %add3A_1033 : i32 to vector<32x50xi32>
    %add3A_1035 = arith.addi %add3A_1032, %add3A_1034 : vector<32x50xi32>
    %mul3A_1036 = arith.constant 14336 : i32
    %mul3A_1037 = vector.broadcast %mul3A_1036 : i32 to vector<32x50xi32>
    %mul3A_1038 = arith.muli %add3A_1035, %mul3A_1037 : vector<32x50xi32>
    %add3A_1039 = arith.addi %mul3A_1038, %add3A_707 : vector<32x50xi32>
    %swap3A_1040 = arith.constant 1 : index
    %swap3A_1041 = arith.constant 9 : index
    %swap3A_1042 = arith.constant 0 : index
    %swap3A_1043 = arith.constant 0 : index
    %swap3A_1044 = vector.load %arg1[%swap3A_1040, %swap3A_1041, %swap3A_1042, %swap3A_1043] : memref<3x11x32x50xi32, #tpu.memory_space<vmem>>, vector<1x1x32x50xi32>
    %swap3A_1045 = vector.shape_cast %swap3A_1044 : vector<1x1x32x50xi32> to vector<32x50xi32>
    %swap3A_1046 = vector.shape_cast %add3A_1039 : vector<32x50xi32> to vector<1x1x32x50xi32>
    tpu.vector_store %arg1[%swap3A_1040, %swap3A_1041, %swap3A_1042, %swap3A_1043], %swap3A_1046 {strides = array<i32>} : memref<3x11x32x50xi32, #tpu.memory_space<vmem>>, vector<1x1x32x50xi32>,
    %mul3A_1047 = arith.constant 6 : i32
    %mul3A_1048 = vector.broadcast %mul3A_1047 : i32 to vector<32x50xi32>
    %mul3A_1049 = arith.muli %select_n3A_678, %mul3A_1048 : vector<32x50xi32>
    %add3A_1050 = arith.constant 5 : i32
    %add3A_1051 = vector.broadcast %add3A_1050 : i32 to vector<32x50xi32>
    %add3A_1052 = arith.addi %mul3A_1049, %add3A_1051 : vector<32x50xi32>
    %mul3A_1053 = arith.constant 32 : i32
    %mul3A_1054 = vector.broadcast %mul3A_1053 : i32 to vector<32x50xi32>
    %mul3A_1055 = arith.muli %add3A_1052, %mul3A_1054 : vector<32x50xi32>
    %add3A_1056 = arith.addi %mul3A_1055, %mul3A_51 : vector<32x50xi32>
    %add3A_1057 = arith.constant 3 : i32
    %add3A_1058 = vector.broadcast %add3A_1057 : i32 to vector<32x50xi32>
    %add3A_1059 = arith.addi %add3A_1056, %add3A_1058 : vector<32x50xi32>
    %mul3A_1060 = arith.constant 14336 : i32
    %mul3A_1061 = vector.broadcast %mul3A_1060 : i32 to vector<32x50xi32>
    %mul3A_1062 = arith.muli %add3A_1059, %mul3A_1061 : vector<32x50xi32>
    %add3A_1063 = arith.addi %mul3A_1062, %add3A_707 : vector<32x50xi32>
    %swap3A_1064 = arith.constant 1 : index
    %swap3A_1065 = arith.constant 10 : index
    %swap3A_1066 = arith.constant 0 : index
    %swap3A_1067 = arith.constant 0 : index
    %swap3A_1068 = vector.load %arg1[%swap3A_1064, %swap3A_1065, %swap3A_1066, %swap3A_1067] : memref<3x11x32x50xi32, #tpu.memory_space<vmem>>, vector<1x1x32x50xi32>
    %swap3A_1069 = vector.shape_cast %swap3A_1068 : vector<1x1x32x50xi32> to vector<32x50xi32>
    %swap3A_1070 = vector.shape_cast %add3A_1063 : vector<32x50xi32> to vector<1x1x32x50xi32>
    tpu.vector_store %arg1[%swap3A_1064, %swap3A_1065, %swap3A_1066, %swap3A_1067], %swap3A_1070 {strides = array<i32>} : memref<3x11x32x50xi32, #tpu.memory_space<vmem>>, vector<1x1x32x50xi32>,
    %sub3A_1071 = arith.subf %mul3A_681, %floor3A_685 : vector<32x50xf32>
    %swap3A_1072 = arith.constant 1 : index
    %swap3A_1073 = arith.constant 0 : index
    %swap3A_1074 = arith.constant 0 : index
    %swap3A_1075 = arith.constant 0 : index
    %swap3A_1076 = vector.load %arg2[%swap3A_1072, %swap3A_1073, %swap3A_1074, %swap3A_1075] : memref<3x12x32x50xf32, #tpu.memory_space<vmem>>, vector<1x1x32x50xf32>
    %swap3A_1077 = vector.shape_cast %swap3A_1076 : vector<1x1x32x50xf32> to vector<32x50xf32>
    %swap3A_1078 = vector.shape_cast %sub3A_1071 : vector<32x50xf32> to vector<1x1x32x50xf32>
    tpu.vector_store %arg2[%swap3A_1072, %swap3A_1073, %swap3A_1074, %swap3A_1075], %swap3A_1078 {strides = array<i32>} : memref<3x12x32x50xf32, #tpu.memory_space<vmem>>, vector<1x1x32x50xf32>,
    %sub3A_1079 = arith.subf %mul3A_684, %floor3A_686 : vector<32x50xf32>
    %swap3A_1080 = arith.constant 1 : index
    %swap3A_1081 = arith.constant 1 : index
    %swap3A_1082 = arith.constant 0 : index
    %swap3A_1083 = arith.constant 0 : index
    %swap3A_1084 = vector.load %arg2[%swap3A_1080, %swap3A_1081, %swap3A_1082, %swap3A_1083] : memref<3x12x32x50xf32, #tpu.memory_space<vmem>>, vector<1x1x32x50xf32>
    %swap3A_1085 = vector.shape_cast %swap3A_1084 : vector<1x1x32x50xf32> to vector<32x50xf32>
    %swap3A_1086 = vector.shape_cast %sub3A_1079 : vector<32x50xf32> to vector<1x1x32x50xf32>
    tpu.vector_store %arg2[%swap3A_1080, %swap3A_1081, %swap3A_1082, %swap3A_1083], %swap3A_1086 {strides = array<i32>} : memref<3x12x32x50xf32, #tpu.memory_space<vmem>>, vector<1x1x32x50xf32>,
    %max3A_1087 = arith.constant 9.99999997E-7 : f32
    %max3A_1088 = vector.broadcast %max3A_1087 : f32 to vector<32x50xf32>
    %max3A_1089 = arith.maximumf %mul3A_22, %max3A_1088 : vector<32x50xf32>
    %div3A_1090 = arith.divf %max3A_1089, %select_n3A_725 : vector<32x50xf32>
    %log3A_1091 = math.log %div3A_1090 : vector<32x50xf32>
    %swap3A_1092 = arith.constant 1 : index
    %swap3A_1093 = arith.constant 2 : index
    %swap3A_1094 = arith.constant 0 : index
    %swap3A_1095 = arith.constant 0 : index
    %swap3A_1096 = vector.load %arg2[%swap3A_1092, %swap3A_1093, %swap3A_1094, %swap3A_1095] : memref<3x12x32x50xf32, #tpu.memory_space<vmem>>, vector<1x1x32x50xf32>
    %swap3A_1097 = vector.shape_cast %swap3A_1096 : vector<1x1x32x50xf32> to vector<32x50xf32>
    %swap3A_1098 = vector.shape_cast %log3A_1091 : vector<32x50xf32> to vector<1x1x32x50xf32>
    tpu.vector_store %arg2[%swap3A_1092, %swap3A_1093, %swap3A_1094, %swap3A_1095], %swap3A_1098 {strides = array<i32>} : memref<3x12x32x50xf32, #tpu.memory_space<vmem>>, vector<1x1x32x50xf32>,
    %max3A_1099 = arith.constant 9.99999997E-7 : f32
    %max3A_1100 = vector.broadcast %max3A_1099 : f32 to vector<32x50xf32>
    %max3A_1101 = arith.maximumf %mul3A_25, %max3A_1100 : vector<32x50xf32>
    %div3A_1102 = arith.divf %max3A_1101, %select_n3A_739 : vector<32x50xf32>
    %log3A_1103 = math.log %div3A_1102 : vector<32x50xf32>
    %swap3A_1104 = arith.constant 1 : index
    %swap3A_1105 = arith.constant 3 : index
    %swap3A_1106 = arith.constant 0 : index
    %swap3A_1107 = arith.constant 0 : index
    %swap3A_1108 = vector.load %arg2[%swap3A_1104, %swap3A_1105, %swap3A_1106, %swap3A_1107] : memref<3x12x32x50xf32, #tpu.memory_space<vmem>>, vector<1x1x32x50xf32>
    %swap3A_1109 = vector.shape_cast %swap3A_1108 : vector<1x1x32x50xf32> to vector<32x50xf32>
    %swap3A_1110 = vector.shape_cast %log3A_1103 : vector<32x50xf32> to vector<1x1x32x50xf32>
    tpu.vector_store %arg2[%swap3A_1104, %swap3A_1105, %swap3A_1106, %swap3A_1107], %swap3A_1110 {strides = array<i32>} : memref<3x12x32x50xf32, #tpu.memory_space<vmem>>, vector<1x1x32x50xf32>,
    %convert_element_type3A_1111 = arith.extui %and3A_762 : vector<32x50xi1> to vector<32x50xi32>
    %convert_element_type3A_1112 = arith.sitofp %convert_element_type3A_1111 : vector<32x50xi32> to vector<32x50xf32>
    %swap3A_1113 = arith.constant 1 : index
    %swap3A_1114 = arith.constant 4 : index
    %swap3A_1115 = arith.constant 0 : index
    %swap3A_1116 = arith.constant 0 : index
    %swap3A_1117 = vector.load %arg2[%swap3A_1113, %swap3A_1114, %swap3A_1115, %swap3A_1116] : memref<3x12x32x50xf32, #tpu.memory_space<vmem>>, vector<1x1x32x50xf32>
    %swap3A_1118 = vector.shape_cast %swap3A_1117 : vector<1x1x32x50xf32> to vector<32x50xf32>
    %swap3A_1119 = vector.shape_cast %convert_element_type3A_1112 : vector<32x50xf32> to vector<1x1x32x50xf32>
    tpu.vector_store %arg2[%swap3A_1113, %swap3A_1114, %swap3A_1115, %swap3A_1116], %swap3A_1119 {strides = array<i32>} : memref<3x12x32x50xf32, #tpu.memory_space<vmem>>, vector<1x1x32x50xf32>,
    %convert_element_type3A_1120 = arith.extui %gt3A_20 : vector<32x50xi1> to vector<32x50xi32>
    %convert_element_type3A_1121 = arith.sitofp %convert_element_type3A_1120 : vector<32x50xi32> to vector<32x50xf32>
    %swap3A_1122 = arith.constant 1 : index
    %swap3A_1123 = arith.constant 5 : index
    %swap3A_1124 = arith.constant 0 : index
    %swap3A_1125 = arith.constant 0 : index
    %swap3A_1126 = vector.load %arg2[%swap3A_1122, %swap3A_1123, %swap3A_1124, %swap3A_1125] : memref<3x12x32x50xf32, #tpu.memory_space<vmem>>, vector<1x1x32x50xf32>
    %swap3A_1127 = vector.shape_cast %swap3A_1126 : vector<1x1x32x50xf32> to vector<32x50xf32>
    %swap3A_1128 = vector.shape_cast %convert_element_type3A_1121 : vector<32x50xf32> to vector<1x1x32x50xf32>
    tpu.vector_store %arg2[%swap3A_1122, %swap3A_1123, %swap3A_1124, %swap3A_1125], %swap3A_1128 {strides = array<i32>} : memref<3x12x32x50xf32, #tpu.memory_space<vmem>>, vector<1x1x32x50xf32>,
    %convert_element_type3A_1129 = arith.extui %and3A_812 : vector<32x50xi1> to vector<32x50xi32>
    %convert_element_type3A_1130 = arith.sitofp %convert_element_type3A_1129 : vector<32x50xi32> to vector<32x50xf32>
    %swap3A_1131 = arith.constant 1 : index
    %swap3A_1132 = arith.constant 6 : index
    %swap3A_1133 = arith.constant 0 : index
    %swap3A_1134 = arith.constant 0 : index
    %swap3A_1135 = vector.load %arg2[%swap3A_1131, %swap3A_1132, %swap3A_1133, %swap3A_1134] : memref<3x12x32x50xf32, #tpu.memory_space<vmem>>, vector<1x1x32x50xf32>
    %swap3A_1136 = vector.shape_cast %swap3A_1135 : vector<1x1x32x50xf32> to vector<32x50xf32>
    %swap3A_1137 = vector.shape_cast %convert_element_type3A_1130 : vector<32x50xf32> to vector<1x1x32x50xf32>
    tpu.vector_store %arg2[%swap3A_1131, %swap3A_1132, %swap3A_1133, %swap3A_1134], %swap3A_1137 {strides = array<i32>} : memref<3x12x32x50xf32, #tpu.memory_space<vmem>>, vector<1x1x32x50xf32>,
    %eq3A_1138 = arith.constant 0 : i32
    %eq3A_1139 = vector.broadcast %eq3A_1138 : i32 to vector<32x50xi32>
    %eq3A_1140 = arith.cmpi eq, %select_n3A_678, %eq3A_1139 : vector<32x50xi32>
    %convert_element_type3A_1141 = arith.extui %eq3A_1140 : vector<32x50xi1> to vector<32x50xi32>
    %convert_element_type3A_1142 = arith.sitofp %convert_element_type3A_1141 : vector<32x50xi32> to vector<32x50xf32>
    %swap3A_1143 = arith.constant 1 : index
    %swap3A_1144 = arith.constant 9 : index
    %swap3A_1145 = arith.constant 0 : index
    %swap3A_1146 = arith.constant 0 : index
    %swap3A_1147 = vector.load %arg2[%swap3A_1143, %swap3A_1144, %swap3A_1145, %swap3A_1146] : memref<3x12x32x50xf32, #tpu.memory_space<vmem>>, vector<1x1x32x50xf32>
    %swap3A_1148 = vector.shape_cast %swap3A_1147 : vector<1x1x32x50xf32> to vector<32x50xf32>
    %swap3A_1149 = vector.shape_cast %convert_element_type3A_1142 : vector<32x50xf32> to vector<1x1x32x50xf32>
    tpu.vector_store %arg2[%swap3A_1143, %swap3A_1144, %swap3A_1145, %swap3A_1146], %swap3A_1149 {strides = array<i32>} : memref<3x12x32x50xf32, #tpu.memory_space<vmem>>, vector<1x1x32x50xf32>,
    %convert_element_type3A_1150 = arith.extui %and3A_830 : vector<32x50xi1> to vector<32x50xi32>
    %convert_element_type3A_1151 = arith.sitofp %convert_element_type3A_1150 : vector<32x50xi32> to vector<32x50xf32>
    %swap3A_1152 = arith.constant 1 : index
    %swap3A_1153 = arith.constant 7 : index
    %swap3A_1154 = arith.constant 0 : index
    %swap3A_1155 = arith.constant 0 : index
    %swap3A_1156 = vector.load %arg2[%swap3A_1152, %swap3A_1153, %swap3A_1154, %swap3A_1155] : memref<3x12x32x50xf32, #tpu.memory_space<vmem>>, vector<1x1x32x50xf32>
    %swap3A_1157 = vector.shape_cast %swap3A_1156 : vector<1x1x32x50xf32> to vector<32x50xf32>
    %swap3A_1158 = vector.shape_cast %convert_element_type3A_1151 : vector<32x50xf32> to vector<1x1x32x50xf32>
    tpu.vector_store %arg2[%swap3A_1152, %swap3A_1153, %swap3A_1154, %swap3A_1155], %swap3A_1158 {strides = array<i32>} : memref<3x12x32x50xf32, #tpu.memory_space<vmem>>, vector<1x1x32x50xf32>,
    %eq3A_1159 = arith.constant 1 : i32
    %eq3A_1160 = vector.broadcast %eq3A_1159 : i32 to vector<32x50xi32>
    %eq3A_1161 = arith.cmpi eq, %select_n3A_678, %eq3A_1160 : vector<32x50xi32>
    %convert_element_type3A_1162 = arith.extui %eq3A_1161 : vector<32x50xi1> to vector<32x50xi32>
    %convert_element_type3A_1163 = arith.sitofp %convert_element_type3A_1162 : vector<32x50xi32> to vector<32x50xf32>
    %swap3A_1164 = arith.constant 1 : index
    %swap3A_1165 = arith.constant 10 : index
    %swap3A_1166 = arith.constant 0 : index
    %swap3A_1167 = arith.constant 0 : index
    %swap3A_1168 = vector.load %arg2[%swap3A_1164, %swap3A_1165, %swap3A_1166, %swap3A_1167] : memref<3x12x32x50xf32, #tpu.memory_space<vmem>>, vector<1x1x32x50xf32>
    %swap3A_1169 = vector.shape_cast %swap3A_1168 : vector<1x1x32x50xf32> to vector<32x50xf32>
    %swap3A_1170 = vector.shape_cast %convert_element_type3A_1163 : vector<32x50xf32> to vector<1x1x32x50xf32>
    tpu.vector_store %arg2[%swap3A_1164, %swap3A_1165, %swap3A_1166, %swap3A_1167], %swap3A_1170 {strides = array<i32>} : memref<3x12x32x50xf32, #tpu.memory_space<vmem>>, vector<1x1x32x50xf32>,
    %convert_element_type3A_1171 = arith.extui %and3A_848 : vector<32x50xi1> to vector<32x50xi32>
    %convert_element_type3A_1172 = arith.sitofp %convert_element_type3A_1171 : vector<32x50xi32> to vector<32x50xf32>
    %swap3A_1173 = arith.constant 1 : index
    %swap3A_1174 = arith.constant 8 : index
    %swap3A_1175 = arith.constant 0 : index
    %swap3A_1176 = arith.constant 0 : index
    %swap3A_1177 = vector.load %arg2[%swap3A_1173, %swap3A_1174, %swap3A_1175, %swap3A_1176] : memref<3x12x32x50xf32, #tpu.memory_space<vmem>>, vector<1x1x32x50xf32>
    %swap3A_1178 = vector.shape_cast %swap3A_1177 : vector<1x1x32x50xf32> to vector<32x50xf32>
    %swap3A_1179 = vector.shape_cast %convert_element_type3A_1172 : vector<32x50xf32> to vector<1x1x32x50xf32>
    tpu.vector_store %arg2[%swap3A_1173, %swap3A_1174, %swap3A_1175, %swap3A_1176], %swap3A_1179 {strides = array<i32>} : memref<3x12x32x50xf32, #tpu.memory_space<vmem>>, vector<1x1x32x50xf32>,
    %eq3A_1180 = arith.constant 2 : i32
    %eq3A_1181 = vector.broadcast %eq3A_1180 : i32 to vector<32x50xi32>
    %eq3A_1182 = arith.cmpi eq, %select_n3A_678, %eq3A_1181 : vector<32x50xi32>
    %convert_element_type3A_1183 = arith.extui %eq3A_1182 : vector<32x50xi1> to vector<32x50xi32>
    %convert_element_type3A_1184 = arith.sitofp %convert_element_type3A_1183 : vector<32x50xi32> to vector<32x50xf32>
    %swap3A_1185 = arith.constant 1 : index
    %swap3A_1186 = arith.constant 11 : index
    %swap3A_1187 = arith.constant 0 : index
    %swap3A_1188 = arith.constant 0 : index
    %swap3A_1189 = vector.load %arg2[%swap3A_1185, %swap3A_1186, %swap3A_1187, %swap3A_1188] : memref<3x12x32x50xf32, #tpu.memory_space<vmem>>, vector<1x1x32x50xf32>
    %swap3A_1190 = vector.shape_cast %swap3A_1189 : vector<1x1x32x50xf32> to vector<32x50xf32>
    %swap3A_1191 = vector.shape_cast %convert_element_type3A_1184 : vector<32x50xf32> to vector<1x1x32x50xf32>
    tpu.vector_store %arg2[%swap3A_1185, %swap3A_1186, %swap3A_1187, %swap3A_1188], %swap3A_1191 {strides = array<i32>} : memref<3x12x32x50xf32, #tpu.memory_space<vmem>>, vector<1x1x32x50xf32>,
    %min3A_1192 = arith.constant 1.000000e+01 : f32
    %min3A_1193 = vector.broadcast %min3A_1192 : f32 to vector<32x50xf32>
    %min3A_1194 = arith.minimumf %mul3A_22, %min3A_1193 : vector<32x50xf32>
    %min3A_1195 = arith.constant 1.300000e+01 : f32
    %min3A_1196 = vector.broadcast %min3A_1195 : f32 to vector<32x50xf32>
    %min3A_1197 = arith.minimumf %mul3A_25, %min3A_1196 : vector<32x50xf32>
    %mul3A_1198 = arith.mulf %min3A_1194, %min3A_1197 : vector<32x50xf32>
    %mul3A_1199 = arith.mulf %mul3A_22, %mul3A_25 : vector<32x50xf32>
    %add3A_1200 = arith.constant 1.300000e+02 : f32
    %add3A_1201 = vector.broadcast %add3A_1200 : f32 to vector<32x50xf32>
    %add3A_1202 = arith.addf %mul3A_1199, %add3A_1201 : vector<32x50xf32>
    %sub3A_1203 = arith.subf %add3A_1202, %mul3A_1198 : vector<32x50xf32>
    %add3A_1204 = arith.constant 1.000000e-16 : f32
    %add3A_1205 = vector.broadcast %add3A_1204 : f32 to vector<32x50xf32>
    %add3A_1206 = arith.addf %sub3A_1203, %add3A_1205 : vector<32x50xf32>
    %div3A_1207 = arith.divf %mul3A_1198, %add3A_1206 : vector<32x50xf32>
    %min3A_1208 = arith.constant 1.600000e+01 : f32
    %min3A_1209 = vector.broadcast %min3A_1208 : f32 to vector<32x50xf32>
    %min3A_1210 = arith.minimumf %mul3A_22, %min3A_1209 : vector<32x50xf32>
    %min3A_1211 = arith.constant 3.000000e+01 : f32
    %min3A_1212 = vector.broadcast %min3A_1211 : f32 to vector<32x50xf32>
    %min3A_1213 = arith.minimumf %mul3A_25, %min3A_1212 : vector<32x50xf32>
    %mul3A_1214 = arith.mulf %min3A_1210, %min3A_1213 : vector<32x50xf32>
    %mul3A_1215 = arith.mulf %mul3A_22, %mul3A_25 : vector<32x50xf32>
    %add3A_1216 = arith.constant 4.800000e+02 : f32
    %add3A_1217 = vector.broadcast %add3A_1216 : f32 to vector<32x50xf32>
    %add3A_1218 = arith.addf %mul3A_1215, %add3A_1217 : vector<32x50xf32>
    %sub3A_1219 = arith.subf %add3A_1218, %mul3A_1214 : vector<32x50xf32>
    %add3A_1220 = arith.constant 1.000000e-16 : f32
    %add3A_1221 = vector.broadcast %add3A_1220 : f32 to vector<32x50xf32>
    %add3A_1222 = arith.addf %sub3A_1219, %add3A_1221 : vector<32x50xf32>
    %div3A_1223 = arith.divf %mul3A_1214, %add3A_1222 : vector<32x50xf32>
    %min3A_1224 = arith.constant 3.300000e+01 : f32
    %min3A_1225 = vector.broadcast %min3A_1224 : f32 to vector<32x50xf32>
    %min3A_1226 = arith.minimumf %mul3A_22, %min3A_1225 : vector<32x50xf32>
    %min3A_1227 = arith.constant 2.300000e+01 : f32
    %min3A_1228 = vector.broadcast %min3A_1227 : f32 to vector<32x50xf32>
    %min3A_1229 = arith.minimumf %mul3A_25, %min3A_1228 : vector<32x50xf32>
    %mul3A_1230 = arith.mulf %min3A_1226, %min3A_1229 : vector<32x50xf32>
    %mul3A_1231 = arith.mulf %mul3A_22, %mul3A_25 : vector<32x50xf32>
    %add3A_1232 = arith.constant 7.590000e+02 : f32
    %add3A_1233 = vector.broadcast %add3A_1232 : f32 to vector<32x50xf32>
    %add3A_1234 = arith.addf %mul3A_1231, %add3A_1233 : vector<32x50xf32>
    %sub3A_1235 = arith.subf %add3A_1234, %mul3A_1230 : vector<32x50xf32>
    %add3A_1236 = arith.constant 1.000000e-16 : f32
    %add3A_1237 = vector.broadcast %add3A_1236 : f32 to vector<32x50xf32>
    %add3A_1238 = arith.addf %sub3A_1235, %add3A_1237 : vector<32x50xf32>
    %div3A_1239 = arith.divf %mul3A_1230, %add3A_1238 : vector<32x50xf32>
    %ge3A_1240 = arith.cmpf oge, %div3A_1207, %div3A_1223 : vector<32x50xf32>
    %ge3A_1241 = arith.cmpf oge, %div3A_1207, %div3A_1239 : vector<32x50xf32>
    %jit3A_1242 = arith.constant 0 : i32
    %jit3A_1243 = arith.constant 2 : i32
    %broadcast_in_dim3A_1244 = vector.broadcast %jit3A_1242 : i32 to vector<32x50xi32>
    %broadcast_in_dim3A_1245 = vector.broadcast %jit3A_1243 : i32 to vector<32x50xi32>
    %select_n3A_1246 = arith.select %ge3A_1241, %broadcast_in_dim3A_1244, %broadcast_in_dim3A_1245 : vector<32x50xi1>, vector<32x50xi32>
    %ge3A_1247 = arith.cmpf oge, %div3A_1223, %div3A_1239 : vector<32x50xf32>
    %jit3A_1248 = arith.constant 1 : i32
    %jit3A_1249 = arith.constant 2 : i32
    %broadcast_in_dim3A_1250 = vector.broadcast %jit3A_1248 : i32 to vector<32x50xi32>
    %broadcast_in_dim3A_1251 = vector.broadcast %jit3A_1249 : i32 to vector<32x50xi32>
    %select_n3A_1252 = arith.select %ge3A_1247, %broadcast_in_dim3A_1250, %broadcast_in_dim3A_1251 : vector<32x50xi1>, vector<32x50xi32>
    %select_n3A_1253 = arith.select %ge3A_1240, %select_n3A_1246, %select_n3A_1252 : vector<32x50xi1>, vector<32x50xi32>
    %mul3A_1254 = arith.constant 1.040000e+02 : f32
    %mul3A_1255 = vector.broadcast %mul3A_1254 : f32 to vector<32x50xf32>
    %mul3A_1256 = arith.mulf %get3A_3, %mul3A_1255 : vector<32x50xf32>
    %mul3A_1257 = arith.constant 1.040000e+02 : f32
    %mul3A_1258 = vector.broadcast %mul3A_1257 : f32 to vector<32x50xf32>
    %mul3A_1259 = arith.mulf %get3A_8, %mul3A_1258 : vector<32x50xf32>
    %floor3A_1260 = math.floor %mul3A_1256 : vector<32x50xf32>
    %floor3A_1261 = math.floor %mul3A_1259 : vector<32x50xf32>
    %jit3A_1262 = arith.constant 0.000000e+00 : f32
    %jit3A_1263 = arith.constant 1.030000e+02 : f32
    %max3A_1264 = vector.broadcast %jit3A_1262 : f32 to vector<32x50xf32>
    %max3A_1265 = arith.maximumf %max3A_1264, %floor3A_1260 : vector<32x50xf32>
    %min3A_1266 = vector.broadcast %jit3A_1263 : f32 to vector<32x50xf32>
    %min3A_1267 = arith.minimumf %min3A_1266, %max3A_1265 : vector<32x50xf32>
    %convert_element_type3A_1268 = arith.fptosi %min3A_1267 : vector<32x50xf32> to vector<32x50xi32>
    %jit3A_1269 = arith.constant 0.000000e+00 : f32
    %jit3A_1270 = arith.constant 1.030000e+02 : f32
    %max3A_1271 = vector.broadcast %jit3A_1269 : f32 to vector<32x50xf32>
    %max3A_1272 = arith.maximumf %max3A_1271, %floor3A_1261 : vector<32x50xf32>
    %min3A_1273 = vector.broadcast %jit3A_1270 : f32 to vector<32x50xf32>
    %min3A_1274 = arith.minimumf %min3A_1273, %max3A_1272 : vector<32x50xf32>
    %convert_element_type3A_1275 = arith.fptosi %min3A_1274 : vector<32x50xf32> to vector<32x50xi32>
    %mul3A_1276 = arith.constant 104 : i32
    %mul3A_1277 = vector.broadcast %mul3A_1276 : i32 to vector<32x50xi32>
    %mul3A_1278 = arith.muli %convert_element_type3A_1275, %mul3A_1277 : vector<32x50xi32>
    %add3A_1279 = arith.addi %mul3A_1278, %convert_element_type3A_1268 : vector<32x50xi32>
    %add3A_1280 = arith.constant 3380 : i32
    %add3A_1281 = vector.broadcast %add3A_1280 : i32 to vector<32x50xi32>
    %add3A_1282 = arith.addi %add3A_1281, %add3A_1279 : vector<32x50xi32>
    %mul3A_1283 = arith.constant 10816 : i32
    %mul3A_1284 = vector.broadcast %mul3A_1283 : i32 to vector<32x50xi32>
    %mul3A_1285 = arith.muli %select_n3A_1253, %mul3A_1284 : vector<32x50xi32>
    %add3A_1286 = arith.addi %mul3A_1285, %add3A_1279 : vector<32x50xi32>
    %eq3A_1287 = arith.constant 0 : i32
    %eq3A_1288 = vector.broadcast %eq3A_1287 : i32 to vector<32x50xi32>
    %eq3A_1289 = arith.cmpi eq, %select_n3A_1253, %eq3A_1288 : vector<32x50xi32>
    %eq3A_1290 = arith.constant 1 : i32
    %eq3A_1291 = vector.broadcast %eq3A_1290 : i32 to vector<32x50xi32>
    %eq3A_1292 = arith.cmpi eq, %select_n3A_1253, %eq3A_1291 : vector<32x50xi32>
    %jit3A_1293 = arith.constant 1.600000e+01 : f32
    %jit3A_1294 = arith.constant 3.300000e+01 : f32
    %broadcast_in_dim3A_1295 = vector.broadcast %jit3A_1293 : f32 to vector<32x50xf32>
    %broadcast_in_dim3A_1296 = vector.broadcast %jit3A_1294 : f32 to vector<32x50xf32>
    %select_n3A_1297 = arith.select %eq3A_1292, %broadcast_in_dim3A_1295, %broadcast_in_dim3A_1296 : vector<32x50xi1>, vector<32x50xf32>
    %jit3A_1298 = arith.constant 1.000000e+01 : f32
    %broadcast_in_dim3A_1299 = vector.broadcast %jit3A_1298 : f32 to vector<32x50xf32>
    %select_n3A_1300 = arith.select %eq3A_1289, %broadcast_in_dim3A_1299, %select_n3A_1297 : vector<32x50xi1>, vector<32x50xf32>
    %eq3A_1301 = arith.constant 0 : i32
    %eq3A_1302 = vector.broadcast %eq3A_1301 : i32 to vector<32x50xi32>
    %eq3A_1303 = arith.cmpi eq, %select_n3A_1253, %eq3A_1302 : vector<32x50xi32>
    %eq3A_1304 = arith.constant 1 : i32
    %eq3A_1305 = vector.broadcast %eq3A_1304 : i32 to vector<32x50xi32>
    %eq3A_1306 = arith.cmpi eq, %select_n3A_1253, %eq3A_1305 : vector<32x50xi32>
    %jit3A_1307 = arith.constant 3.000000e+01 : f32
    %jit3A_1308 = arith.constant 2.300000e+01 : f32
    %broadcast_in_dim3A_1309 = vector.broadcast %jit3A_1307 : f32 to vector<32x50xf32>
    %broadcast_in_dim3A_1310 = vector.broadcast %jit3A_1308 : f32 to vector<32x50xf32>
    %select_n3A_1311 = arith.select %eq3A_1306, %broadcast_in_dim3A_1309, %broadcast_in_dim3A_1310 : vector<32x50xi1>, vector<32x50xf32>
    %jit3A_1312 = arith.constant 1.300000e+01 : f32
    %broadcast_in_dim3A_1313 = vector.broadcast %jit3A_1312 : f32 to vector<32x50xf32>
    %select_n3A_1314 = arith.select %eq3A_1303, %broadcast_in_dim3A_1313, %select_n3A_1311 : vector<32x50xi1>, vector<32x50xf32>
    %broadcast_in_dim3A_1315 = vector.shape_cast %add3A_1286 : vector<32x50xi32> to vector<32x50x1xi32>
    %broadcast_in_dim3A_1316 = vector.shape_cast %add3A_1286 : vector<32x50xi32> to vector<32x1x50xi32>
    %eq3A_1317 = vector.broadcast %broadcast_in_dim3A_1315 : vector<32x50x1xi32> to vector<32x50x50xi32>
    %eq3A_1318 = vector.broadcast %broadcast_in_dim3A_1316 : vector<32x1x50xi32> to vector<32x50x50xi32>
    %eq3A_1319 = arith.cmpi eq, %eq3A_1317, %eq3A_1318 : vector<32x50x50xi32>
    %broadcast_in_dim3A_1320 = vector.shape_cast %gt3A_20 : vector<32x50xi1> to vector<32x1x50xi1>
    %and3A_1321 = vector.broadcast %broadcast_in_dim3A_1320 : vector<32x1x50xi1> to vector<32x50x50xi1>
    %and3A_1322 = arith.andi %eq3A_1319, %and3A_1321 : vector<32x50x50xi1>
    %and3A_1323 = vector.broadcast %broadcast_in_dim3A : vector<1x50x50xi1> to vector<32x50x50xi1>
    %and3A_1324 = arith.andi %and3A_1322, %and3A_1323 : vector<32x50x50xi1>
    %reduce_or3A_1325 = arith.constant 1.000000e+00 : f32
    %reduce_or3A_1326 = arith.constant 0.000000e+00 : f32
    %reduce_or3A_1327 = vector.broadcast %reduce_or3A_1325 : f32 to vector<32x50x50xf32>
    %reduce_or3A_1328 = vector.broadcast %reduce_or3A_1326 : f32 to vector<32x50x50xf32>
    %reduce_or3A_1329 = arith.select %and3A_1324, %reduce_or3A_1327, %reduce_or3A_1328 : vector<32x50x50xi1>, vector<32x50x50xf32>
    %reduce_or3A_1330 = arith.constant dense<0xFF800000> : vector<32x50xf32>
    %reduce_or3A_1331 = vector.multi_reduction <maximumf>, %reduce_or3A_1329, %reduce_or3A_1330 [2] : vector<32x50x50xf32> to vector<32x50xf32>
    %reduce_or3A_1332 = arith.constant 0.000000e+00 : f32
    %reduce_or3A_1333 = vector.broadcast %reduce_or3A_1332 : f32 to vector<32x50xf32>
    %reduce_or3A_1334 = arith.cmpf ogt, %reduce_or3A_1331, %reduce_or3A_1333 : vector<32x50xf32>
    %not3A_1335 = arith.constant dense<true> : vector<32x50xi1>
    %not3A_1336 = arith.xori %reduce_or3A_1334, %not3A_1335 : vector<32x50xi1>
    %and3A_1337 = arith.andi %gt3A_20, %not3A_1336 : vector<32x50xi1>
    %gt3A_1338 = arith.constant 5.000000e-01 : f32
    %gt3A_1339 = vector.broadcast %gt3A_1338 : f32 to vector<32x50xf32>
    %gt3A_1340 = arith.cmpf ogt, %div3A_1207, %gt3A_1339 : vector<32x50xf32>
    %and3A_1341 = arith.andi %gt3A_1340, %gt3A_20 : vector<32x50xi1>
    %eq3A_1342 = arith.constant 0 : i32
    %eq3A_1343 = vector.broadcast %eq3A_1342 : i32 to vector<32x50xi32>
    %eq3A_1344 = arith.cmpi eq, %select_n3A_1253, %eq3A_1343 : vector<32x50xi32>
    %and3A_1345 = arith.andi %eq3A_1344, %gt3A_20 : vector<32x50xi1>
    %or3A_1346 = arith.ori %and3A_1341, %and3A_1345 : vector<32x50xi1>
    %gt3A_1347 = arith.constant 5.000000e-01 : f32
    %gt3A_1348 = vector.broadcast %gt3A_1347 : f32 to vector<32x50xf32>
    %gt3A_1349 = arith.cmpf ogt, %div3A_1223, %gt3A_1348 : vector<32x50xf32>
    %and3A_1350 = arith.andi %gt3A_1349, %gt3A_20 : vector<32x50xi1>
    %eq3A_1351 = arith.constant 1 : i32
    %eq3A_1352 = vector.broadcast %eq3A_1351 : i32 to vector<32x50xi32>
    %eq3A_1353 = arith.cmpi eq, %select_n3A_1253, %eq3A_1352 : vector<32x50xi32>
    %and3A_1354 = arith.andi %eq3A_1353, %gt3A_20 : vector<32x50xi1>
    %or3A_1355 = arith.ori %and3A_1350, %and3A_1354 : vector<32x50xi1>
    %gt3A_1356 = arith.constant 5.000000e-01 : f32
    %gt3A_1357 = vector.broadcast %gt3A_1356 : f32 to vector<32x50xf32>
    %gt3A_1358 = arith.cmpf ogt, %div3A_1239, %gt3A_1357 : vector<32x50xf32>
    %and3A_1359 = arith.andi %gt3A_1358, %gt3A_20 : vector<32x50xi1>
    %eq3A_1360 = arith.constant 2 : i32
    %eq3A_1361 = vector.broadcast %eq3A_1360 : i32 to vector<32x50xi32>
    %eq3A_1362 = arith.cmpi eq, %select_n3A_1253, %eq3A_1361 : vector<32x50xi32>
    %and3A_1363 = arith.andi %eq3A_1362, %gt3A_20 : vector<32x50xi1>
    %or3A_1364 = arith.ori %and3A_1359, %and3A_1363 : vector<32x50xi1>
    %broadcast_in_dim3A_1365 = vector.shape_cast %add3A_1279 : vector<32x50xi32> to vector<32x50x1xi32>
    %broadcast_in_dim3A_1366 = vector.shape_cast %add3A_1279 : vector<32x50xi32> to vector<32x1x50xi32>
    %eq3A_1367 = vector.broadcast %broadcast_in_dim3A_1365 : vector<32x50x1xi32> to vector<32x50x50xi32>
    %eq3A_1368 = vector.broadcast %broadcast_in_dim3A_1366 : vector<32x1x50xi32> to vector<32x50x50xi32>
    %eq3A_1369 = arith.cmpi eq, %eq3A_1367, %eq3A_1368 : vector<32x50x50xi32>
    %broadcast_in_dim3A_1370 = vector.shape_cast %or3A_1346 : vector<32x50xi1> to vector<32x1x50xi1>
    %and3A_1371 = vector.broadcast %broadcast_in_dim3A_1370 : vector<32x1x50xi1> to vector<32x50x50xi1>
    %and3A_1372 = arith.andi %eq3A_1369, %and3A_1371 : vector<32x50x50xi1>
    %and3A_1373 = vector.broadcast %broadcast_in_dim3A : vector<1x50x50xi1> to vector<32x50x50xi1>
    %and3A_1374 = arith.andi %and3A_1372, %and3A_1373 : vector<32x50x50xi1>
    %reduce_or3A_1375 = arith.constant 1.000000e+00 : f32
    %reduce_or3A_1376 = arith.constant 0.000000e+00 : f32
    %reduce_or3A_1377 = vector.broadcast %reduce_or3A_1375 : f32 to vector<32x50x50xf32>
    %reduce_or3A_1378 = vector.broadcast %reduce_or3A_1376 : f32 to vector<32x50x50xf32>
    %reduce_or3A_1379 = arith.select %and3A_1374, %reduce_or3A_1377, %reduce_or3A_1378 : vector<32x50x50xi1>, vector<32x50x50xf32>
    %reduce_or3A_1380 = arith.constant dense<0xFF800000> : vector<32x50xf32>
    %reduce_or3A_1381 = vector.multi_reduction <maximumf>, %reduce_or3A_1379, %reduce_or3A_1380 [2] : vector<32x50x50xf32> to vector<32x50xf32>
    %reduce_or3A_1382 = arith.constant 0.000000e+00 : f32
    %reduce_or3A_1383 = vector.broadcast %reduce_or3A_1382 : f32 to vector<32x50xf32>
    %reduce_or3A_1384 = arith.cmpf ogt, %reduce_or3A_1381, %reduce_or3A_1383 : vector<32x50xf32>
    %not3A_1385 = arith.constant dense<true> : vector<32x50xi1>
    %not3A_1386 = arith.xori %reduce_or3A_1384, %not3A_1385 : vector<32x50xi1>
    %and3A_1387 = arith.andi %or3A_1346, %not3A_1386 : vector<32x50xi1>
    %broadcast_in_dim3A_1388 = vector.shape_cast %or3A_1355 : vector<32x50xi1> to vector<32x1x50xi1>
    %and3A_1389 = vector.broadcast %broadcast_in_dim3A_1388 : vector<32x1x50xi1> to vector<32x50x50xi1>
    %and3A_1390 = arith.andi %eq3A_1369, %and3A_1389 : vector<32x50x50xi1>
    %and3A_1391 = vector.broadcast %broadcast_in_dim3A : vector<1x50x50xi1> to vector<32x50x50xi1>
    %and3A_1392 = arith.andi %and3A_1390, %and3A_1391 : vector<32x50x50xi1>
    %reduce_or3A_1393 = arith.constant 1.000000e+00 : f32
    %reduce_or3A_1394 = arith.constant 0.000000e+00 : f32
    %reduce_or3A_1395 = vector.broadcast %reduce_or3A_1393 : f32 to vector<32x50x50xf32>
    %reduce_or3A_1396 = vector.broadcast %reduce_or3A_1394 : f32 to vector<32x50x50xf32>
    %reduce_or3A_1397 = arith.select %and3A_1392, %reduce_or3A_1395, %reduce_or3A_1396 : vector<32x50x50xi1>, vector<32x50x50xf32>
    %reduce_or3A_1398 = arith.constant dense<0xFF800000> : vector<32x50xf32>
    %reduce_or3A_1399 = vector.multi_reduction <maximumf>, %reduce_or3A_1397, %reduce_or3A_1398 [2] : vector<32x50x50xf32> to vector<32x50xf32>
    %reduce_or3A_1400 = arith.constant 0.000000e+00 : f32
    %reduce_or3A_1401 = vector.broadcast %reduce_or3A_1400 : f32 to vector<32x50xf32>
    %reduce_or3A_1402 = arith.cmpf ogt, %reduce_or3A_1399, %reduce_or3A_1401 : vector<32x50xf32>
    %not3A_1403 = arith.constant dense<true> : vector<32x50xi1>
    %not3A_1404 = arith.xori %reduce_or3A_1402, %not3A_1403 : vector<32x50xi1>
    %and3A_1405 = arith.andi %or3A_1355, %not3A_1404 : vector<32x50xi1>
    %broadcast_in_dim3A_1406 = vector.shape_cast %or3A_1364 : vector<32x50xi1> to vector<32x1x50xi1>
    %and3A_1407 = vector.broadcast %broadcast_in_dim3A_1406 : vector<32x1x50xi1> to vector<32x50x50xi1>
    %and3A_1408 = arith.andi %eq3A_1369, %and3A_1407 : vector<32x50x50xi1>
    %and3A_1409 = vector.broadcast %broadcast_in_dim3A : vector<1x50x50xi1> to vector<32x50x50xi1>
    %and3A_1410 = arith.andi %and3A_1408, %and3A_1409 : vector<32x50x50xi1>
    %reduce_or3A_1411 = arith.constant 1.000000e+00 : f32
    %reduce_or3A_1412 = arith.constant 0.000000e+00 : f32
    %reduce_or3A_1413 = vector.broadcast %reduce_or3A_1411 : f32 to vector<32x50x50xf32>
    %reduce_or3A_1414 = vector.broadcast %reduce_or3A_1412 : f32 to vector<32x50x50xf32>
    %reduce_or3A_1415 = arith.select %and3A_1410, %reduce_or3A_1413, %reduce_or3A_1414 : vector<32x50x50xi1>, vector<32x50x50xf32>
    %reduce_or3A_1416 = arith.constant dense<0xFF800000> : vector<32x50xf32>
    %reduce_or3A_1417 = vector.multi_reduction <maximumf>, %reduce_or3A_1415, %reduce_or3A_1416 [2] : vector<32x50x50xf32> to vector<32x50xf32>
    %reduce_or3A_1418 = arith.constant 0.000000e+00 : f32
    %reduce_or3A_1419 = vector.broadcast %reduce_or3A_1418 : f32 to vector<32x50xf32>
    %reduce_or3A_1420 = arith.cmpf ogt, %reduce_or3A_1417, %reduce_or3A_1419 : vector<32x50xf32>
    %not3A_1421 = arith.constant dense<true> : vector<32x50xi1>
    %not3A_1422 = arith.xori %reduce_or3A_1420, %not3A_1421 : vector<32x50xi1>
    %and3A_1423 = arith.andi %or3A_1364, %not3A_1422 : vector<32x50xi1>
    %mul3A_1424 = arith.constant 6 : i32
    %mul3A_1425 = vector.broadcast %mul3A_1424 : i32 to vector<32x50xi32>
    %mul3A_1426 = arith.muli %select_n3A_1253, %mul3A_1425 : vector<32x50xi32>
    %add3A_1427 = arith.constant 0 : i32
    %add3A_1428 = vector.broadcast %add3A_1427 : i32 to vector<32x50xi32>
    %add3A_1429 = arith.addi %mul3A_1426, %add3A_1428 : vector<32x50xi32>
    %mul3A_1430 = arith.constant 32 : i32
    %mul3A_1431 = vector.broadcast %mul3A_1430 : i32 to vector<32x50xi32>
    %mul3A_1432 = arith.muli %add3A_1429, %mul3A_1431 : vector<32x50xi32>
    %add3A_1433 = arith.addi %mul3A_1432, %iota3A : vector<32x50xi32>
    %mul3A_1434 = arith.constant 14336 : i32
    %mul3A_1435 = vector.broadcast %mul3A_1434 : i32 to vector<32x50xi32>
    %mul3A_1436 = arith.muli %add3A_1433, %mul3A_1435 : vector<32x50xi32>
    %add3A_1437 = arith.addi %mul3A_1436, %add3A_1282 : vector<32x50xi32>
    %swap3A_1438 = arith.constant 2 : index
    %swap3A_1439 = arith.constant 0 : index
    %swap3A_1440 = arith.constant 0 : index
    %swap3A_1441 = arith.constant 0 : index
    %swap3A_1442 = vector.load %arg1[%swap3A_1438, %swap3A_1439, %swap3A_1440, %swap3A_1441] : memref<3x11x32x50xi32, #tpu.memory_space<vmem>>, vector<1x1x32x50xi32>
    %swap3A_1443 = vector.shape_cast %swap3A_1442 : vector<1x1x32x50xi32> to vector<32x50xi32>
    %swap3A_1444 = vector.shape_cast %add3A_1437 : vector<32x50xi32> to vector<1x1x32x50xi32>
    tpu.vector_store %arg1[%swap3A_1438, %swap3A_1439, %swap3A_1440, %swap3A_1441], %swap3A_1444 {strides = array<i32>} : memref<3x11x32x50xi32, #tpu.memory_space<vmem>>, vector<1x1x32x50xi32>,
    %mul3A_1445 = arith.constant 6 : i32
    %mul3A_1446 = vector.broadcast %mul3A_1445 : i32 to vector<32x50xi32>
    %mul3A_1447 = arith.muli %select_n3A_1253, %mul3A_1446 : vector<32x50xi32>
    %add3A_1448 = arith.constant 1 : i32
    %add3A_1449 = vector.broadcast %add3A_1448 : i32 to vector<32x50xi32>
    %add3A_1450 = arith.addi %mul3A_1447, %add3A_1449 : vector<32x50xi32>
    %mul3A_1451 = arith.constant 32 : i32
    %mul3A_1452 = vector.broadcast %mul3A_1451 : i32 to vector<32x50xi32>
    %mul3A_1453 = arith.muli %add3A_1450, %mul3A_1452 : vector<32x50xi32>
    %add3A_1454 = arith.addi %mul3A_1453, %iota3A : vector<32x50xi32>
    %mul3A_1455 = arith.constant 14336 : i32
    %mul3A_1456 = vector.broadcast %mul3A_1455 : i32 to vector<32x50xi32>
    %mul3A_1457 = arith.muli %add3A_1454, %mul3A_1456 : vector<32x50xi32>
    %add3A_1458 = arith.addi %mul3A_1457, %add3A_1282 : vector<32x50xi32>
    %swap3A_1459 = arith.constant 2 : index
    %swap3A_1460 = arith.constant 1 : index
    %swap3A_1461 = arith.constant 0 : index
    %swap3A_1462 = arith.constant 0 : index
    %swap3A_1463 = vector.load %arg1[%swap3A_1459, %swap3A_1460, %swap3A_1461, %swap3A_1462] : memref<3x11x32x50xi32, #tpu.memory_space<vmem>>, vector<1x1x32x50xi32>
    %swap3A_1464 = vector.shape_cast %swap3A_1463 : vector<1x1x32x50xi32> to vector<32x50xi32>
    %swap3A_1465 = vector.shape_cast %add3A_1458 : vector<32x50xi32> to vector<1x1x32x50xi32>
    tpu.vector_store %arg1[%swap3A_1459, %swap3A_1460, %swap3A_1461, %swap3A_1462], %swap3A_1465 {strides = array<i32>} : memref<3x11x32x50xi32, #tpu.memory_space<vmem>>, vector<1x1x32x50xi32>,
    %mul3A_1466 = arith.constant 6 : i32
    %mul3A_1467 = vector.broadcast %mul3A_1466 : i32 to vector<32x50xi32>
    %mul3A_1468 = arith.muli %select_n3A_1253, %mul3A_1467 : vector<32x50xi32>
    %add3A_1469 = arith.constant 2 : i32
    %add3A_1470 = vector.broadcast %add3A_1469 : i32 to vector<32x50xi32>
    %add3A_1471 = arith.addi %mul3A_1468, %add3A_1470 : vector<32x50xi32>
    %mul3A_1472 = arith.constant 32 : i32
    %mul3A_1473 = vector.broadcast %mul3A_1472 : i32 to vector<32x50xi32>
    %mul3A_1474 = arith.muli %add3A_1471, %mul3A_1473 : vector<32x50xi32>
    %add3A_1475 = arith.addi %mul3A_1474, %iota3A : vector<32x50xi32>
    %mul3A_1476 = arith.constant 14336 : i32
    %mul3A_1477 = vector.broadcast %mul3A_1476 : i32 to vector<32x50xi32>
    %mul3A_1478 = arith.muli %add3A_1475, %mul3A_1477 : vector<32x50xi32>
    %add3A_1479 = arith.addi %mul3A_1478, %add3A_1282 : vector<32x50xi32>
    %swap3A_1480 = arith.constant 2 : index
    %swap3A_1481 = arith.constant 2 : index
    %swap3A_1482 = arith.constant 0 : index
    %swap3A_1483 = arith.constant 0 : index
    %swap3A_1484 = vector.load %arg1[%swap3A_1480, %swap3A_1481, %swap3A_1482, %swap3A_1483] : memref<3x11x32x50xi32, #tpu.memory_space<vmem>>, vector<1x1x32x50xi32>
    %swap3A_1485 = vector.shape_cast %swap3A_1484 : vector<1x1x32x50xi32> to vector<32x50xi32>
    %swap3A_1486 = vector.shape_cast %add3A_1479 : vector<32x50xi32> to vector<1x1x32x50xi32>
    tpu.vector_store %arg1[%swap3A_1480, %swap3A_1481, %swap3A_1482, %swap3A_1483], %swap3A_1486 {strides = array<i32>} : memref<3x11x32x50xi32, #tpu.memory_space<vmem>>, vector<1x1x32x50xi32>,
    %mul3A_1487 = arith.constant 6 : i32
    %mul3A_1488 = vector.broadcast %mul3A_1487 : i32 to vector<32x50xi32>
    %mul3A_1489 = arith.muli %select_n3A_1253, %mul3A_1488 : vector<32x50xi32>
    %add3A_1490 = arith.constant 3 : i32
    %add3A_1491 = vector.broadcast %add3A_1490 : i32 to vector<32x50xi32>
    %add3A_1492 = arith.addi %mul3A_1489, %add3A_1491 : vector<32x50xi32>
    %mul3A_1493 = arith.constant 32 : i32
    %mul3A_1494 = vector.broadcast %mul3A_1493 : i32 to vector<32x50xi32>
    %mul3A_1495 = arith.muli %add3A_1492, %mul3A_1494 : vector<32x50xi32>
    %add3A_1496 = arith.addi %mul3A_1495, %iota3A : vector<32x50xi32>
    %mul3A_1497 = arith.constant 14336 : i32
    %mul3A_1498 = vector.broadcast %mul3A_1497 : i32 to vector<32x50xi32>
    %mul3A_1499 = arith.muli %add3A_1496, %mul3A_1498 : vector<32x50xi32>
    %add3A_1500 = arith.addi %mul3A_1499, %add3A_1282 : vector<32x50xi32>
    %swap3A_1501 = arith.constant 2 : index
    %swap3A_1502 = arith.constant 3 : index
    %swap3A_1503 = arith.constant 0 : index
    %swap3A_1504 = arith.constant 0 : index
    %swap3A_1505 = vector.load %arg1[%swap3A_1501, %swap3A_1502, %swap3A_1503, %swap3A_1504] : memref<3x11x32x50xi32, #tpu.memory_space<vmem>>, vector<1x1x32x50xi32>
    %swap3A_1506 = vector.shape_cast %swap3A_1505 : vector<1x1x32x50xi32> to vector<32x50xi32>
    %swap3A_1507 = vector.shape_cast %add3A_1500 : vector<32x50xi32> to vector<1x1x32x50xi32>
    tpu.vector_store %arg1[%swap3A_1501, %swap3A_1502, %swap3A_1503, %swap3A_1504], %swap3A_1507 {strides = array<i32>} : memref<3x11x32x50xi32, #tpu.memory_space<vmem>>, vector<1x1x32x50xi32>,
    %add3A_1508 = arith.constant 128 : i32
    %add3A_1509 = vector.broadcast %add3A_1508 : i32 to vector<32x50xi32>
    %add3A_1510 = arith.addi %add3A_1509, %iota3A : vector<32x50xi32>
    %mul3A_1511 = arith.constant 14336 : i32
    %mul3A_1512 = vector.broadcast %mul3A_1511 : i32 to vector<32x50xi32>
    %mul3A_1513 = arith.muli %add3A_1510, %mul3A_1512 : vector<32x50xi32>
    %add3A_1514 = arith.addi %mul3A_1513, %add3A_1282 : vector<32x50xi32>
    %swap3A_1515 = arith.constant 2 : index
    %swap3A_1516 = arith.constant 4 : index
    %swap3A_1517 = arith.constant 0 : index
    %swap3A_1518 = arith.constant 0 : index
    %swap3A_1519 = vector.load %arg1[%swap3A_1515, %swap3A_1516, %swap3A_1517, %swap3A_1518] : memref<3x11x32x50xi32, #tpu.memory_space<vmem>>, vector<1x1x32x50xi32>
    %swap3A_1520 = vector.shape_cast %swap3A_1519 : vector<1x1x32x50xi32> to vector<32x50xi32>
    %swap3A_1521 = vector.shape_cast %add3A_1514 : vector<32x50xi32> to vector<1x1x32x50xi32>
    tpu.vector_store %arg1[%swap3A_1515, %swap3A_1516, %swap3A_1517, %swap3A_1518], %swap3A_1521 {strides = array<i32>} : memref<3x11x32x50xi32, #tpu.memory_space<vmem>>, vector<1x1x32x50xi32>,
    %add3A_1522 = arith.constant 320 : i32
    %add3A_1523 = vector.broadcast %add3A_1522 : i32 to vector<32x50xi32>
    %add3A_1524 = arith.addi %add3A_1523, %iota3A : vector<32x50xi32>
    %mul3A_1525 = arith.constant 14336 : i32
    %mul3A_1526 = vector.broadcast %mul3A_1525 : i32 to vector<32x50xi32>
    %mul3A_1527 = arith.muli %add3A_1524, %mul3A_1526 : vector<32x50xi32>
    %add3A_1528 = arith.addi %mul3A_1527, %add3A_1282 : vector<32x50xi32>
    %swap3A_1529 = arith.constant 2 : index
    %swap3A_1530 = arith.constant 5 : index
    %swap3A_1531 = arith.constant 0 : index
    %swap3A_1532 = arith.constant 0 : index
    %swap3A_1533 = vector.load %arg1[%swap3A_1529, %swap3A_1530, %swap3A_1531, %swap3A_1532] : memref<3x11x32x50xi32, #tpu.memory_space<vmem>>, vector<1x1x32x50xi32>
    %swap3A_1534 = vector.shape_cast %swap3A_1533 : vector<1x1x32x50xi32> to vector<32x50xi32>
    %swap3A_1535 = vector.shape_cast %add3A_1528 : vector<32x50xi32> to vector<1x1x32x50xi32>
    tpu.vector_store %arg1[%swap3A_1529, %swap3A_1530, %swap3A_1531, %swap3A_1532], %swap3A_1535 {strides = array<i32>} : memref<3x11x32x50xi32, #tpu.memory_space<vmem>>, vector<1x1x32x50xi32>,
    %add3A_1536 = arith.constant 512 : i32
    %add3A_1537 = vector.broadcast %add3A_1536 : i32 to vector<32x50xi32>
    %add3A_1538 = arith.addi %add3A_1537, %iota3A : vector<32x50xi32>
    %mul3A_1539 = arith.constant 14336 : i32
    %mul3A_1540 = vector.broadcast %mul3A_1539 : i32 to vector<32x50xi32>
    %mul3A_1541 = arith.muli %add3A_1538, %mul3A_1540 : vector<32x50xi32>
    %add3A_1542 = arith.addi %mul3A_1541, %add3A_1282 : vector<32x50xi32>
    %swap3A_1543 = arith.constant 2 : index
    %swap3A_1544 = arith.constant 6 : index
    %swap3A_1545 = arith.constant 0 : index
    %swap3A_1546 = arith.constant 0 : index
    %swap3A_1547 = vector.load %arg1[%swap3A_1543, %swap3A_1544, %swap3A_1545, %swap3A_1546] : memref<3x11x32x50xi32, #tpu.memory_space<vmem>>, vector<1x1x32x50xi32>
    %swap3A_1548 = vector.shape_cast %swap3A_1547 : vector<1x1x32x50xi32> to vector<32x50xi32>
    %swap3A_1549 = vector.shape_cast %add3A_1542 : vector<32x50xi32> to vector<1x1x32x50xi32>
    tpu.vector_store %arg1[%swap3A_1543, %swap3A_1544, %swap3A_1545, %swap3A_1546], %swap3A_1549 {strides = array<i32>} : memref<3x11x32x50xi32, #tpu.memory_space<vmem>>, vector<1x1x32x50xi32>,
    %mul3A_1550 = arith.constant 6 : i32
    %mul3A_1551 = vector.broadcast %mul3A_1550 : i32 to vector<32x50xi32>
    %mul3A_1552 = arith.muli %select_n3A_1253, %mul3A_1551 : vector<32x50xi32>
    %add3A_1553 = arith.constant 5 : i32
    %add3A_1554 = vector.broadcast %add3A_1553 : i32 to vector<32x50xi32>
    %add3A_1555 = arith.addi %mul3A_1552, %add3A_1554 : vector<32x50xi32>
    %mul3A_1556 = arith.constant 32 : i32
    %mul3A_1557 = vector.broadcast %mul3A_1556 : i32 to vector<32x50xi32>
    %mul3A_1558 = arith.muli %add3A_1555, %mul3A_1557 : vector<32x50xi32>
    %add3A_1559 = arith.addi %mul3A_1558, %mul3A_51 : vector<32x50xi32>
    %add3A_1560 = arith.constant 0 : i32
    %add3A_1561 = vector.broadcast %add3A_1560 : i32 to vector<32x50xi32>
    %add3A_1562 = arith.addi %add3A_1559, %add3A_1561 : vector<32x50xi32>
    %mul3A_1563 = arith.constant 14336 : i32
    %mul3A_1564 = vector.broadcast %mul3A_1563 : i32 to vector<32x50xi32>
    %mul3A_1565 = arith.muli %add3A_1562, %mul3A_1564 : vector<32x50xi32>
    %add3A_1566 = arith.addi %mul3A_1565, %add3A_1282 : vector<32x50xi32>
    %swap3A_1567 = arith.constant 2 : index
    %swap3A_1568 = arith.constant 7 : index
    %swap3A_1569 = arith.constant 0 : index
    %swap3A_1570 = arith.constant 0 : index
    %swap3A_1571 = vector.load %arg1[%swap3A_1567, %swap3A_1568, %swap3A_1569, %swap3A_1570] : memref<3x11x32x50xi32, #tpu.memory_space<vmem>>, vector<1x1x32x50xi32>
    %swap3A_1572 = vector.shape_cast %swap3A_1571 : vector<1x1x32x50xi32> to vector<32x50xi32>
    %swap3A_1573 = vector.shape_cast %add3A_1566 : vector<32x50xi32> to vector<1x1x32x50xi32>
    tpu.vector_store %arg1[%swap3A_1567, %swap3A_1568, %swap3A_1569, %swap3A_1570], %swap3A_1573 {strides = array<i32>} : memref<3x11x32x50xi32, #tpu.memory_space<vmem>>, vector<1x1x32x50xi32>,
    %mul3A_1574 = arith.constant 6 : i32
    %mul3A_1575 = vector.broadcast %mul3A_1574 : i32 to vector<32x50xi32>
    %mul3A_1576 = arith.muli %select_n3A_1253, %mul3A_1575 : vector<32x50xi32>
    %add3A_1577 = arith.constant 5 : i32
    %add3A_1578 = vector.broadcast %add3A_1577 : i32 to vector<32x50xi32>
    %add3A_1579 = arith.addi %mul3A_1576, %add3A_1578 : vector<32x50xi32>
    %mul3A_1580 = arith.constant 32 : i32
    %mul3A_1581 = vector.broadcast %mul3A_1580 : i32 to vector<32x50xi32>
    %mul3A_1582 = arith.muli %add3A_1579, %mul3A_1581 : vector<32x50xi32>
    %add3A_1583 = arith.addi %mul3A_1582, %mul3A_51 : vector<32x50xi32>
    %add3A_1584 = arith.constant 1 : i32
    %add3A_1585 = vector.broadcast %add3A_1584 : i32 to vector<32x50xi32>
    %add3A_1586 = arith.addi %add3A_1583, %add3A_1585 : vector<32x50xi32>
    %mul3A_1587 = arith.constant 14336 : i32
    %mul3A_1588 = vector.broadcast %mul3A_1587 : i32 to vector<32x50xi32>
    %mul3A_1589 = arith.muli %add3A_1586, %mul3A_1588 : vector<32x50xi32>
    %add3A_1590 = arith.addi %mul3A_1589, %add3A_1282 : vector<32x50xi32>
    %swap3A_1591 = arith.constant 2 : index
    %swap3A_1592 = arith.constant 8 : index
    %swap3A_1593 = arith.constant 0 : index
    %swap3A_1594 = arith.constant 0 : index
    %swap3A_1595 = vector.load %arg1[%swap3A_1591, %swap3A_1592, %swap3A_1593, %swap3A_1594] : memref<3x11x32x50xi32, #tpu.memory_space<vmem>>, vector<1x1x32x50xi32>
    %swap3A_1596 = vector.shape_cast %swap3A_1595 : vector<1x1x32x50xi32> to vector<32x50xi32>
    %swap3A_1597 = vector.shape_cast %add3A_1590 : vector<32x50xi32> to vector<1x1x32x50xi32>
    tpu.vector_store %arg1[%swap3A_1591, %swap3A_1592, %swap3A_1593, %swap3A_1594], %swap3A_1597 {strides = array<i32>} : memref<3x11x32x50xi32, #tpu.memory_space<vmem>>, vector<1x1x32x50xi32>,
    %mul3A_1598 = arith.constant 6 : i32
    %mul3A_1599 = vector.broadcast %mul3A_1598 : i32 to vector<32x50xi32>
    %mul3A_1600 = arith.muli %select_n3A_1253, %mul3A_1599 : vector<32x50xi32>
    %add3A_1601 = arith.constant 5 : i32
    %add3A_1602 = vector.broadcast %add3A_1601 : i32 to vector<32x50xi32>
    %add3A_1603 = arith.addi %mul3A_1600, %add3A_1602 : vector<32x50xi32>
    %mul3A_1604 = arith.constant 32 : i32
    %mul3A_1605 = vector.broadcast %mul3A_1604 : i32 to vector<32x50xi32>
    %mul3A_1606 = arith.muli %add3A_1603, %mul3A_1605 : vector<32x50xi32>
    %add3A_1607 = arith.addi %mul3A_1606, %mul3A_51 : vector<32x50xi32>
    %add3A_1608 = arith.constant 2 : i32
    %add3A_1609 = vector.broadcast %add3A_1608 : i32 to vector<32x50xi32>
    %add3A_1610 = arith.addi %add3A_1607, %add3A_1609 : vector<32x50xi32>
    %mul3A_1611 = arith.constant 14336 : i32
    %mul3A_1612 = vector.broadcast %mul3A_1611 : i32 to vector<32x50xi32>
    %mul3A_1613 = arith.muli %add3A_1610, %mul3A_1612 : vector<32x50xi32>
    %add3A_1614 = arith.addi %mul3A_1613, %add3A_1282 : vector<32x50xi32>
    %swap3A_1615 = arith.constant 2 : index
    %swap3A_1616 = arith.constant 9 : index
    %swap3A_1617 = arith.constant 0 : index
    %swap3A_1618 = arith.constant 0 : index
    %swap3A_1619 = vector.load %arg1[%swap3A_1615, %swap3A_1616, %swap3A_1617, %swap3A_1618] : memref<3x11x32x50xi32, #tpu.memory_space<vmem>>, vector<1x1x32x50xi32>
    %swap3A_1620 = vector.shape_cast %swap3A_1619 : vector<1x1x32x50xi32> to vector<32x50xi32>
    %swap3A_1621 = vector.shape_cast %add3A_1614 : vector<32x50xi32> to vector<1x1x32x50xi32>
    tpu.vector_store %arg1[%swap3A_1615, %swap3A_1616, %swap3A_1617, %swap3A_1618], %swap3A_1621 {strides = array<i32>} : memref<3x11x32x50xi32, #tpu.memory_space<vmem>>, vector<1x1x32x50xi32>,
    %mul3A_1622 = arith.constant 6 : i32
    %mul3A_1623 = vector.broadcast %mul3A_1622 : i32 to vector<32x50xi32>
    %mul3A_1624 = arith.muli %select_n3A_1253, %mul3A_1623 : vector<32x50xi32>
    %add3A_1625 = arith.constant 5 : i32
    %add3A_1626 = vector.broadcast %add3A_1625 : i32 to vector<32x50xi32>
    %add3A_1627 = arith.addi %mul3A_1624, %add3A_1626 : vector<32x50xi32>
    %mul3A_1628 = arith.constant 32 : i32
    %mul3A_1629 = vector.broadcast %mul3A_1628 : i32 to vector<32x50xi32>
    %mul3A_1630 = arith.muli %add3A_1627, %mul3A_1629 : vector<32x50xi32>
    %add3A_1631 = arith.addi %mul3A_1630, %mul3A_51 : vector<32x50xi32>
    %add3A_1632 = arith.constant 3 : i32
    %add3A_1633 = vector.broadcast %add3A_1632 : i32 to vector<32x50xi32>
    %add3A_1634 = arith.addi %add3A_1631, %add3A_1633 : vector<32x50xi32>
    %mul3A_1635 = arith.constant 14336 : i32
    %mul3A_1636 = vector.broadcast %mul3A_1635 : i32 to vector<32x50xi32>
    %mul3A_1637 = arith.muli %add3A_1634, %mul3A_1636 : vector<32x50xi32>
    %add3A_1638 = arith.addi %mul3A_1637, %add3A_1282 : vector<32x50xi32>
    %swap3A_1639 = arith.constant 2 : index
    %swap3A_1640 = arith.constant 10 : index
    %swap3A_1641 = arith.constant 0 : index
    %swap3A_1642 = arith.constant 0 : index
    %swap3A_1643 = vector.load %arg1[%swap3A_1639, %swap3A_1640, %swap3A_1641, %swap3A_1642] : memref<3x11x32x50xi32, #tpu.memory_space<vmem>>, vector<1x1x32x50xi32>
    %swap3A_1644 = vector.shape_cast %swap3A_1643 : vector<1x1x32x50xi32> to vector<32x50xi32>
    %swap3A_1645 = vector.shape_cast %add3A_1638 : vector<32x50xi32> to vector<1x1x32x50xi32>
    tpu.vector_store %arg1[%swap3A_1639, %swap3A_1640, %swap3A_1641, %swap3A_1642], %swap3A_1645 {strides = array<i32>} : memref<3x11x32x50xi32, #tpu.memory_space<vmem>>, vector<1x1x32x50xi32>,
    %sub3A_1646 = arith.subf %mul3A_1256, %floor3A_1260 : vector<32x50xf32>
    %swap3A_1647 = arith.constant 2 : index
    %swap3A_1648 = arith.constant 0 : index
    %swap3A_1649 = arith.constant 0 : index
    %swap3A_1650 = arith.constant 0 : index
    %swap3A_1651 = vector.load %arg2[%swap3A_1647, %swap3A_1648, %swap3A_1649, %swap3A_1650] : memref<3x12x32x50xf32, #tpu.memory_space<vmem>>, vector<1x1x32x50xf32>
    %swap3A_1652 = vector.shape_cast %swap3A_1651 : vector<1x1x32x50xf32> to vector<32x50xf32>
    %swap3A_1653 = vector.shape_cast %sub3A_1646 : vector<32x50xf32> to vector<1x1x32x50xf32>
    tpu.vector_store %arg2[%swap3A_1647, %swap3A_1648, %swap3A_1649, %swap3A_1650], %swap3A_1653 {strides = array<i32>} : memref<3x12x32x50xf32, #tpu.memory_space<vmem>>, vector<1x1x32x50xf32>,
    %sub3A_1654 = arith.subf %mul3A_1259, %floor3A_1261 : vector<32x50xf32>
    %swap3A_1655 = arith.constant 2 : index
    %swap3A_1656 = arith.constant 1 : index
    %swap3A_1657 = arith.constant 0 : index
    %swap3A_1658 = arith.constant 0 : index
    %swap3A_1659 = vector.load %arg2[%swap3A_1655, %swap3A_1656, %swap3A_1657, %swap3A_1658] : memref<3x12x32x50xf32, #tpu.memory_space<vmem>>, vector<1x1x32x50xf32>
    %swap3A_1660 = vector.shape_cast %swap3A_1659 : vector<1x1x32x50xf32> to vector<32x50xf32>
    %swap3A_1661 = vector.shape_cast %sub3A_1654 : vector<32x50xf32> to vector<1x1x32x50xf32>
    tpu.vector_store %arg2[%swap3A_1655, %swap3A_1656, %swap3A_1657, %swap3A_1658], %swap3A_1661 {strides = array<i32>} : memref<3x12x32x50xf32, #tpu.memory_space<vmem>>, vector<1x1x32x50xf32>,
    %max3A_1662 = arith.constant 9.99999997E-7 : f32
    %max3A_1663 = vector.broadcast %max3A_1662 : f32 to vector<32x50xf32>
    %max3A_1664 = arith.maximumf %mul3A_22, %max3A_1663 : vector<32x50xf32>
    %div3A_1665 = arith.divf %max3A_1664, %select_n3A_1300 : vector<32x50xf32>
    %log3A_1666 = math.log %div3A_1665 : vector<32x50xf32>
    %swap3A_1667 = arith.constant 2 : index
    %swap3A_1668 = arith.constant 2 : index
    %swap3A_1669 = arith.constant 0 : index
    %swap3A_1670 = arith.constant 0 : index
    %swap3A_1671 = vector.load %arg2[%swap3A_1667, %swap3A_1668, %swap3A_1669, %swap3A_1670] : memref<3x12x32x50xf32, #tpu.memory_space<vmem>>, vector<1x1x32x50xf32>
    %swap3A_1672 = vector.shape_cast %swap3A_1671 : vector<1x1x32x50xf32> to vector<32x50xf32>
    %swap3A_1673 = vector.shape_cast %log3A_1666 : vector<32x50xf32> to vector<1x1x32x50xf32>
    tpu.vector_store %arg2[%swap3A_1667, %swap3A_1668, %swap3A_1669, %swap3A_1670], %swap3A_1673 {strides = array<i32>} : memref<3x12x32x50xf32, #tpu.memory_space<vmem>>, vector<1x1x32x50xf32>,
    %max3A_1674 = arith.constant 9.99999997E-7 : f32
    %max3A_1675 = vector.broadcast %max3A_1674 : f32 to vector<32x50xf32>
    %max3A_1676 = arith.maximumf %mul3A_25, %max3A_1675 : vector<32x50xf32>
    %div3A_1677 = arith.divf %max3A_1676, %select_n3A_1314 : vector<32x50xf32>
    %log3A_1678 = math.log %div3A_1677 : vector<32x50xf32>
    %swap3A_1679 = arith.constant 2 : index
    %swap3A_1680 = arith.constant 3 : index
    %swap3A_1681 = arith.constant 0 : index
    %swap3A_1682 = arith.constant 0 : index
    %swap3A_1683 = vector.load %arg2[%swap3A_1679, %swap3A_1680, %swap3A_1681, %swap3A_1682] : memref<3x12x32x50xf32, #tpu.memory_space<vmem>>, vector<1x1x32x50xf32>
    %swap3A_1684 = vector.shape_cast %swap3A_1683 : vector<1x1x32x50xf32> to vector<32x50xf32>
    %swap3A_1685 = vector.shape_cast %log3A_1678 : vector<32x50xf32> to vector<1x1x32x50xf32>
    tpu.vector_store %arg2[%swap3A_1679, %swap3A_1680, %swap3A_1681, %swap3A_1682], %swap3A_1685 {strides = array<i32>} : memref<3x12x32x50xf32, #tpu.memory_space<vmem>>, vector<1x1x32x50xf32>,
    %convert_element_type3A_1686 = arith.extui %and3A_1337 : vector<32x50xi1> to vector<32x50xi32>
    %convert_element_type3A_1687 = arith.sitofp %convert_element_type3A_1686 : vector<32x50xi32> to vector<32x50xf32>
    %swap3A_1688 = arith.constant 2 : index
    %swap3A_1689 = arith.constant 4 : index
    %swap3A_1690 = arith.constant 0 : index
    %swap3A_1691 = arith.constant 0 : index
    %swap3A_1692 = vector.load %arg2[%swap3A_1688, %swap3A_1689, %swap3A_1690, %swap3A_1691] : memref<3x12x32x50xf32, #tpu.memory_space<vmem>>, vector<1x1x32x50xf32>
    %swap3A_1693 = vector.shape_cast %swap3A_1692 : vector<1x1x32x50xf32> to vector<32x50xf32>
    %swap3A_1694 = vector.shape_cast %convert_element_type3A_1687 : vector<32x50xf32> to vector<1x1x32x50xf32>
    tpu.vector_store %arg2[%swap3A_1688, %swap3A_1689, %swap3A_1690, %swap3A_1691], %swap3A_1694 {strides = array<i32>} : memref<3x12x32x50xf32, #tpu.memory_space<vmem>>, vector<1x1x32x50xf32>,
    %convert_element_type3A_1695 = arith.extui %gt3A_20 : vector<32x50xi1> to vector<32x50xi32>
    %convert_element_type3A_1696 = arith.sitofp %convert_element_type3A_1695 : vector<32x50xi32> to vector<32x50xf32>
    %swap3A_1697 = arith.constant 2 : index
    %swap3A_1698 = arith.constant 5 : index
    %swap3A_1699 = arith.constant 0 : index
    %swap3A_1700 = arith.constant 0 : index
    %swap3A_1701 = vector.load %arg2[%swap3A_1697, %swap3A_1698, %swap3A_1699, %swap3A_1700] : memref<3x12x32x50xf32, #tpu.memory_space<vmem>>, vector<1x1x32x50xf32>
    %swap3A_1702 = vector.shape_cast %swap3A_1701 : vector<1x1x32x50xf32> to vector<32x50xf32>
    %swap3A_1703 = vector.shape_cast %convert_element_type3A_1696 : vector<32x50xf32> to vector<1x1x32x50xf32>
    tpu.vector_store %arg2[%swap3A_1697, %swap3A_1698, %swap3A_1699, %swap3A_1700], %swap3A_1703 {strides = array<i32>} : memref<3x12x32x50xf32, #tpu.memory_space<vmem>>, vector<1x1x32x50xf32>,
    %convert_element_type3A_1704 = arith.extui %and3A_1387 : vector<32x50xi1> to vector<32x50xi32>
    %convert_element_type3A_1705 = arith.sitofp %convert_element_type3A_1704 : vector<32x50xi32> to vector<32x50xf32>
    %swap3A_1706 = arith.constant 2 : index
    %swap3A_1707 = arith.constant 6 : index
    %swap3A_1708 = arith.constant 0 : index
    %swap3A_1709 = arith.constant 0 : index
    %swap3A_1710 = vector.load %arg2[%swap3A_1706, %swap3A_1707, %swap3A_1708, %swap3A_1709] : memref<3x12x32x50xf32, #tpu.memory_space<vmem>>, vector<1x1x32x50xf32>
    %swap3A_1711 = vector.shape_cast %swap3A_1710 : vector<1x1x32x50xf32> to vector<32x50xf32>
    %swap3A_1712 = vector.shape_cast %convert_element_type3A_1705 : vector<32x50xf32> to vector<1x1x32x50xf32>
    tpu.vector_store %arg2[%swap3A_1706, %swap3A_1707, %swap3A_1708, %swap3A_1709], %swap3A_1712 {strides = array<i32>} : memref<3x12x32x50xf32, #tpu.memory_space<vmem>>, vector<1x1x32x50xf32>,
    %eq3A_1713 = arith.constant 0 : i32
    %eq3A_1714 = vector.broadcast %eq3A_1713 : i32 to vector<32x50xi32>
    %eq3A_1715 = arith.cmpi eq, %select_n3A_1253, %eq3A_1714 : vector<32x50xi32>
    %convert_element_type3A_1716 = arith.extui %eq3A_1715 : vector<32x50xi1> to vector<32x50xi32>
    %convert_element_type3A_1717 = arith.sitofp %convert_element_type3A_1716 : vector<32x50xi32> to vector<32x50xf32>
    %swap3A_1718 = arith.constant 2 : index
    %swap3A_1719 = arith.constant 9 : index
    %swap3A_1720 = arith.constant 0 : index
    %swap3A_1721 = arith.constant 0 : index
    %swap3A_1722 = vector.load %arg2[%swap3A_1718, %swap3A_1719, %swap3A_1720, %swap3A_1721] : memref<3x12x32x50xf32, #tpu.memory_space<vmem>>, vector<1x1x32x50xf32>
    %swap3A_1723 = vector.shape_cast %swap3A_1722 : vector<1x1x32x50xf32> to vector<32x50xf32>
    %swap3A_1724 = vector.shape_cast %convert_element_type3A_1717 : vector<32x50xf32> to vector<1x1x32x50xf32>
    tpu.vector_store %arg2[%swap3A_1718, %swap3A_1719, %swap3A_1720, %swap3A_1721], %swap3A_1724 {strides = array<i32>} : memref<3x12x32x50xf32, #tpu.memory_space<vmem>>, vector<1x1x32x50xf32>,
    %convert_element_type3A_1725 = arith.extui %and3A_1405 : vector<32x50xi1> to vector<32x50xi32>
    %convert_element_type3A_1726 = arith.sitofp %convert_element_type3A_1725 : vector<32x50xi32> to vector<32x50xf32>
    %swap3A_1727 = arith.constant 2 : index
    %swap3A_1728 = arith.constant 7 : index
    %swap3A_1729 = arith.constant 0 : index
    %swap3A_1730 = arith.constant 0 : index
    %swap3A_1731 = vector.load %arg2[%swap3A_1727, %swap3A_1728, %swap3A_1729, %swap3A_1730] : memref<3x12x32x50xf32, #tpu.memory_space<vmem>>, vector<1x1x32x50xf32>
    %swap3A_1732 = vector.shape_cast %swap3A_1731 : vector<1x1x32x50xf32> to vector<32x50xf32>
    %swap3A_1733 = vector.shape_cast %convert_element_type3A_1726 : vector<32x50xf32> to vector<1x1x32x50xf32>
    tpu.vector_store %arg2[%swap3A_1727, %swap3A_1728, %swap3A_1729, %swap3A_1730], %swap3A_1733 {strides = array<i32>} : memref<3x12x32x50xf32, #tpu.memory_space<vmem>>, vector<1x1x32x50xf32>,
    %eq3A_1734 = arith.constant 1 : i32
    %eq3A_1735 = vector.broadcast %eq3A_1734 : i32 to vector<32x50xi32>
    %eq3A_1736 = arith.cmpi eq, %select_n3A_1253, %eq3A_1735 : vector<32x50xi32>
    %convert_element_type3A_1737 = arith.extui %eq3A_1736 : vector<32x50xi1> to vector<32x50xi32>
    %convert_element_type3A_1738 = arith.sitofp %convert_element_type3A_1737 : vector<32x50xi32> to vector<32x50xf32>
    %swap3A_1739 = arith.constant 2 : index
    %swap3A_1740 = arith.constant 10 : index
    %swap3A_1741 = arith.constant 0 : index
    %swap3A_1742 = arith.constant 0 : index
    %swap3A_1743 = vector.load %arg2[%swap3A_1739, %swap3A_1740, %swap3A_1741, %swap3A_1742] : memref<3x12x32x50xf32, #tpu.memory_space<vmem>>, vector<1x1x32x50xf32>
    %swap3A_1744 = vector.shape_cast %swap3A_1743 : vector<1x1x32x50xf32> to vector<32x50xf32>
    %swap3A_1745 = vector.shape_cast %convert_element_type3A_1738 : vector<32x50xf32> to vector<1x1x32x50xf32>
    tpu.vector_store %arg2[%swap3A_1739, %swap3A_1740, %swap3A_1741, %swap3A_1742], %swap3A_1745 {strides = array<i32>} : memref<3x12x32x50xf32, #tpu.memory_space<vmem>>, vector<1x1x32x50xf32>,
    %convert_element_type3A_1746 = arith.extui %and3A_1423 : vector<32x50xi1> to vector<32x50xi32>
    %convert_element_type3A_1747 = arith.sitofp %convert_element_type3A_1746 : vector<32x50xi32> to vector<32x50xf32>
    %swap3A_1748 = arith.constant 2 : index
    %swap3A_1749 = arith.constant 8 : index
    %swap3A_1750 = arith.constant 0 : index
    %swap3A_1751 = arith.constant 0 : index
    %swap3A_1752 = vector.load %arg2[%swap3A_1748, %swap3A_1749, %swap3A_1750, %swap3A_1751] : memref<3x12x32x50xf32, #tpu.memory_space<vmem>>, vector<1x1x32x50xf32>
    %swap3A_1753 = vector.shape_cast %swap3A_1752 : vector<1x1x32x50xf32> to vector<32x50xf32>
    %swap3A_1754 = vector.shape_cast %convert_element_type3A_1747 : vector<32x50xf32> to vector<1x1x32x50xf32>
    tpu.vector_store %arg2[%swap3A_1748, %swap3A_1749, %swap3A_1750, %swap3A_1751], %swap3A_1754 {strides = array<i32>} : memref<3x12x32x50xf32, #tpu.memory_space<vmem>>, vector<1x1x32x50xf32>,
    %eq3A_1755 = arith.constant 2 : i32
    %eq3A_1756 = vector.broadcast %eq3A_1755 : i32 to vector<32x50xi32>
    %eq3A_1757 = arith.cmpi eq, %select_n3A_1253, %eq3A_1756 : vector<32x50xi32>
    %convert_element_type3A_1758 = arith.extui %eq3A_1757 : vector<32x50xi1> to vector<32x50xi32>
    %convert_element_type3A_1759 = arith.sitofp %convert_element_type3A_1758 : vector<32x50xi32> to vector<32x50xf32>
    %swap3A_1760 = arith.constant 2 : index
    %swap3A_1761 = arith.constant 11 : index
    %swap3A_1762 = arith.constant 0 : index
    %swap3A_1763 = arith.constant 0 : index
    %swap3A_1764 = vector.load %arg2[%swap3A_1760, %swap3A_1761, %swap3A_1762, %swap3A_1763] : memref<3x12x32x50xf32, #tpu.memory_space<vmem>>, vector<1x1x32x50xf32>
    %swap3A_1765 = vector.shape_cast %swap3A_1764 : vector<1x1x32x50xf32> to vector<32x50xf32>
    %swap3A_1766 = vector.shape_cast %convert_element_type3A_1759 : vector<32x50xf32> to vector<1x1x32x50xf32>
    tpu.vector_store %arg2[%swap3A_1760, %swap3A_1761, %swap3A_1762, %swap3A_1763], %swap3A_1766 {strides = array<i32>} : memref<3x12x32x50xf32, #tpu.memory_space<vmem>>, vector<1x1x32x50xf32>,
    return
  }
}

module attributes {stable_mosaic.version = 14 : i64} {
  func.func @_lin_body(%arg0: i32, %arg1: memref<2x32x14196xf32, #tpu.memory_space<vmem>>, %arg2: memref<917504xf32, #tpu.memory_space<vmem>>) attributes {dimension_semantics = [#tpu.dimension_semantics<arbitrary>], iteration_bounds = array<i64: 9>, scalar_prefetch = 0 : i64, scratch_operands = 0 : i64, tpu.core_type = #tpu.core_type<tc>, window_params = [{transform_indices = @transform_0, window_bounds = array<i64: 2, 32, 14196>}, {transform_indices = @transform_1, window_bounds = array<i64: 917504>}]} {
    %broadcast_in_dim3A = arith.constant -1.000000e+02 : f32
    %broadcast_in_dim3A_0 = vector.broadcast %broadcast_in_dim3A : f32 to vector<140xf32>
    %get3A = arith.constant 0 : index
    %get3A_1 = arith.constant 0 : index
    %get3A_2 = arith.constant 0 : index
    %get3A_3 = vector.load %arg1[%get3A, %get3A_1, %get3A_2] : memref<2x32x14196xf32, #tpu.memory_space<vmem>>, vector<1x32x14196xf32>
    %get3A_4 = vector.shape_cast %get3A_3 : vector<1x32x14196xf32> to vector<32x14196xf32>
    %slice3A = vector.extract_strided_slice %get3A_4 {offsets = [0, 0], sizes = [1, 14196], strides = [1, 1]} : vector<32x14196xf32> to vector<1x14196xf32>
    %squeeze3A = vector.shape_cast %slice3A : vector<1x14196xf32> to vector<14196xf32>
    %swap3A = arith.constant 0 : index
    %swap3A_5 = vector.load %arg2[%swap3A] : memref<917504xf32, #tpu.memory_space<vmem>>, vector<14196xf32>
    tpu.vector_store %arg2[%swap3A], %squeeze3A {strides = array<i32>} : memref<917504xf32, #tpu.memory_space<vmem>>, vector<14196xf32>,
    %swap3A_6 = arith.constant 14196 : index
    %swap3A_7 = vector.load %arg2[%swap3A_6] : memref<917504xf32, #tpu.memory_space<vmem>>, vector<140xf32>
    tpu.vector_store %arg2[%swap3A_6], %broadcast_in_dim3A_0 {strides = array<i32>} : memref<917504xf32, #tpu.memory_space<vmem>>, vector<140xf32>,
    %slice3A_8 = vector.extract_strided_slice %get3A_4 {offsets = [1, 0], sizes = [1, 14196], strides = [1, 1]} : vector<32x14196xf32> to vector<1x14196xf32>
    %squeeze3A_9 = vector.shape_cast %slice3A_8 : vector<1x14196xf32> to vector<14196xf32>
    %swap3A_10 = arith.constant 14336 : index
    %swap3A_11 = vector.load %arg2[%swap3A_10] : memref<917504xf32, #tpu.memory_space<vmem>>, vector<14196xf32>
    tpu.vector_store %arg2[%swap3A_10], %squeeze3A_9 {strides = array<i32>} : memref<917504xf32, #tpu.memory_space<vmem>>, vector<14196xf32>,
    %swap3A_12 = arith.constant 28532 : index
    %swap3A_13 = vector.load %arg2[%swap3A_12] : memref<917504xf32, #tpu.memory_space<vmem>>, vector<140xf32>
    tpu.vector_store %arg2[%swap3A_12], %broadcast_in_dim3A_0 {strides = array<i32>} : memref<917504xf32, #tpu.memory_space<vmem>>, vector<140xf32>,
    %slice3A_14 = vector.extract_strided_slice %get3A_4 {offsets = [2, 0], sizes = [1, 14196], strides = [1, 1]} : vector<32x14196xf32> to vector<1x14196xf32>
    %squeeze3A_15 = vector.shape_cast %slice3A_14 : vector<1x14196xf32> to vector<14196xf32>
    %swap3A_16 = arith.constant 28672 : index
    %swap3A_17 = vector.load %arg2[%swap3A_16] : memref<917504xf32, #tpu.memory_space<vmem>>, vector<14196xf32>
    tpu.vector_store %arg2[%swap3A_16], %squeeze3A_15 {strides = array<i32>} : memref<917504xf32, #tpu.memory_space<vmem>>, vector<14196xf32>,
    %swap3A_18 = arith.constant 42868 : index
    %swap3A_19 = vector.load %arg2[%swap3A_18] : memref<917504xf32, #tpu.memory_space<vmem>>, vector<140xf32>
    tpu.vector_store %arg2[%swap3A_18], %broadcast_in_dim3A_0 {strides = array<i32>} : memref<917504xf32, #tpu.memory_space<vmem>>, vector<140xf32>,
    %slice3A_20 = vector.extract_strided_slice %get3A_4 {offsets = [3, 0], sizes = [1, 14196], strides = [1, 1]} : vector<32x14196xf32> to vector<1x14196xf32>
    %squeeze3A_21 = vector.shape_cast %slice3A_20 : vector<1x14196xf32> to vector<14196xf32>
    %swap3A_22 = arith.constant 43008 : index
    %swap3A_23 = vector.load %arg2[%swap3A_22] : memref<917504xf32, #tpu.memory_space<vmem>>, vector<14196xf32>
    tpu.vector_store %arg2[%swap3A_22], %squeeze3A_21 {strides = array<i32>} : memref<917504xf32, #tpu.memory_space<vmem>>, vector<14196xf32>,
    %swap3A_24 = arith.constant 57204 : index
    %swap3A_25 = vector.load %arg2[%swap3A_24] : memref<917504xf32, #tpu.memory_space<vmem>>, vector<140xf32>
    tpu.vector_store %arg2[%swap3A_24], %broadcast_in_dim3A_0 {strides = array<i32>} : memref<917504xf32, #tpu.memory_space<vmem>>, vector<140xf32>,
    %slice3A_26 = vector.extract_strided_slice %get3A_4 {offsets = [4, 0], sizes = [1, 14196], strides = [1, 1]} : vector<32x14196xf32> to vector<1x14196xf32>
    %squeeze3A_27 = vector.shape_cast %slice3A_26 : vector<1x14196xf32> to vector<14196xf32>
    %swap3A_28 = arith.constant 57344 : index
    %swap3A_29 = vector.load %arg2[%swap3A_28] : memref<917504xf32, #tpu.memory_space<vmem>>, vector<14196xf32>
    tpu.vector_store %arg2[%swap3A_28], %squeeze3A_27 {strides = array<i32>} : memref<917504xf32, #tpu.memory_space<vmem>>, vector<14196xf32>,
    %swap3A_30 = arith.constant 71540 : index
    %swap3A_31 = vector.load %arg2[%swap3A_30] : memref<917504xf32, #tpu.memory_space<vmem>>, vector<140xf32>
    tpu.vector_store %arg2[%swap3A_30], %broadcast_in_dim3A_0 {strides = array<i32>} : memref<917504xf32, #tpu.memory_space<vmem>>, vector<140xf32>,
    %slice3A_32 = vector.extract_strided_slice %get3A_4 {offsets = [5, 0], sizes = [1, 14196], strides = [1, 1]} : vector<32x14196xf32> to vector<1x14196xf32>
    %squeeze3A_33 = vector.shape_cast %slice3A_32 : vector<1x14196xf32> to vector<14196xf32>
    %swap3A_34 = arith.constant 71680 : index
    %swap3A_35 = vector.load %arg2[%swap3A_34] : memref<917504xf32, #tpu.memory_space<vmem>>, vector<14196xf32>
    tpu.vector_store %arg2[%swap3A_34], %squeeze3A_33 {strides = array<i32>} : memref<917504xf32, #tpu.memory_space<vmem>>, vector<14196xf32>,
    %swap3A_36 = arith.constant 85876 : index
    %swap3A_37 = vector.load %arg2[%swap3A_36] : memref<917504xf32, #tpu.memory_space<vmem>>, vector<140xf32>
    tpu.vector_store %arg2[%swap3A_36], %broadcast_in_dim3A_0 {strides = array<i32>} : memref<917504xf32, #tpu.memory_space<vmem>>, vector<140xf32>,
    %slice3A_38 = vector.extract_strided_slice %get3A_4 {offsets = [6, 0], sizes = [1, 14196], strides = [1, 1]} : vector<32x14196xf32> to vector<1x14196xf32>
    %squeeze3A_39 = vector.shape_cast %slice3A_38 : vector<1x14196xf32> to vector<14196xf32>
    %swap3A_40 = arith.constant 86016 : index
    %swap3A_41 = vector.load %arg2[%swap3A_40] : memref<917504xf32, #tpu.memory_space<vmem>>, vector<14196xf32>
    tpu.vector_store %arg2[%swap3A_40], %squeeze3A_39 {strides = array<i32>} : memref<917504xf32, #tpu.memory_space<vmem>>, vector<14196xf32>,
    %swap3A_42 = arith.constant 100212 : index
    %swap3A_43 = vector.load %arg2[%swap3A_42] : memref<917504xf32, #tpu.memory_space<vmem>>, vector<140xf32>
    tpu.vector_store %arg2[%swap3A_42], %broadcast_in_dim3A_0 {strides = array<i32>} : memref<917504xf32, #tpu.memory_space<vmem>>, vector<140xf32>,
    %slice3A_44 = vector.extract_strided_slice %get3A_4 {offsets = [7, 0], sizes = [1, 14196], strides = [1, 1]} : vector<32x14196xf32> to vector<1x14196xf32>
    %squeeze3A_45 = vector.shape_cast %slice3A_44 : vector<1x14196xf32> to vector<14196xf32>
    %swap3A_46 = arith.constant 100352 : index
    %swap3A_47 = vector.load %arg2[%swap3A_46] : memref<917504xf32, #tpu.memory_space<vmem>>, vector<14196xf32>
    tpu.vector_store %arg2[%swap3A_46], %squeeze3A_45 {strides = array<i32>} : memref<917504xf32, #tpu.memory_space<vmem>>, vector<14196xf32>,
    %swap3A_48 = arith.constant 114548 : index
    %swap3A_49 = vector.load %arg2[%swap3A_48] : memref<917504xf32, #tpu.memory_space<vmem>>, vector<140xf32>
    tpu.vector_store %arg2[%swap3A_48], %broadcast_in_dim3A_0 {strides = array<i32>} : memref<917504xf32, #tpu.memory_space<vmem>>, vector<140xf32>,
    %slice3A_50 = vector.extract_strided_slice %get3A_4 {offsets = [8, 0], sizes = [1, 14196], strides = [1, 1]} : vector<32x14196xf32> to vector<1x14196xf32>
    %squeeze3A_51 = vector.shape_cast %slice3A_50 : vector<1x14196xf32> to vector<14196xf32>
    %swap3A_52 = arith.constant 114688 : index
    %swap3A_53 = vector.load %arg2[%swap3A_52] : memref<917504xf32, #tpu.memory_space<vmem>>, vector<14196xf32>
    tpu.vector_store %arg2[%swap3A_52], %squeeze3A_51 {strides = array<i32>} : memref<917504xf32, #tpu.memory_space<vmem>>, vector<14196xf32>,
    %swap3A_54 = arith.constant 128884 : index
    %swap3A_55 = vector.load %arg2[%swap3A_54] : memref<917504xf32, #tpu.memory_space<vmem>>, vector<140xf32>
    tpu.vector_store %arg2[%swap3A_54], %broadcast_in_dim3A_0 {strides = array<i32>} : memref<917504xf32, #tpu.memory_space<vmem>>, vector<140xf32>,
    %slice3A_56 = vector.extract_strided_slice %get3A_4 {offsets = [9, 0], sizes = [1, 14196], strides = [1, 1]} : vector<32x14196xf32> to vector<1x14196xf32>
    %squeeze3A_57 = vector.shape_cast %slice3A_56 : vector<1x14196xf32> to vector<14196xf32>
    %swap3A_58 = arith.constant 129024 : index
    %swap3A_59 = vector.load %arg2[%swap3A_58] : memref<917504xf32, #tpu.memory_space<vmem>>, vector<14196xf32>
    tpu.vector_store %arg2[%swap3A_58], %squeeze3A_57 {strides = array<i32>} : memref<917504xf32, #tpu.memory_space<vmem>>, vector<14196xf32>,
    %swap3A_60 = arith.constant 143220 : index
    %swap3A_61 = vector.load %arg2[%swap3A_60] : memref<917504xf32, #tpu.memory_space<vmem>>, vector<140xf32>
    tpu.vector_store %arg2[%swap3A_60], %broadcast_in_dim3A_0 {strides = array<i32>} : memref<917504xf32, #tpu.memory_space<vmem>>, vector<140xf32>,
    %slice3A_62 = vector.extract_strided_slice %get3A_4 {offsets = [10, 0], sizes = [1, 14196], strides = [1, 1]} : vector<32x14196xf32> to vector<1x14196xf32>
    %squeeze3A_63 = vector.shape_cast %slice3A_62 : vector<1x14196xf32> to vector<14196xf32>
    %swap3A_64 = arith.constant 143360 : index
    %swap3A_65 = vector.load %arg2[%swap3A_64] : memref<917504xf32, #tpu.memory_space<vmem>>, vector<14196xf32>
    tpu.vector_store %arg2[%swap3A_64], %squeeze3A_63 {strides = array<i32>} : memref<917504xf32, #tpu.memory_space<vmem>>, vector<14196xf32>,
    %swap3A_66 = arith.constant 157556 : index
    %swap3A_67 = vector.load %arg2[%swap3A_66] : memref<917504xf32, #tpu.memory_space<vmem>>, vector<140xf32>
    tpu.vector_store %arg2[%swap3A_66], %broadcast_in_dim3A_0 {strides = array<i32>} : memref<917504xf32, #tpu.memory_space<vmem>>, vector<140xf32>,
    %slice3A_68 = vector.extract_strided_slice %get3A_4 {offsets = [11, 0], sizes = [1, 14196], strides = [1, 1]} : vector<32x14196xf32> to vector<1x14196xf32>
    %squeeze3A_69 = vector.shape_cast %slice3A_68 : vector<1x14196xf32> to vector<14196xf32>
    %swap3A_70 = arith.constant 157696 : index
    %swap3A_71 = vector.load %arg2[%swap3A_70] : memref<917504xf32, #tpu.memory_space<vmem>>, vector<14196xf32>
    tpu.vector_store %arg2[%swap3A_70], %squeeze3A_69 {strides = array<i32>} : memref<917504xf32, #tpu.memory_space<vmem>>, vector<14196xf32>,
    %swap3A_72 = arith.constant 171892 : index
    %swap3A_73 = vector.load %arg2[%swap3A_72] : memref<917504xf32, #tpu.memory_space<vmem>>, vector<140xf32>
    tpu.vector_store %arg2[%swap3A_72], %broadcast_in_dim3A_0 {strides = array<i32>} : memref<917504xf32, #tpu.memory_space<vmem>>, vector<140xf32>,
    %slice3A_74 = vector.extract_strided_slice %get3A_4 {offsets = [12, 0], sizes = [1, 14196], strides = [1, 1]} : vector<32x14196xf32> to vector<1x14196xf32>
    %squeeze3A_75 = vector.shape_cast %slice3A_74 : vector<1x14196xf32> to vector<14196xf32>
    %swap3A_76 = arith.constant 172032 : index
    %swap3A_77 = vector.load %arg2[%swap3A_76] : memref<917504xf32, #tpu.memory_space<vmem>>, vector<14196xf32>
    tpu.vector_store %arg2[%swap3A_76], %squeeze3A_75 {strides = array<i32>} : memref<917504xf32, #tpu.memory_space<vmem>>, vector<14196xf32>,
    %swap3A_78 = arith.constant 186228 : index
    %swap3A_79 = vector.load %arg2[%swap3A_78] : memref<917504xf32, #tpu.memory_space<vmem>>, vector<140xf32>
    tpu.vector_store %arg2[%swap3A_78], %broadcast_in_dim3A_0 {strides = array<i32>} : memref<917504xf32, #tpu.memory_space<vmem>>, vector<140xf32>,
    %slice3A_80 = vector.extract_strided_slice %get3A_4 {offsets = [13, 0], sizes = [1, 14196], strides = [1, 1]} : vector<32x14196xf32> to vector<1x14196xf32>
    %squeeze3A_81 = vector.shape_cast %slice3A_80 : vector<1x14196xf32> to vector<14196xf32>
    %swap3A_82 = arith.constant 186368 : index
    %swap3A_83 = vector.load %arg2[%swap3A_82] : memref<917504xf32, #tpu.memory_space<vmem>>, vector<14196xf32>
    tpu.vector_store %arg2[%swap3A_82], %squeeze3A_81 {strides = array<i32>} : memref<917504xf32, #tpu.memory_space<vmem>>, vector<14196xf32>,
    %swap3A_84 = arith.constant 200564 : index
    %swap3A_85 = vector.load %arg2[%swap3A_84] : memref<917504xf32, #tpu.memory_space<vmem>>, vector<140xf32>
    tpu.vector_store %arg2[%swap3A_84], %broadcast_in_dim3A_0 {strides = array<i32>} : memref<917504xf32, #tpu.memory_space<vmem>>, vector<140xf32>,
    %slice3A_86 = vector.extract_strided_slice %get3A_4 {offsets = [14, 0], sizes = [1, 14196], strides = [1, 1]} : vector<32x14196xf32> to vector<1x14196xf32>
    %squeeze3A_87 = vector.shape_cast %slice3A_86 : vector<1x14196xf32> to vector<14196xf32>
    %swap3A_88 = arith.constant 200704 : index
    %swap3A_89 = vector.load %arg2[%swap3A_88] : memref<917504xf32, #tpu.memory_space<vmem>>, vector<14196xf32>
    tpu.vector_store %arg2[%swap3A_88], %squeeze3A_87 {strides = array<i32>} : memref<917504xf32, #tpu.memory_space<vmem>>, vector<14196xf32>,
    %swap3A_90 = arith.constant 214900 : index
    %swap3A_91 = vector.load %arg2[%swap3A_90] : memref<917504xf32, #tpu.memory_space<vmem>>, vector<140xf32>
    tpu.vector_store %arg2[%swap3A_90], %broadcast_in_dim3A_0 {strides = array<i32>} : memref<917504xf32, #tpu.memory_space<vmem>>, vector<140xf32>,
    %slice3A_92 = vector.extract_strided_slice %get3A_4 {offsets = [15, 0], sizes = [1, 14196], strides = [1, 1]} : vector<32x14196xf32> to vector<1x14196xf32>
    %squeeze3A_93 = vector.shape_cast %slice3A_92 : vector<1x14196xf32> to vector<14196xf32>
    %swap3A_94 = arith.constant 215040 : index
    %swap3A_95 = vector.load %arg2[%swap3A_94] : memref<917504xf32, #tpu.memory_space<vmem>>, vector<14196xf32>
    tpu.vector_store %arg2[%swap3A_94], %squeeze3A_93 {strides = array<i32>} : memref<917504xf32, #tpu.memory_space<vmem>>, vector<14196xf32>,
    %swap3A_96 = arith.constant 229236 : index
    %swap3A_97 = vector.load %arg2[%swap3A_96] : memref<917504xf32, #tpu.memory_space<vmem>>, vector<140xf32>
    tpu.vector_store %arg2[%swap3A_96], %broadcast_in_dim3A_0 {strides = array<i32>} : memref<917504xf32, #tpu.memory_space<vmem>>, vector<140xf32>,
    %slice3A_98 = vector.extract_strided_slice %get3A_4 {offsets = [16, 0], sizes = [1, 14196], strides = [1, 1]} : vector<32x14196xf32> to vector<1x14196xf32>
    %squeeze3A_99 = vector.shape_cast %slice3A_98 : vector<1x14196xf32> to vector<14196xf32>
    %swap3A_100 = arith.constant 229376 : index
    %swap3A_101 = vector.load %arg2[%swap3A_100] : memref<917504xf32, #tpu.memory_space<vmem>>, vector<14196xf32>
    tpu.vector_store %arg2[%swap3A_100], %squeeze3A_99 {strides = array<i32>} : memref<917504xf32, #tpu.memory_space<vmem>>, vector<14196xf32>,
    %swap3A_102 = arith.constant 243572 : index
    %swap3A_103 = vector.load %arg2[%swap3A_102] : memref<917504xf32, #tpu.memory_space<vmem>>, vector<140xf32>
    tpu.vector_store %arg2[%swap3A_102], %broadcast_in_dim3A_0 {strides = array<i32>} : memref<917504xf32, #tpu.memory_space<vmem>>, vector<140xf32>,
    %slice3A_104 = vector.extract_strided_slice %get3A_4 {offsets = [17, 0], sizes = [1, 14196], strides = [1, 1]} : vector<32x14196xf32> to vector<1x14196xf32>
    %squeeze3A_105 = vector.shape_cast %slice3A_104 : vector<1x14196xf32> to vector<14196xf32>
    %swap3A_106 = arith.constant 243712 : index
    %swap3A_107 = vector.load %arg2[%swap3A_106] : memref<917504xf32, #tpu.memory_space<vmem>>, vector<14196xf32>
    tpu.vector_store %arg2[%swap3A_106], %squeeze3A_105 {strides = array<i32>} : memref<917504xf32, #tpu.memory_space<vmem>>, vector<14196xf32>,
    %swap3A_108 = arith.constant 257908 : index
    %swap3A_109 = vector.load %arg2[%swap3A_108] : memref<917504xf32, #tpu.memory_space<vmem>>, vector<140xf32>
    tpu.vector_store %arg2[%swap3A_108], %broadcast_in_dim3A_0 {strides = array<i32>} : memref<917504xf32, #tpu.memory_space<vmem>>, vector<140xf32>,
    %slice3A_110 = vector.extract_strided_slice %get3A_4 {offsets = [18, 0], sizes = [1, 14196], strides = [1, 1]} : vector<32x14196xf32> to vector<1x14196xf32>
    %squeeze3A_111 = vector.shape_cast %slice3A_110 : vector<1x14196xf32> to vector<14196xf32>
    %swap3A_112 = arith.constant 258048 : index
    %swap3A_113 = vector.load %arg2[%swap3A_112] : memref<917504xf32, #tpu.memory_space<vmem>>, vector<14196xf32>
    tpu.vector_store %arg2[%swap3A_112], %squeeze3A_111 {strides = array<i32>} : memref<917504xf32, #tpu.memory_space<vmem>>, vector<14196xf32>,
    %swap3A_114 = arith.constant 272244 : index
    %swap3A_115 = vector.load %arg2[%swap3A_114] : memref<917504xf32, #tpu.memory_space<vmem>>, vector<140xf32>
    tpu.vector_store %arg2[%swap3A_114], %broadcast_in_dim3A_0 {strides = array<i32>} : memref<917504xf32, #tpu.memory_space<vmem>>, vector<140xf32>,
    %slice3A_116 = vector.extract_strided_slice %get3A_4 {offsets = [19, 0], sizes = [1, 14196], strides = [1, 1]} : vector<32x14196xf32> to vector<1x14196xf32>
    %squeeze3A_117 = vector.shape_cast %slice3A_116 : vector<1x14196xf32> to vector<14196xf32>
    %swap3A_118 = arith.constant 272384 : index
    %swap3A_119 = vector.load %arg2[%swap3A_118] : memref<917504xf32, #tpu.memory_space<vmem>>, vector<14196xf32>
    tpu.vector_store %arg2[%swap3A_118], %squeeze3A_117 {strides = array<i32>} : memref<917504xf32, #tpu.memory_space<vmem>>, vector<14196xf32>,
    %swap3A_120 = arith.constant 286580 : index
    %swap3A_121 = vector.load %arg2[%swap3A_120] : memref<917504xf32, #tpu.memory_space<vmem>>, vector<140xf32>
    tpu.vector_store %arg2[%swap3A_120], %broadcast_in_dim3A_0 {strides = array<i32>} : memref<917504xf32, #tpu.memory_space<vmem>>, vector<140xf32>,
    %slice3A_122 = vector.extract_strided_slice %get3A_4 {offsets = [20, 0], sizes = [1, 14196], strides = [1, 1]} : vector<32x14196xf32> to vector<1x14196xf32>
    %squeeze3A_123 = vector.shape_cast %slice3A_122 : vector<1x14196xf32> to vector<14196xf32>
    %swap3A_124 = arith.constant 286720 : index
    %swap3A_125 = vector.load %arg2[%swap3A_124] : memref<917504xf32, #tpu.memory_space<vmem>>, vector<14196xf32>
    tpu.vector_store %arg2[%swap3A_124], %squeeze3A_123 {strides = array<i32>} : memref<917504xf32, #tpu.memory_space<vmem>>, vector<14196xf32>,
    %swap3A_126 = arith.constant 300916 : index
    %swap3A_127 = vector.load %arg2[%swap3A_126] : memref<917504xf32, #tpu.memory_space<vmem>>, vector<140xf32>
    tpu.vector_store %arg2[%swap3A_126], %broadcast_in_dim3A_0 {strides = array<i32>} : memref<917504xf32, #tpu.memory_space<vmem>>, vector<140xf32>,
    %slice3A_128 = vector.extract_strided_slice %get3A_4 {offsets = [21, 0], sizes = [1, 14196], strides = [1, 1]} : vector<32x14196xf32> to vector<1x14196xf32>
    %squeeze3A_129 = vector.shape_cast %slice3A_128 : vector<1x14196xf32> to vector<14196xf32>
    %swap3A_130 = arith.constant 301056 : index
    %swap3A_131 = vector.load %arg2[%swap3A_130] : memref<917504xf32, #tpu.memory_space<vmem>>, vector<14196xf32>
    tpu.vector_store %arg2[%swap3A_130], %squeeze3A_129 {strides = array<i32>} : memref<917504xf32, #tpu.memory_space<vmem>>, vector<14196xf32>,
    %swap3A_132 = arith.constant 315252 : index
    %swap3A_133 = vector.load %arg2[%swap3A_132] : memref<917504xf32, #tpu.memory_space<vmem>>, vector<140xf32>
    tpu.vector_store %arg2[%swap3A_132], %broadcast_in_dim3A_0 {strides = array<i32>} : memref<917504xf32, #tpu.memory_space<vmem>>, vector<140xf32>,
    %slice3A_134 = vector.extract_strided_slice %get3A_4 {offsets = [22, 0], sizes = [1, 14196], strides = [1, 1]} : vector<32x14196xf32> to vector<1x14196xf32>
    %squeeze3A_135 = vector.shape_cast %slice3A_134 : vector<1x14196xf32> to vector<14196xf32>
    %swap3A_136 = arith.constant 315392 : index
    %swap3A_137 = vector.load %arg2[%swap3A_136] : memref<917504xf32, #tpu.memory_space<vmem>>, vector<14196xf32>
    tpu.vector_store %arg2[%swap3A_136], %squeeze3A_135 {strides = array<i32>} : memref<917504xf32, #tpu.memory_space<vmem>>, vector<14196xf32>,
    %swap3A_138 = arith.constant 329588 : index
    %swap3A_139 = vector.load %arg2[%swap3A_138] : memref<917504xf32, #tpu.memory_space<vmem>>, vector<140xf32>
    tpu.vector_store %arg2[%swap3A_138], %broadcast_in_dim3A_0 {strides = array<i32>} : memref<917504xf32, #tpu.memory_space<vmem>>, vector<140xf32>,
    %slice3A_140 = vector.extract_strided_slice %get3A_4 {offsets = [23, 0], sizes = [1, 14196], strides = [1, 1]} : vector<32x14196xf32> to vector<1x14196xf32>
    %squeeze3A_141 = vector.shape_cast %slice3A_140 : vector<1x14196xf32> to vector<14196xf32>
    %swap3A_142 = arith.constant 329728 : index
    %swap3A_143 = vector.load %arg2[%swap3A_142] : memref<917504xf32, #tpu.memory_space<vmem>>, vector<14196xf32>
    tpu.vector_store %arg2[%swap3A_142], %squeeze3A_141 {strides = array<i32>} : memref<917504xf32, #tpu.memory_space<vmem>>, vector<14196xf32>,
    %swap3A_144 = arith.constant 343924 : index
    %swap3A_145 = vector.load %arg2[%swap3A_144] : memref<917504xf32, #tpu.memory_space<vmem>>, vector<140xf32>
    tpu.vector_store %arg2[%swap3A_144], %broadcast_in_dim3A_0 {strides = array<i32>} : memref<917504xf32, #tpu.memory_space<vmem>>, vector<140xf32>,
    %slice3A_146 = vector.extract_strided_slice %get3A_4 {offsets = [24, 0], sizes = [1, 14196], strides = [1, 1]} : vector<32x14196xf32> to vector<1x14196xf32>
    %squeeze3A_147 = vector.shape_cast %slice3A_146 : vector<1x14196xf32> to vector<14196xf32>
    %swap3A_148 = arith.constant 344064 : index
    %swap3A_149 = vector.load %arg2[%swap3A_148] : memref<917504xf32, #tpu.memory_space<vmem>>, vector<14196xf32>
    tpu.vector_store %arg2[%swap3A_148], %squeeze3A_147 {strides = array<i32>} : memref<917504xf32, #tpu.memory_space<vmem>>, vector<14196xf32>,
    %swap3A_150 = arith.constant 358260 : index
    %swap3A_151 = vector.load %arg2[%swap3A_150] : memref<917504xf32, #tpu.memory_space<vmem>>, vector<140xf32>
    tpu.vector_store %arg2[%swap3A_150], %broadcast_in_dim3A_0 {strides = array<i32>} : memref<917504xf32, #tpu.memory_space<vmem>>, vector<140xf32>,
    %slice3A_152 = vector.extract_strided_slice %get3A_4 {offsets = [25, 0], sizes = [1, 14196], strides = [1, 1]} : vector<32x14196xf32> to vector<1x14196xf32>
    %squeeze3A_153 = vector.shape_cast %slice3A_152 : vector<1x14196xf32> to vector<14196xf32>
    %swap3A_154 = arith.constant 358400 : index
    %swap3A_155 = vector.load %arg2[%swap3A_154] : memref<917504xf32, #tpu.memory_space<vmem>>, vector<14196xf32>
    tpu.vector_store %arg2[%swap3A_154], %squeeze3A_153 {strides = array<i32>} : memref<917504xf32, #tpu.memory_space<vmem>>, vector<14196xf32>,
    %swap3A_156 = arith.constant 372596 : index
    %swap3A_157 = vector.load %arg2[%swap3A_156] : memref<917504xf32, #tpu.memory_space<vmem>>, vector<140xf32>
    tpu.vector_store %arg2[%swap3A_156], %broadcast_in_dim3A_0 {strides = array<i32>} : memref<917504xf32, #tpu.memory_space<vmem>>, vector<140xf32>,
    %slice3A_158 = vector.extract_strided_slice %get3A_4 {offsets = [26, 0], sizes = [1, 14196], strides = [1, 1]} : vector<32x14196xf32> to vector<1x14196xf32>
    %squeeze3A_159 = vector.shape_cast %slice3A_158 : vector<1x14196xf32> to vector<14196xf32>
    %swap3A_160 = arith.constant 372736 : index
    %swap3A_161 = vector.load %arg2[%swap3A_160] : memref<917504xf32, #tpu.memory_space<vmem>>, vector<14196xf32>
    tpu.vector_store %arg2[%swap3A_160], %squeeze3A_159 {strides = array<i32>} : memref<917504xf32, #tpu.memory_space<vmem>>, vector<14196xf32>,
    %swap3A_162 = arith.constant 386932 : index
    %swap3A_163 = vector.load %arg2[%swap3A_162] : memref<917504xf32, #tpu.memory_space<vmem>>, vector<140xf32>
    tpu.vector_store %arg2[%swap3A_162], %broadcast_in_dim3A_0 {strides = array<i32>} : memref<917504xf32, #tpu.memory_space<vmem>>, vector<140xf32>,
    %slice3A_164 = vector.extract_strided_slice %get3A_4 {offsets = [27, 0], sizes = [1, 14196], strides = [1, 1]} : vector<32x14196xf32> to vector<1x14196xf32>
    %squeeze3A_165 = vector.shape_cast %slice3A_164 : vector<1x14196xf32> to vector<14196xf32>
    %swap3A_166 = arith.constant 387072 : index
    %swap3A_167 = vector.load %arg2[%swap3A_166] : memref<917504xf32, #tpu.memory_space<vmem>>, vector<14196xf32>
    tpu.vector_store %arg2[%swap3A_166], %squeeze3A_165 {strides = array<i32>} : memref<917504xf32, #tpu.memory_space<vmem>>, vector<14196xf32>,
    %swap3A_168 = arith.constant 401268 : index
    %swap3A_169 = vector.load %arg2[%swap3A_168] : memref<917504xf32, #tpu.memory_space<vmem>>, vector<140xf32>
    tpu.vector_store %arg2[%swap3A_168], %broadcast_in_dim3A_0 {strides = array<i32>} : memref<917504xf32, #tpu.memory_space<vmem>>, vector<140xf32>,
    %slice3A_170 = vector.extract_strided_slice %get3A_4 {offsets = [28, 0], sizes = [1, 14196], strides = [1, 1]} : vector<32x14196xf32> to vector<1x14196xf32>
    %squeeze3A_171 = vector.shape_cast %slice3A_170 : vector<1x14196xf32> to vector<14196xf32>
    %swap3A_172 = arith.constant 401408 : index
    %swap3A_173 = vector.load %arg2[%swap3A_172] : memref<917504xf32, #tpu.memory_space<vmem>>, vector<14196xf32>
    tpu.vector_store %arg2[%swap3A_172], %squeeze3A_171 {strides = array<i32>} : memref<917504xf32, #tpu.memory_space<vmem>>, vector<14196xf32>,
    %swap3A_174 = arith.constant 415604 : index
    %swap3A_175 = vector.load %arg2[%swap3A_174] : memref<917504xf32, #tpu.memory_space<vmem>>, vector<140xf32>
    tpu.vector_store %arg2[%swap3A_174], %broadcast_in_dim3A_0 {strides = array<i32>} : memref<917504xf32, #tpu.memory_space<vmem>>, vector<140xf32>,
    %slice3A_176 = vector.extract_strided_slice %get3A_4 {offsets = [29, 0], sizes = [1, 14196], strides = [1, 1]} : vector<32x14196xf32> to vector<1x14196xf32>
    %squeeze3A_177 = vector.shape_cast %slice3A_176 : vector<1x14196xf32> to vector<14196xf32>
    %swap3A_178 = arith.constant 415744 : index
    %swap3A_179 = vector.load %arg2[%swap3A_178] : memref<917504xf32, #tpu.memory_space<vmem>>, vector<14196xf32>
    tpu.vector_store %arg2[%swap3A_178], %squeeze3A_177 {strides = array<i32>} : memref<917504xf32, #tpu.memory_space<vmem>>, vector<14196xf32>,
    %swap3A_180 = arith.constant 429940 : index
    %swap3A_181 = vector.load %arg2[%swap3A_180] : memref<917504xf32, #tpu.memory_space<vmem>>, vector<140xf32>
    tpu.vector_store %arg2[%swap3A_180], %broadcast_in_dim3A_0 {strides = array<i32>} : memref<917504xf32, #tpu.memory_space<vmem>>, vector<140xf32>,
    %slice3A_182 = vector.extract_strided_slice %get3A_4 {offsets = [30, 0], sizes = [1, 14196], strides = [1, 1]} : vector<32x14196xf32> to vector<1x14196xf32>
    %squeeze3A_183 = vector.shape_cast %slice3A_182 : vector<1x14196xf32> to vector<14196xf32>
    %swap3A_184 = arith.constant 430080 : index
    %swap3A_185 = vector.load %arg2[%swap3A_184] : memref<917504xf32, #tpu.memory_space<vmem>>, vector<14196xf32>
    tpu.vector_store %arg2[%swap3A_184], %squeeze3A_183 {strides = array<i32>} : memref<917504xf32, #tpu.memory_space<vmem>>, vector<14196xf32>,
    %swap3A_186 = arith.constant 444276 : index
    %swap3A_187 = vector.load %arg2[%swap3A_186] : memref<917504xf32, #tpu.memory_space<vmem>>, vector<140xf32>
    tpu.vector_store %arg2[%swap3A_186], %broadcast_in_dim3A_0 {strides = array<i32>} : memref<917504xf32, #tpu.memory_space<vmem>>, vector<140xf32>,
    %slice3A_188 = vector.extract_strided_slice %get3A_4 {offsets = [31, 0], sizes = [1, 14196], strides = [1, 1]} : vector<32x14196xf32> to vector<1x14196xf32>
    %squeeze3A_189 = vector.shape_cast %slice3A_188 : vector<1x14196xf32> to vector<14196xf32>
    %swap3A_190 = arith.constant 444416 : index
    %swap3A_191 = vector.load %arg2[%swap3A_190] : memref<917504xf32, #tpu.memory_space<vmem>>, vector<14196xf32>
    tpu.vector_store %arg2[%swap3A_190], %squeeze3A_189 {strides = array<i32>} : memref<917504xf32, #tpu.memory_space<vmem>>, vector<14196xf32>,
    %swap3A_192 = arith.constant 458612 : index
    %swap3A_193 = vector.load %arg2[%swap3A_192] : memref<917504xf32, #tpu.memory_space<vmem>>, vector<140xf32>
    tpu.vector_store %arg2[%swap3A_192], %broadcast_in_dim3A_0 {strides = array<i32>} : memref<917504xf32, #tpu.memory_space<vmem>>, vector<140xf32>,
    %get3A_194 = arith.constant 1 : index
    %get3A_195 = arith.constant 0 : index
    %get3A_196 = arith.constant 0 : index
    %get3A_197 = vector.load %arg1[%get3A_194, %get3A_195, %get3A_196] : memref<2x32x14196xf32, #tpu.memory_space<vmem>>, vector<1x32x14196xf32>
    %get3A_198 = vector.shape_cast %get3A_197 : vector<1x32x14196xf32> to vector<32x14196xf32>
    %slice3A_199 = vector.extract_strided_slice %get3A_198 {offsets = [0, 0], sizes = [1, 14196], strides = [1, 1]} : vector<32x14196xf32> to vector<1x14196xf32>
    %squeeze3A_200 = vector.shape_cast %slice3A_199 : vector<1x14196xf32> to vector<14196xf32>
    %swap3A_201 = arith.constant 458752 : index
    %swap3A_202 = vector.load %arg2[%swap3A_201] : memref<917504xf32, #tpu.memory_space<vmem>>, vector<14196xf32>
    tpu.vector_store %arg2[%swap3A_201], %squeeze3A_200 {strides = array<i32>} : memref<917504xf32, #tpu.memory_space<vmem>>, vector<14196xf32>,
    %swap3A_203 = arith.constant 472948 : index
    %swap3A_204 = vector.load %arg2[%swap3A_203] : memref<917504xf32, #tpu.memory_space<vmem>>, vector<140xf32>
    tpu.vector_store %arg2[%swap3A_203], %broadcast_in_dim3A_0 {strides = array<i32>} : memref<917504xf32, #tpu.memory_space<vmem>>, vector<140xf32>,
    %slice3A_205 = vector.extract_strided_slice %get3A_198 {offsets = [1, 0], sizes = [1, 14196], strides = [1, 1]} : vector<32x14196xf32> to vector<1x14196xf32>
    %squeeze3A_206 = vector.shape_cast %slice3A_205 : vector<1x14196xf32> to vector<14196xf32>
    %swap3A_207 = arith.constant 473088 : index
    %swap3A_208 = vector.load %arg2[%swap3A_207] : memref<917504xf32, #tpu.memory_space<vmem>>, vector<14196xf32>
    tpu.vector_store %arg2[%swap3A_207], %squeeze3A_206 {strides = array<i32>} : memref<917504xf32, #tpu.memory_space<vmem>>, vector<14196xf32>,
    %swap3A_209 = arith.constant 487284 : index
    %swap3A_210 = vector.load %arg2[%swap3A_209] : memref<917504xf32, #tpu.memory_space<vmem>>, vector<140xf32>
    tpu.vector_store %arg2[%swap3A_209], %broadcast_in_dim3A_0 {strides = array<i32>} : memref<917504xf32, #tpu.memory_space<vmem>>, vector<140xf32>,
    %slice3A_211 = vector.extract_strided_slice %get3A_198 {offsets = [2, 0], sizes = [1, 14196], strides = [1, 1]} : vector<32x14196xf32> to vector<1x14196xf32>
    %squeeze3A_212 = vector.shape_cast %slice3A_211 : vector<1x14196xf32> to vector<14196xf32>
    %swap3A_213 = arith.constant 487424 : index
    %swap3A_214 = vector.load %arg2[%swap3A_213] : memref<917504xf32, #tpu.memory_space<vmem>>, vector<14196xf32>
    tpu.vector_store %arg2[%swap3A_213], %squeeze3A_212 {strides = array<i32>} : memref<917504xf32, #tpu.memory_space<vmem>>, vector<14196xf32>,
    %swap3A_215 = arith.constant 501620 : index
    %swap3A_216 = vector.load %arg2[%swap3A_215] : memref<917504xf32, #tpu.memory_space<vmem>>, vector<140xf32>
    tpu.vector_store %arg2[%swap3A_215], %broadcast_in_dim3A_0 {strides = array<i32>} : memref<917504xf32, #tpu.memory_space<vmem>>, vector<140xf32>,
    %slice3A_217 = vector.extract_strided_slice %get3A_198 {offsets = [3, 0], sizes = [1, 14196], strides = [1, 1]} : vector<32x14196xf32> to vector<1x14196xf32>
    %squeeze3A_218 = vector.shape_cast %slice3A_217 : vector<1x14196xf32> to vector<14196xf32>
    %swap3A_219 = arith.constant 501760 : index
    %swap3A_220 = vector.load %arg2[%swap3A_219] : memref<917504xf32, #tpu.memory_space<vmem>>, vector<14196xf32>
    tpu.vector_store %arg2[%swap3A_219], %squeeze3A_218 {strides = array<i32>} : memref<917504xf32, #tpu.memory_space<vmem>>, vector<14196xf32>,
    %swap3A_221 = arith.constant 515956 : index
    %swap3A_222 = vector.load %arg2[%swap3A_221] : memref<917504xf32, #tpu.memory_space<vmem>>, vector<140xf32>
    tpu.vector_store %arg2[%swap3A_221], %broadcast_in_dim3A_0 {strides = array<i32>} : memref<917504xf32, #tpu.memory_space<vmem>>, vector<140xf32>,
    %slice3A_223 = vector.extract_strided_slice %get3A_198 {offsets = [4, 0], sizes = [1, 14196], strides = [1, 1]} : vector<32x14196xf32> to vector<1x14196xf32>
    %squeeze3A_224 = vector.shape_cast %slice3A_223 : vector<1x14196xf32> to vector<14196xf32>
    %swap3A_225 = arith.constant 516096 : index
    %swap3A_226 = vector.load %arg2[%swap3A_225] : memref<917504xf32, #tpu.memory_space<vmem>>, vector<14196xf32>
    tpu.vector_store %arg2[%swap3A_225], %squeeze3A_224 {strides = array<i32>} : memref<917504xf32, #tpu.memory_space<vmem>>, vector<14196xf32>,
    %swap3A_227 = arith.constant 530292 : index
    %swap3A_228 = vector.load %arg2[%swap3A_227] : memref<917504xf32, #tpu.memory_space<vmem>>, vector<140xf32>
    tpu.vector_store %arg2[%swap3A_227], %broadcast_in_dim3A_0 {strides = array<i32>} : memref<917504xf32, #tpu.memory_space<vmem>>, vector<140xf32>,
    %slice3A_229 = vector.extract_strided_slice %get3A_198 {offsets = [5, 0], sizes = [1, 14196], strides = [1, 1]} : vector<32x14196xf32> to vector<1x14196xf32>
    %squeeze3A_230 = vector.shape_cast %slice3A_229 : vector<1x14196xf32> to vector<14196xf32>
    %swap3A_231 = arith.constant 530432 : index
    %swap3A_232 = vector.load %arg2[%swap3A_231] : memref<917504xf32, #tpu.memory_space<vmem>>, vector<14196xf32>
    tpu.vector_store %arg2[%swap3A_231], %squeeze3A_230 {strides = array<i32>} : memref<917504xf32, #tpu.memory_space<vmem>>, vector<14196xf32>,
    %swap3A_233 = arith.constant 544628 : index
    %swap3A_234 = vector.load %arg2[%swap3A_233] : memref<917504xf32, #tpu.memory_space<vmem>>, vector<140xf32>
    tpu.vector_store %arg2[%swap3A_233], %broadcast_in_dim3A_0 {strides = array<i32>} : memref<917504xf32, #tpu.memory_space<vmem>>, vector<140xf32>,
    %slice3A_235 = vector.extract_strided_slice %get3A_198 {offsets = [6, 0], sizes = [1, 14196], strides = [1, 1]} : vector<32x14196xf32> to vector<1x14196xf32>
    %squeeze3A_236 = vector.shape_cast %slice3A_235 : vector<1x14196xf32> to vector<14196xf32>
    %swap3A_237 = arith.constant 544768 : index
    %swap3A_238 = vector.load %arg2[%swap3A_237] : memref<917504xf32, #tpu.memory_space<vmem>>, vector<14196xf32>
    tpu.vector_store %arg2[%swap3A_237], %squeeze3A_236 {strides = array<i32>} : memref<917504xf32, #tpu.memory_space<vmem>>, vector<14196xf32>,
    %swap3A_239 = arith.constant 558964 : index
    %swap3A_240 = vector.load %arg2[%swap3A_239] : memref<917504xf32, #tpu.memory_space<vmem>>, vector<140xf32>
    tpu.vector_store %arg2[%swap3A_239], %broadcast_in_dim3A_0 {strides = array<i32>} : memref<917504xf32, #tpu.memory_space<vmem>>, vector<140xf32>,
    %slice3A_241 = vector.extract_strided_slice %get3A_198 {offsets = [7, 0], sizes = [1, 14196], strides = [1, 1]} : vector<32x14196xf32> to vector<1x14196xf32>
    %squeeze3A_242 = vector.shape_cast %slice3A_241 : vector<1x14196xf32> to vector<14196xf32>
    %swap3A_243 = arith.constant 559104 : index
    %swap3A_244 = vector.load %arg2[%swap3A_243] : memref<917504xf32, #tpu.memory_space<vmem>>, vector<14196xf32>
    tpu.vector_store %arg2[%swap3A_243], %squeeze3A_242 {strides = array<i32>} : memref<917504xf32, #tpu.memory_space<vmem>>, vector<14196xf32>,
    %swap3A_245 = arith.constant 573300 : index
    %swap3A_246 = vector.load %arg2[%swap3A_245] : memref<917504xf32, #tpu.memory_space<vmem>>, vector<140xf32>
    tpu.vector_store %arg2[%swap3A_245], %broadcast_in_dim3A_0 {strides = array<i32>} : memref<917504xf32, #tpu.memory_space<vmem>>, vector<140xf32>,
    %slice3A_247 = vector.extract_strided_slice %get3A_198 {offsets = [8, 0], sizes = [1, 14196], strides = [1, 1]} : vector<32x14196xf32> to vector<1x14196xf32>
    %squeeze3A_248 = vector.shape_cast %slice3A_247 : vector<1x14196xf32> to vector<14196xf32>
    %swap3A_249 = arith.constant 573440 : index
    %swap3A_250 = vector.load %arg2[%swap3A_249] : memref<917504xf32, #tpu.memory_space<vmem>>, vector<14196xf32>
    tpu.vector_store %arg2[%swap3A_249], %squeeze3A_248 {strides = array<i32>} : memref<917504xf32, #tpu.memory_space<vmem>>, vector<14196xf32>,
    %swap3A_251 = arith.constant 587636 : index
    %swap3A_252 = vector.load %arg2[%swap3A_251] : memref<917504xf32, #tpu.memory_space<vmem>>, vector<140xf32>
    tpu.vector_store %arg2[%swap3A_251], %broadcast_in_dim3A_0 {strides = array<i32>} : memref<917504xf32, #tpu.memory_space<vmem>>, vector<140xf32>,
    %slice3A_253 = vector.extract_strided_slice %get3A_198 {offsets = [9, 0], sizes = [1, 14196], strides = [1, 1]} : vector<32x14196xf32> to vector<1x14196xf32>
    %squeeze3A_254 = vector.shape_cast %slice3A_253 : vector<1x14196xf32> to vector<14196xf32>
    %swap3A_255 = arith.constant 587776 : index
    %swap3A_256 = vector.load %arg2[%swap3A_255] : memref<917504xf32, #tpu.memory_space<vmem>>, vector<14196xf32>
    tpu.vector_store %arg2[%swap3A_255], %squeeze3A_254 {strides = array<i32>} : memref<917504xf32, #tpu.memory_space<vmem>>, vector<14196xf32>,
    %swap3A_257 = arith.constant 601972 : index
    %swap3A_258 = vector.load %arg2[%swap3A_257] : memref<917504xf32, #tpu.memory_space<vmem>>, vector<140xf32>
    tpu.vector_store %arg2[%swap3A_257], %broadcast_in_dim3A_0 {strides = array<i32>} : memref<917504xf32, #tpu.memory_space<vmem>>, vector<140xf32>,
    %slice3A_259 = vector.extract_strided_slice %get3A_198 {offsets = [10, 0], sizes = [1, 14196], strides = [1, 1]} : vector<32x14196xf32> to vector<1x14196xf32>
    %squeeze3A_260 = vector.shape_cast %slice3A_259 : vector<1x14196xf32> to vector<14196xf32>
    %swap3A_261 = arith.constant 602112 : index
    %swap3A_262 = vector.load %arg2[%swap3A_261] : memref<917504xf32, #tpu.memory_space<vmem>>, vector<14196xf32>
    tpu.vector_store %arg2[%swap3A_261], %squeeze3A_260 {strides = array<i32>} : memref<917504xf32, #tpu.memory_space<vmem>>, vector<14196xf32>,
    %swap3A_263 = arith.constant 616308 : index
    %swap3A_264 = vector.load %arg2[%swap3A_263] : memref<917504xf32, #tpu.memory_space<vmem>>, vector<140xf32>
    tpu.vector_store %arg2[%swap3A_263], %broadcast_in_dim3A_0 {strides = array<i32>} : memref<917504xf32, #tpu.memory_space<vmem>>, vector<140xf32>,
    %slice3A_265 = vector.extract_strided_slice %get3A_198 {offsets = [11, 0], sizes = [1, 14196], strides = [1, 1]} : vector<32x14196xf32> to vector<1x14196xf32>
    %squeeze3A_266 = vector.shape_cast %slice3A_265 : vector<1x14196xf32> to vector<14196xf32>
    %swap3A_267 = arith.constant 616448 : index
    %swap3A_268 = vector.load %arg2[%swap3A_267] : memref<917504xf32, #tpu.memory_space<vmem>>, vector<14196xf32>
    tpu.vector_store %arg2[%swap3A_267], %squeeze3A_266 {strides = array<i32>} : memref<917504xf32, #tpu.memory_space<vmem>>, vector<14196xf32>,
    %swap3A_269 = arith.constant 630644 : index
    %swap3A_270 = vector.load %arg2[%swap3A_269] : memref<917504xf32, #tpu.memory_space<vmem>>, vector<140xf32>
    tpu.vector_store %arg2[%swap3A_269], %broadcast_in_dim3A_0 {strides = array<i32>} : memref<917504xf32, #tpu.memory_space<vmem>>, vector<140xf32>,
    %slice3A_271 = vector.extract_strided_slice %get3A_198 {offsets = [12, 0], sizes = [1, 14196], strides = [1, 1]} : vector<32x14196xf32> to vector<1x14196xf32>
    %squeeze3A_272 = vector.shape_cast %slice3A_271 : vector<1x14196xf32> to vector<14196xf32>
    %swap3A_273 = arith.constant 630784 : index
    %swap3A_274 = vector.load %arg2[%swap3A_273] : memref<917504xf32, #tpu.memory_space<vmem>>, vector<14196xf32>
    tpu.vector_store %arg2[%swap3A_273], %squeeze3A_272 {strides = array<i32>} : memref<917504xf32, #tpu.memory_space<vmem>>, vector<14196xf32>,
    %swap3A_275 = arith.constant 644980 : index
    %swap3A_276 = vector.load %arg2[%swap3A_275] : memref<917504xf32, #tpu.memory_space<vmem>>, vector<140xf32>
    tpu.vector_store %arg2[%swap3A_275], %broadcast_in_dim3A_0 {strides = array<i32>} : memref<917504xf32, #tpu.memory_space<vmem>>, vector<140xf32>,
    %slice3A_277 = vector.extract_strided_slice %get3A_198 {offsets = [13, 0], sizes = [1, 14196], strides = [1, 1]} : vector<32x14196xf32> to vector<1x14196xf32>
    %squeeze3A_278 = vector.shape_cast %slice3A_277 : vector<1x14196xf32> to vector<14196xf32>
    %swap3A_279 = arith.constant 645120 : index
    %swap3A_280 = vector.load %arg2[%swap3A_279] : memref<917504xf32, #tpu.memory_space<vmem>>, vector<14196xf32>
    tpu.vector_store %arg2[%swap3A_279], %squeeze3A_278 {strides = array<i32>} : memref<917504xf32, #tpu.memory_space<vmem>>, vector<14196xf32>,
    %swap3A_281 = arith.constant 659316 : index
    %swap3A_282 = vector.load %arg2[%swap3A_281] : memref<917504xf32, #tpu.memory_space<vmem>>, vector<140xf32>
    tpu.vector_store %arg2[%swap3A_281], %broadcast_in_dim3A_0 {strides = array<i32>} : memref<917504xf32, #tpu.memory_space<vmem>>, vector<140xf32>,
    %slice3A_283 = vector.extract_strided_slice %get3A_198 {offsets = [14, 0], sizes = [1, 14196], strides = [1, 1]} : vector<32x14196xf32> to vector<1x14196xf32>
    %squeeze3A_284 = vector.shape_cast %slice3A_283 : vector<1x14196xf32> to vector<14196xf32>
    %swap3A_285 = arith.constant 659456 : index
    %swap3A_286 = vector.load %arg2[%swap3A_285] : memref<917504xf32, #tpu.memory_space<vmem>>, vector<14196xf32>
    tpu.vector_store %arg2[%swap3A_285], %squeeze3A_284 {strides = array<i32>} : memref<917504xf32, #tpu.memory_space<vmem>>, vector<14196xf32>,
    %swap3A_287 = arith.constant 673652 : index
    %swap3A_288 = vector.load %arg2[%swap3A_287] : memref<917504xf32, #tpu.memory_space<vmem>>, vector<140xf32>
    tpu.vector_store %arg2[%swap3A_287], %broadcast_in_dim3A_0 {strides = array<i32>} : memref<917504xf32, #tpu.memory_space<vmem>>, vector<140xf32>,
    %slice3A_289 = vector.extract_strided_slice %get3A_198 {offsets = [15, 0], sizes = [1, 14196], strides = [1, 1]} : vector<32x14196xf32> to vector<1x14196xf32>
    %squeeze3A_290 = vector.shape_cast %slice3A_289 : vector<1x14196xf32> to vector<14196xf32>
    %swap3A_291 = arith.constant 673792 : index
    %swap3A_292 = vector.load %arg2[%swap3A_291] : memref<917504xf32, #tpu.memory_space<vmem>>, vector<14196xf32>
    tpu.vector_store %arg2[%swap3A_291], %squeeze3A_290 {strides = array<i32>} : memref<917504xf32, #tpu.memory_space<vmem>>, vector<14196xf32>,
    %swap3A_293 = arith.constant 687988 : index
    %swap3A_294 = vector.load %arg2[%swap3A_293] : memref<917504xf32, #tpu.memory_space<vmem>>, vector<140xf32>
    tpu.vector_store %arg2[%swap3A_293], %broadcast_in_dim3A_0 {strides = array<i32>} : memref<917504xf32, #tpu.memory_space<vmem>>, vector<140xf32>,
    %slice3A_295 = vector.extract_strided_slice %get3A_198 {offsets = [16, 0], sizes = [1, 14196], strides = [1, 1]} : vector<32x14196xf32> to vector<1x14196xf32>
    %squeeze3A_296 = vector.shape_cast %slice3A_295 : vector<1x14196xf32> to vector<14196xf32>
    %swap3A_297 = arith.constant 688128 : index
    %swap3A_298 = vector.load %arg2[%swap3A_297] : memref<917504xf32, #tpu.memory_space<vmem>>, vector<14196xf32>
    tpu.vector_store %arg2[%swap3A_297], %squeeze3A_296 {strides = array<i32>} : memref<917504xf32, #tpu.memory_space<vmem>>, vector<14196xf32>,
    %swap3A_299 = arith.constant 702324 : index
    %swap3A_300 = vector.load %arg2[%swap3A_299] : memref<917504xf32, #tpu.memory_space<vmem>>, vector<140xf32>
    tpu.vector_store %arg2[%swap3A_299], %broadcast_in_dim3A_0 {strides = array<i32>} : memref<917504xf32, #tpu.memory_space<vmem>>, vector<140xf32>,
    %slice3A_301 = vector.extract_strided_slice %get3A_198 {offsets = [17, 0], sizes = [1, 14196], strides = [1, 1]} : vector<32x14196xf32> to vector<1x14196xf32>
    %squeeze3A_302 = vector.shape_cast %slice3A_301 : vector<1x14196xf32> to vector<14196xf32>
    %swap3A_303 = arith.constant 702464 : index
    %swap3A_304 = vector.load %arg2[%swap3A_303] : memref<917504xf32, #tpu.memory_space<vmem>>, vector<14196xf32>
    tpu.vector_store %arg2[%swap3A_303], %squeeze3A_302 {strides = array<i32>} : memref<917504xf32, #tpu.memory_space<vmem>>, vector<14196xf32>,
    %swap3A_305 = arith.constant 716660 : index
    %swap3A_306 = vector.load %arg2[%swap3A_305] : memref<917504xf32, #tpu.memory_space<vmem>>, vector<140xf32>
    tpu.vector_store %arg2[%swap3A_305], %broadcast_in_dim3A_0 {strides = array<i32>} : memref<917504xf32, #tpu.memory_space<vmem>>, vector<140xf32>,
    %slice3A_307 = vector.extract_strided_slice %get3A_198 {offsets = [18, 0], sizes = [1, 14196], strides = [1, 1]} : vector<32x14196xf32> to vector<1x14196xf32>
    %squeeze3A_308 = vector.shape_cast %slice3A_307 : vector<1x14196xf32> to vector<14196xf32>
    %swap3A_309 = arith.constant 716800 : index
    %swap3A_310 = vector.load %arg2[%swap3A_309] : memref<917504xf32, #tpu.memory_space<vmem>>, vector<14196xf32>
    tpu.vector_store %arg2[%swap3A_309], %squeeze3A_308 {strides = array<i32>} : memref<917504xf32, #tpu.memory_space<vmem>>, vector<14196xf32>,
    %swap3A_311 = arith.constant 730996 : index
    %swap3A_312 = vector.load %arg2[%swap3A_311] : memref<917504xf32, #tpu.memory_space<vmem>>, vector<140xf32>
    tpu.vector_store %arg2[%swap3A_311], %broadcast_in_dim3A_0 {strides = array<i32>} : memref<917504xf32, #tpu.memory_space<vmem>>, vector<140xf32>,
    %slice3A_313 = vector.extract_strided_slice %get3A_198 {offsets = [19, 0], sizes = [1, 14196], strides = [1, 1]} : vector<32x14196xf32> to vector<1x14196xf32>
    %squeeze3A_314 = vector.shape_cast %slice3A_313 : vector<1x14196xf32> to vector<14196xf32>
    %swap3A_315 = arith.constant 731136 : index
    %swap3A_316 = vector.load %arg2[%swap3A_315] : memref<917504xf32, #tpu.memory_space<vmem>>, vector<14196xf32>
    tpu.vector_store %arg2[%swap3A_315], %squeeze3A_314 {strides = array<i32>} : memref<917504xf32, #tpu.memory_space<vmem>>, vector<14196xf32>,
    %swap3A_317 = arith.constant 745332 : index
    %swap3A_318 = vector.load %arg2[%swap3A_317] : memref<917504xf32, #tpu.memory_space<vmem>>, vector<140xf32>
    tpu.vector_store %arg2[%swap3A_317], %broadcast_in_dim3A_0 {strides = array<i32>} : memref<917504xf32, #tpu.memory_space<vmem>>, vector<140xf32>,
    %slice3A_319 = vector.extract_strided_slice %get3A_198 {offsets = [20, 0], sizes = [1, 14196], strides = [1, 1]} : vector<32x14196xf32> to vector<1x14196xf32>
    %squeeze3A_320 = vector.shape_cast %slice3A_319 : vector<1x14196xf32> to vector<14196xf32>
    %swap3A_321 = arith.constant 745472 : index
    %swap3A_322 = vector.load %arg2[%swap3A_321] : memref<917504xf32, #tpu.memory_space<vmem>>, vector<14196xf32>
    tpu.vector_store %arg2[%swap3A_321], %squeeze3A_320 {strides = array<i32>} : memref<917504xf32, #tpu.memory_space<vmem>>, vector<14196xf32>,
    %swap3A_323 = arith.constant 759668 : index
    %swap3A_324 = vector.load %arg2[%swap3A_323] : memref<917504xf32, #tpu.memory_space<vmem>>, vector<140xf32>
    tpu.vector_store %arg2[%swap3A_323], %broadcast_in_dim3A_0 {strides = array<i32>} : memref<917504xf32, #tpu.memory_space<vmem>>, vector<140xf32>,
    %slice3A_325 = vector.extract_strided_slice %get3A_198 {offsets = [21, 0], sizes = [1, 14196], strides = [1, 1]} : vector<32x14196xf32> to vector<1x14196xf32>
    %squeeze3A_326 = vector.shape_cast %slice3A_325 : vector<1x14196xf32> to vector<14196xf32>
    %swap3A_327 = arith.constant 759808 : index
    %swap3A_328 = vector.load %arg2[%swap3A_327] : memref<917504xf32, #tpu.memory_space<vmem>>, vector<14196xf32>
    tpu.vector_store %arg2[%swap3A_327], %squeeze3A_326 {strides = array<i32>} : memref<917504xf32, #tpu.memory_space<vmem>>, vector<14196xf32>,
    %swap3A_329 = arith.constant 774004 : index
    %swap3A_330 = vector.load %arg2[%swap3A_329] : memref<917504xf32, #tpu.memory_space<vmem>>, vector<140xf32>
    tpu.vector_store %arg2[%swap3A_329], %broadcast_in_dim3A_0 {strides = array<i32>} : memref<917504xf32, #tpu.memory_space<vmem>>, vector<140xf32>,
    %slice3A_331 = vector.extract_strided_slice %get3A_198 {offsets = [22, 0], sizes = [1, 14196], strides = [1, 1]} : vector<32x14196xf32> to vector<1x14196xf32>
    %squeeze3A_332 = vector.shape_cast %slice3A_331 : vector<1x14196xf32> to vector<14196xf32>
    %swap3A_333 = arith.constant 774144 : index
    %swap3A_334 = vector.load %arg2[%swap3A_333] : memref<917504xf32, #tpu.memory_space<vmem>>, vector<14196xf32>
    tpu.vector_store %arg2[%swap3A_333], %squeeze3A_332 {strides = array<i32>} : memref<917504xf32, #tpu.memory_space<vmem>>, vector<14196xf32>,
    %swap3A_335 = arith.constant 788340 : index
    %swap3A_336 = vector.load %arg2[%swap3A_335] : memref<917504xf32, #tpu.memory_space<vmem>>, vector<140xf32>
    tpu.vector_store %arg2[%swap3A_335], %broadcast_in_dim3A_0 {strides = array<i32>} : memref<917504xf32, #tpu.memory_space<vmem>>, vector<140xf32>,
    %slice3A_337 = vector.extract_strided_slice %get3A_198 {offsets = [23, 0], sizes = [1, 14196], strides = [1, 1]} : vector<32x14196xf32> to vector<1x14196xf32>
    %squeeze3A_338 = vector.shape_cast %slice3A_337 : vector<1x14196xf32> to vector<14196xf32>
    %swap3A_339 = arith.constant 788480 : index
    %swap3A_340 = vector.load %arg2[%swap3A_339] : memref<917504xf32, #tpu.memory_space<vmem>>, vector<14196xf32>
    tpu.vector_store %arg2[%swap3A_339], %squeeze3A_338 {strides = array<i32>} : memref<917504xf32, #tpu.memory_space<vmem>>, vector<14196xf32>,
    %swap3A_341 = arith.constant 802676 : index
    %swap3A_342 = vector.load %arg2[%swap3A_341] : memref<917504xf32, #tpu.memory_space<vmem>>, vector<140xf32>
    tpu.vector_store %arg2[%swap3A_341], %broadcast_in_dim3A_0 {strides = array<i32>} : memref<917504xf32, #tpu.memory_space<vmem>>, vector<140xf32>,
    %slice3A_343 = vector.extract_strided_slice %get3A_198 {offsets = [24, 0], sizes = [1, 14196], strides = [1, 1]} : vector<32x14196xf32> to vector<1x14196xf32>
    %squeeze3A_344 = vector.shape_cast %slice3A_343 : vector<1x14196xf32> to vector<14196xf32>
    %swap3A_345 = arith.constant 802816 : index
    %swap3A_346 = vector.load %arg2[%swap3A_345] : memref<917504xf32, #tpu.memory_space<vmem>>, vector<14196xf32>
    tpu.vector_store %arg2[%swap3A_345], %squeeze3A_344 {strides = array<i32>} : memref<917504xf32, #tpu.memory_space<vmem>>, vector<14196xf32>,
    %swap3A_347 = arith.constant 817012 : index
    %swap3A_348 = vector.load %arg2[%swap3A_347] : memref<917504xf32, #tpu.memory_space<vmem>>, vector<140xf32>
    tpu.vector_store %arg2[%swap3A_347], %broadcast_in_dim3A_0 {strides = array<i32>} : memref<917504xf32, #tpu.memory_space<vmem>>, vector<140xf32>,
    %slice3A_349 = vector.extract_strided_slice %get3A_198 {offsets = [25, 0], sizes = [1, 14196], strides = [1, 1]} : vector<32x14196xf32> to vector<1x14196xf32>
    %squeeze3A_350 = vector.shape_cast %slice3A_349 : vector<1x14196xf32> to vector<14196xf32>
    %swap3A_351 = arith.constant 817152 : index
    %swap3A_352 = vector.load %arg2[%swap3A_351] : memref<917504xf32, #tpu.memory_space<vmem>>, vector<14196xf32>
    tpu.vector_store %arg2[%swap3A_351], %squeeze3A_350 {strides = array<i32>} : memref<917504xf32, #tpu.memory_space<vmem>>, vector<14196xf32>,
    %swap3A_353 = arith.constant 831348 : index
    %swap3A_354 = vector.load %arg2[%swap3A_353] : memref<917504xf32, #tpu.memory_space<vmem>>, vector<140xf32>
    tpu.vector_store %arg2[%swap3A_353], %broadcast_in_dim3A_0 {strides = array<i32>} : memref<917504xf32, #tpu.memory_space<vmem>>, vector<140xf32>,
    %slice3A_355 = vector.extract_strided_slice %get3A_198 {offsets = [26, 0], sizes = [1, 14196], strides = [1, 1]} : vector<32x14196xf32> to vector<1x14196xf32>
    %squeeze3A_356 = vector.shape_cast %slice3A_355 : vector<1x14196xf32> to vector<14196xf32>
    %swap3A_357 = arith.constant 831488 : index
    %swap3A_358 = vector.load %arg2[%swap3A_357] : memref<917504xf32, #tpu.memory_space<vmem>>, vector<14196xf32>
    tpu.vector_store %arg2[%swap3A_357], %squeeze3A_356 {strides = array<i32>} : memref<917504xf32, #tpu.memory_space<vmem>>, vector<14196xf32>,
    %swap3A_359 = arith.constant 845684 : index
    %swap3A_360 = vector.load %arg2[%swap3A_359] : memref<917504xf32, #tpu.memory_space<vmem>>, vector<140xf32>
    tpu.vector_store %arg2[%swap3A_359], %broadcast_in_dim3A_0 {strides = array<i32>} : memref<917504xf32, #tpu.memory_space<vmem>>, vector<140xf32>,
    %slice3A_361 = vector.extract_strided_slice %get3A_198 {offsets = [27, 0], sizes = [1, 14196], strides = [1, 1]} : vector<32x14196xf32> to vector<1x14196xf32>
    %squeeze3A_362 = vector.shape_cast %slice3A_361 : vector<1x14196xf32> to vector<14196xf32>
    %swap3A_363 = arith.constant 845824 : index
    %swap3A_364 = vector.load %arg2[%swap3A_363] : memref<917504xf32, #tpu.memory_space<vmem>>, vector<14196xf32>
    tpu.vector_store %arg2[%swap3A_363], %squeeze3A_362 {strides = array<i32>} : memref<917504xf32, #tpu.memory_space<vmem>>, vector<14196xf32>,
    %swap3A_365 = arith.constant 860020 : index
    %swap3A_366 = vector.load %arg2[%swap3A_365] : memref<917504xf32, #tpu.memory_space<vmem>>, vector<140xf32>
    tpu.vector_store %arg2[%swap3A_365], %broadcast_in_dim3A_0 {strides = array<i32>} : memref<917504xf32, #tpu.memory_space<vmem>>, vector<140xf32>,
    %slice3A_367 = vector.extract_strided_slice %get3A_198 {offsets = [28, 0], sizes = [1, 14196], strides = [1, 1]} : vector<32x14196xf32> to vector<1x14196xf32>
    %squeeze3A_368 = vector.shape_cast %slice3A_367 : vector<1x14196xf32> to vector<14196xf32>
    %swap3A_369 = arith.constant 860160 : index
    %swap3A_370 = vector.load %arg2[%swap3A_369] : memref<917504xf32, #tpu.memory_space<vmem>>, vector<14196xf32>
    tpu.vector_store %arg2[%swap3A_369], %squeeze3A_368 {strides = array<i32>} : memref<917504xf32, #tpu.memory_space<vmem>>, vector<14196xf32>,
    %swap3A_371 = arith.constant 874356 : index
    %swap3A_372 = vector.load %arg2[%swap3A_371] : memref<917504xf32, #tpu.memory_space<vmem>>, vector<140xf32>
    tpu.vector_store %arg2[%swap3A_371], %broadcast_in_dim3A_0 {strides = array<i32>} : memref<917504xf32, #tpu.memory_space<vmem>>, vector<140xf32>,
    %slice3A_373 = vector.extract_strided_slice %get3A_198 {offsets = [29, 0], sizes = [1, 14196], strides = [1, 1]} : vector<32x14196xf32> to vector<1x14196xf32>
    %squeeze3A_374 = vector.shape_cast %slice3A_373 : vector<1x14196xf32> to vector<14196xf32>
    %swap3A_375 = arith.constant 874496 : index
    %swap3A_376 = vector.load %arg2[%swap3A_375] : memref<917504xf32, #tpu.memory_space<vmem>>, vector<14196xf32>
    tpu.vector_store %arg2[%swap3A_375], %squeeze3A_374 {strides = array<i32>} : memref<917504xf32, #tpu.memory_space<vmem>>, vector<14196xf32>,
    %swap3A_377 = arith.constant 888692 : index
    %swap3A_378 = vector.load %arg2[%swap3A_377] : memref<917504xf32, #tpu.memory_space<vmem>>, vector<140xf32>
    tpu.vector_store %arg2[%swap3A_377], %broadcast_in_dim3A_0 {strides = array<i32>} : memref<917504xf32, #tpu.memory_space<vmem>>, vector<140xf32>,
    %slice3A_379 = vector.extract_strided_slice %get3A_198 {offsets = [30, 0], sizes = [1, 14196], strides = [1, 1]} : vector<32x14196xf32> to vector<1x14196xf32>
    %squeeze3A_380 = vector.shape_cast %slice3A_379 : vector<1x14196xf32> to vector<14196xf32>
    %swap3A_381 = arith.constant 888832 : index
    %swap3A_382 = vector.load %arg2[%swap3A_381] : memref<917504xf32, #tpu.memory_space<vmem>>, vector<14196xf32>
    tpu.vector_store %arg2[%swap3A_381], %squeeze3A_380 {strides = array<i32>} : memref<917504xf32, #tpu.memory_space<vmem>>, vector<14196xf32>,
    %swap3A_383 = arith.constant 903028 : index
    %swap3A_384 = vector.load %arg2[%swap3A_383] : memref<917504xf32, #tpu.memory_space<vmem>>, vector<140xf32>
    tpu.vector_store %arg2[%swap3A_383], %broadcast_in_dim3A_0 {strides = array<i32>} : memref<917504xf32, #tpu.memory_space<vmem>>, vector<140xf32>,
    %slice3A_385 = vector.extract_strided_slice %get3A_198 {offsets = [31, 0], sizes = [1, 14196], strides = [1, 1]} : vector<32x14196xf32> to vector<1x14196xf32>
    %squeeze3A_386 = vector.shape_cast %slice3A_385 : vector<1x14196xf32> to vector<14196xf32>
    %swap3A_387 = arith.constant 903168 : index
    %swap3A_388 = vector.load %arg2[%swap3A_387] : memref<917504xf32, #tpu.memory_space<vmem>>, vector<14196xf32>
    tpu.vector_store %arg2[%swap3A_387], %squeeze3A_386 {strides = array<i32>} : memref<917504xf32, #tpu.memory_space<vmem>>, vector<14196xf32>,
    %swap3A_389 = arith.constant 917364 : index
    %swap3A_390 = vector.load %arg2[%swap3A_389] : memref<917504xf32, #tpu.memory_space<vmem>>, vector<140xf32>
    tpu.vector_store %arg2[%swap3A_389], %broadcast_in_dim3A_0 {strides = array<i32>} : memref<917504xf32, #tpu.memory_space<vmem>>, vector<140xf32>,
    return
  }
  func.func @transform_0(%arg0: i32) -> (i32, i32, i32) {
    %c0_i32 = arith.constant 0 : i32
    %c0_i32_0 = arith.constant 0 : i32
    %c0_i32_1 = arith.constant 0 : i32
    return %arg0, %c0_i32, %c0_i32_0 : i32, i32, i32
  }
  func.func @transform_1(%arg0: i32) -> i32 {
    %c0_i32 = arith.constant 0 : i32
    return %arg0 : i32
  }
}

module attributes {stable_mosaic.version = 14 : i64} {
  func.func @_dense_body(%arg0: i32, %arg1: memref<14336xf32, #tpu.memory_space<vmem>>, %arg2: memref<14336xf32, #tpu.memory_space<vmem>>, %arg3: memref<14336xf32, #tpu.memory_space<vmem>>, %arg4: memref<1x1xf32, #tpu.memory_space<smem>>) attributes {dimension_semantics = [#tpu.dimension_semantics<arbitrary>], iteration_bounds = array<i64: 32>, scalar_prefetch = 0 : i64, scratch_operands = 0 : i64, tpu.core_type = #tpu.core_type<tc>, window_params = [{transform_indices = @transform_0, window_bounds = array<i64: 14336>}, {transform_indices = @transform_1, window_bounds = array<i64: 14336>}, {transform_indices = @transform_2, window_bounds = array<i64: 14336>}, {transform_indices = @transform_3, window_bounds = array<i64: 1, 1>}]} {
    %get3A = arith.constant 0 : index
    %get3A_0 = vector.load %arg1[%get3A] : memref<14336xf32, #tpu.memory_space<vmem>>, vector<14336xf32>
    %exp3A = math.exp %get3A_0 : vector<14336xf32>
    %log1p3A = math.log1p %exp3A : vector<14336xf32>
    %min3A = arith.constant 15.9423847 : f32
    %min3A_1 = vector.broadcast %min3A : f32 to vector<14336xf32>
    %min3A_2 = arith.minimumf %log1p3A, %min3A_1 : vector<14336xf32>
    %reduce_sum3A = vector.shape_cast %min3A_2 : vector<14336xf32> to vector<1x14336xf32>
    %reduce_sum3A_3 = arith.constant dense<0.000000e+00> : vector<1xf32>
    %reduce_sum3A_4 = vector.multi_reduction <add>, %reduce_sum3A, %reduce_sum3A_3 [1] : vector<1x14336xf32> to vector<1xf32>
    %reduce_sum3A_5 = vector.shape_cast %reduce_sum3A_4 : vector<1xf32> to vector<1x1xf32>
    %reduce_sum3A_6 = vector.extract %reduce_sum3A_5[0, 0] : f32 from vector<1x1xf32>
    %add3A = arith.constant 0.000000e+00 : f32
    %add3A_7 = arith.addf %add3A, %reduce_sum3A_6 : f32
    %get3A_8 = arith.constant 0 : index
    %get3A_9 = vector.load %arg2[%get3A_8] : memref<14336xf32, #tpu.memory_space<vmem>>, vector<14336xf32>
    %exp3A_10 = math.exp %get3A_9 : vector<14336xf32>
    %log1p3A_11 = math.log1p %exp3A_10 : vector<14336xf32>
    %min3A_12 = arith.constant 15.9423847 : f32
    %min3A_13 = vector.broadcast %min3A_12 : f32 to vector<14336xf32>
    %min3A_14 = arith.minimumf %log1p3A_11, %min3A_13 : vector<14336xf32>
    %reduce_sum3A_15 = vector.shape_cast %min3A_14 : vector<14336xf32> to vector<1x14336xf32>
    %reduce_sum3A_16 = arith.constant dense<0.000000e+00> : vector<1xf32>
    %reduce_sum3A_17 = vector.multi_reduction <add>, %reduce_sum3A_15, %reduce_sum3A_16 [1] : vector<1x14336xf32> to vector<1xf32>
    %reduce_sum3A_18 = vector.shape_cast %reduce_sum3A_17 : vector<1xf32> to vector<1x1xf32>
    %reduce_sum3A_19 = vector.extract %reduce_sum3A_18[0, 0] : f32 from vector<1x1xf32>
    %add3A_20 = arith.addf %add3A_7, %reduce_sum3A_19 : f32
    %get3A_21 = arith.constant 0 : index
    %get3A_22 = vector.load %arg3[%get3A_21] : memref<14336xf32, #tpu.memory_space<vmem>>, vector<14336xf32>
    %exp3A_23 = math.exp %get3A_22 : vector<14336xf32>
    %log1p3A_24 = math.log1p %exp3A_23 : vector<14336xf32>
    %min3A_25 = arith.constant 15.9423847 : f32
    %min3A_26 = vector.broadcast %min3A_25 : f32 to vector<14336xf32>
    %min3A_27 = arith.minimumf %log1p3A_24, %min3A_26 : vector<14336xf32>
    %reduce_sum3A_28 = vector.shape_cast %min3A_27 : vector<14336xf32> to vector<1x14336xf32>
    %reduce_sum3A_29 = arith.constant dense<0.000000e+00> : vector<1xf32>
    %reduce_sum3A_30 = vector.multi_reduction <add>, %reduce_sum3A_28, %reduce_sum3A_29 [1] : vector<1x14336xf32> to vector<1xf32>
    %reduce_sum3A_31 = vector.shape_cast %reduce_sum3A_30 : vector<1xf32> to vector<1x1xf32>
    %reduce_sum3A_32 = vector.extract %reduce_sum3A_31[0, 0] : f32 from vector<1x1xf32>
    %add3A_33 = arith.addf %add3A_20, %reduce_sum3A_32 : f32
    %eq3A = arith.constant 0 : i32
    %eq3A_34 = arith.cmpi eq, %arg0, %eq3A : i32
    %convert_element_type3A = arith.extui %eq3A_34 : i1 to i32
    %cond3A = arith.constant 0 : i32
    %cond3A_35 = arith.cmpi ne, %convert_element_type3A, %cond3A : i32
    scf.if %cond3A_35 {
      %swap3A_43 = arith.constant 0.000000e+00 : f32
      %swap3A_44 = arith.constant 0 : index
      %swap3A_45 = arith.constant 0 : index
      %swap3A_46 = memref.load %arg4[%swap3A_44, %swap3A_45] : memref<1x1xf32, #tpu.memory_space<smem>>
      memref.store %swap3A_43, %arg4[%swap3A_44, %swap3A_45] : memref<1x1xf32, #tpu.memory_space<smem>>
    } else {
    }
    %get3A_36 = arith.constant 0 : index
    %get3A_37 = arith.constant 0 : index
    %get3A_38 = memref.load %arg4[%get3A_36, %get3A_37] : memref<1x1xf32, #tpu.memory_space<smem>>
    %mul3A = arith.constant 1.000000e+02 : f32
    %mul3A_39 = arith.mulf %mul3A, %add3A_33 : f32
    %add3A_40 = arith.addf %get3A_38, %mul3A_39 : f32
    %swap3A = arith.constant 0 : index
    %swap3A_41 = arith.constant 0 : index
    %swap3A_42 = memref.load %arg4[%swap3A, %swap3A_41] : memref<1x1xf32, #tpu.memory_space<smem>>
    memref.store %add3A_40, %arg4[%swap3A, %swap3A_41] : memref<1x1xf32, #tpu.memory_space<smem>>
    return
  }
  func.func @transform_0(%arg0: i32) -> i32 {
    %add3A = arith.constant 128 : i32
    %add3A_0 = arith.addi %add3A, %arg0 : i32
    %c0_i32 = arith.constant 0 : i32
    return %add3A_0 : i32
  }
  func.func @transform_1(%arg0: i32) -> i32 {
    %add3A = arith.constant 320 : i32
    %add3A_0 = arith.addi %add3A, %arg0 : i32
    %c0_i32 = arith.constant 0 : i32
    return %add3A_0 : i32
  }
  func.func @transform_2(%arg0: i32) -> i32 {
    %add3A = arith.constant 512 : i32
    %add3A_0 = arith.addi %add3A, %arg0 : i32
    %c0_i32 = arith.constant 0 : i32
    return %add3A_0 : i32
  }
  func.func @transform_3(%arg0: i32) -> (i32, i32) {
    %c0_i32 = arith.constant 0 : i32
    %c0_i32_0 = arith.constant 0 : i32
    %c0_i32_1 = arith.constant 0 : i32
    return %c0_i32, %c0_i32_0 : i32, i32
  }
}

module attributes {stable_mosaic.version = 14 : i64} {
  func.func @_combine_body(%arg0: memref<11x96x50xf32, #tpu.memory_space<vmem>>, %arg1: memref<12x96x50xf32, #tpu.memory_space<vmem>>, %arg2: memref<1x1xf32, #tpu.memory_space<smem>>, %arg3: memref<1x1xf32, #tpu.memory_space<smem>>) attributes {dimension_semantics = [], scalar_prefetch = 0 : i64, scratch_operands = 0 : i64, tpu.core_type = #tpu.core_type<tc>} {
    %get3A = arith.constant 0 : index
    %get3A_0 = arith.constant 0 : index
    %get3A_1 = arith.constant 0 : index
    %get3A_2 = vector.load %arg0[%get3A, %get3A_0, %get3A_1] : memref<11x96x50xf32, #tpu.memory_space<vmem>>, vector<1x96x50xf32>
    %get3A_3 = vector.shape_cast %get3A_2 : vector<1x96x50xf32> to vector<96x50xf32>
    %get3A_4 = arith.constant 1 : index
    %get3A_5 = arith.constant 0 : index
    %get3A_6 = arith.constant 0 : index
    %get3A_7 = vector.load %arg0[%get3A_4, %get3A_5, %get3A_6] : memref<11x96x50xf32, #tpu.memory_space<vmem>>, vector<1x96x50xf32>
    %get3A_8 = vector.shape_cast %get3A_7 : vector<1x96x50xf32> to vector<96x50xf32>
    %get3A_9 = arith.constant 2 : index
    %get3A_10 = arith.constant 0 : index
    %get3A_11 = arith.constant 0 : index
    %get3A_12 = vector.load %arg0[%get3A_9, %get3A_10, %get3A_11] : memref<11x96x50xf32, #tpu.memory_space<vmem>>, vector<1x96x50xf32>
    %get3A_13 = vector.shape_cast %get3A_12 : vector<1x96x50xf32> to vector<96x50xf32>
    %get3A_14 = arith.constant 3 : index
    %get3A_15 = arith.constant 0 : index
    %get3A_16 = arith.constant 0 : index
    %get3A_17 = vector.load %arg0[%get3A_14, %get3A_15, %get3A_16] : memref<11x96x50xf32, #tpu.memory_space<vmem>>, vector<1x96x50xf32>
    %get3A_18 = vector.shape_cast %get3A_17 : vector<1x96x50xf32> to vector<96x50xf32>
    %get3A_19 = arith.constant 4 : index
    %get3A_20 = arith.constant 0 : index
    %get3A_21 = arith.constant 0 : index
    %get3A_22 = vector.load %arg0[%get3A_19, %get3A_20, %get3A_21] : memref<11x96x50xf32, #tpu.memory_space<vmem>>, vector<1x96x50xf32>
    %get3A_23 = vector.shape_cast %get3A_22 : vector<1x96x50xf32> to vector<96x50xf32>
    %get3A_24 = arith.constant 5 : index
    %get3A_25 = arith.constant 0 : index
    %get3A_26 = arith.constant 0 : index
    %get3A_27 = vector.load %arg0[%get3A_24, %get3A_25, %get3A_26] : memref<11x96x50xf32, #tpu.memory_space<vmem>>, vector<1x96x50xf32>
    %get3A_28 = vector.shape_cast %get3A_27 : vector<1x96x50xf32> to vector<96x50xf32>
    %get3A_29 = arith.constant 6 : index
    %get3A_30 = arith.constant 0 : index
    %get3A_31 = arith.constant 0 : index
    %get3A_32 = vector.load %arg0[%get3A_29, %get3A_30, %get3A_31] : memref<11x96x50xf32, #tpu.memory_space<vmem>>, vector<1x96x50xf32>
    %get3A_33 = vector.shape_cast %get3A_32 : vector<1x96x50xf32> to vector<96x50xf32>
    %get3A_34 = arith.constant 7 : index
    %get3A_35 = arith.constant 0 : index
    %get3A_36 = arith.constant 0 : index
    %get3A_37 = vector.load %arg0[%get3A_34, %get3A_35, %get3A_36] : memref<11x96x50xf32, #tpu.memory_space<vmem>>, vector<1x96x50xf32>
    %get3A_38 = vector.shape_cast %get3A_37 : vector<1x96x50xf32> to vector<96x50xf32>
    %get3A_39 = arith.constant 8 : index
    %get3A_40 = arith.constant 0 : index
    %get3A_41 = arith.constant 0 : index
    %get3A_42 = vector.load %arg0[%get3A_39, %get3A_40, %get3A_41] : memref<11x96x50xf32, #tpu.memory_space<vmem>>, vector<1x96x50xf32>
    %get3A_43 = vector.shape_cast %get3A_42 : vector<1x96x50xf32> to vector<96x50xf32>
    %get3A_44 = arith.constant 9 : index
    %get3A_45 = arith.constant 0 : index
    %get3A_46 = arith.constant 0 : index
    %get3A_47 = vector.load %arg0[%get3A_44, %get3A_45, %get3A_46] : memref<11x96x50xf32, #tpu.memory_space<vmem>>, vector<1x96x50xf32>
    %get3A_48 = vector.shape_cast %get3A_47 : vector<1x96x50xf32> to vector<96x50xf32>
    %get3A_49 = arith.constant 10 : index
    %get3A_50 = arith.constant 0 : index
    %get3A_51 = arith.constant 0 : index
    %get3A_52 = vector.load %arg0[%get3A_49, %get3A_50, %get3A_51] : memref<11x96x50xf32, #tpu.memory_space<vmem>>, vector<1x96x50xf32>
    %get3A_53 = vector.shape_cast %get3A_52 : vector<1x96x50xf32> to vector<96x50xf32>
    %get3A_54 = arith.constant 0 : index
    %get3A_55 = arith.constant 0 : index
    %get3A_56 = arith.constant 0 : index
    %get3A_57 = vector.load %arg1[%get3A_54, %get3A_55, %get3A_56] : memref<12x96x50xf32, #tpu.memory_space<vmem>>, vector<1x96x50xf32>
    %get3A_58 = vector.shape_cast %get3A_57 : vector<1x96x50xf32> to vector<96x50xf32>
    %get3A_59 = arith.constant 1 : index
    %get3A_60 = arith.constant 0 : index
    %get3A_61 = arith.constant 0 : index
    %get3A_62 = vector.load %arg1[%get3A_59, %get3A_60, %get3A_61] : memref<12x96x50xf32, #tpu.memory_space<vmem>>, vector<1x96x50xf32>
    %get3A_63 = vector.shape_cast %get3A_62 : vector<1x96x50xf32> to vector<96x50xf32>
    %get3A_64 = arith.constant 2 : index
    %get3A_65 = arith.constant 0 : index
    %get3A_66 = arith.constant 0 : index
    %get3A_67 = vector.load %arg1[%get3A_64, %get3A_65, %get3A_66] : memref<12x96x50xf32, #tpu.memory_space<vmem>>, vector<1x96x50xf32>
    %get3A_68 = vector.shape_cast %get3A_67 : vector<1x96x50xf32> to vector<96x50xf32>
    %get3A_69 = arith.constant 3 : index
    %get3A_70 = arith.constant 0 : index
    %get3A_71 = arith.constant 0 : index
    %get3A_72 = vector.load %arg1[%get3A_69, %get3A_70, %get3A_71] : memref<12x96x50xf32, #tpu.memory_space<vmem>>, vector<1x96x50xf32>
    %get3A_73 = vector.shape_cast %get3A_72 : vector<1x96x50xf32> to vector<96x50xf32>
    %get3A_74 = arith.constant 4 : index
    %get3A_75 = arith.constant 0 : index
    %get3A_76 = arith.constant 0 : index
    %get3A_77 = vector.load %arg1[%get3A_74, %get3A_75, %get3A_76] : memref<12x96x50xf32, #tpu.memory_space<vmem>>, vector<1x96x50xf32>
    %get3A_78 = vector.shape_cast %get3A_77 : vector<1x96x50xf32> to vector<96x50xf32>
    %get3A_79 = arith.constant 5 : index
    %get3A_80 = arith.constant 0 : index
    %get3A_81 = arith.constant 0 : index
    %get3A_82 = vector.load %arg1[%get3A_79, %get3A_80, %get3A_81] : memref<12x96x50xf32, #tpu.memory_space<vmem>>, vector<1x96x50xf32>
    %get3A_83 = vector.shape_cast %get3A_82 : vector<1x96x50xf32> to vector<96x50xf32>
    %get3A_84 = arith.constant 6 : index
    %get3A_85 = arith.constant 0 : index
    %get3A_86 = arith.constant 0 : index
    %get3A_87 = vector.load %arg1[%get3A_84, %get3A_85, %get3A_86] : memref<12x96x50xf32, #tpu.memory_space<vmem>>, vector<1x96x50xf32>
    %get3A_88 = vector.shape_cast %get3A_87 : vector<1x96x50xf32> to vector<96x50xf32>
    %get3A_89 = arith.constant 7 : index
    %get3A_90 = arith.constant 0 : index
    %get3A_91 = arith.constant 0 : index
    %get3A_92 = vector.load %arg1[%get3A_89, %get3A_90, %get3A_91] : memref<12x96x50xf32, #tpu.memory_space<vmem>>, vector<1x96x50xf32>
    %get3A_93 = vector.shape_cast %get3A_92 : vector<1x96x50xf32> to vector<96x50xf32>
    %get3A_94 = arith.constant 8 : index
    %get3A_95 = arith.constant 0 : index
    %get3A_96 = arith.constant 0 : index
    %get3A_97 = vector.load %arg1[%get3A_94, %get3A_95, %get3A_96] : memref<12x96x50xf32, #tpu.memory_space<vmem>>, vector<1x96x50xf32>
    %get3A_98 = vector.shape_cast %get3A_97 : vector<1x96x50xf32> to vector<96x50xf32>
    %get3A_99 = arith.constant 9 : index
    %get3A_100 = arith.constant 0 : index
    %get3A_101 = arith.constant 0 : index
    %get3A_102 = vector.load %arg1[%get3A_99, %get3A_100, %get3A_101] : memref<12x96x50xf32, #tpu.memory_space<vmem>>, vector<1x96x50xf32>
    %get3A_103 = vector.shape_cast %get3A_102 : vector<1x96x50xf32> to vector<96x50xf32>
    %get3A_104 = arith.constant 10 : index
    %get3A_105 = arith.constant 0 : index
    %get3A_106 = arith.constant 0 : index
    %get3A_107 = vector.load %arg1[%get3A_104, %get3A_105, %get3A_106] : memref<12x96x50xf32, #tpu.memory_space<vmem>>, vector<1x96x50xf32>
    %get3A_108 = vector.shape_cast %get3A_107 : vector<1x96x50xf32> to vector<96x50xf32>
    %get3A_109 = arith.constant 11 : index
    %get3A_110 = arith.constant 0 : index
    %get3A_111 = arith.constant 0 : index
    %get3A_112 = vector.load %arg1[%get3A_109, %get3A_110, %get3A_111] : memref<12x96x50xf32, #tpu.memory_space<vmem>>, vector<1x96x50xf32>
    %get3A_113 = vector.shape_cast %get3A_112 : vector<1x96x50xf32> to vector<96x50xf32>
    %mul3A = arith.mulf %get3A_103, %get3A_23 : vector<96x50xf32>
    %mul3A_114 = arith.mulf %get3A_108, %get3A_28 : vector<96x50xf32>
    %add3A = arith.addf %mul3A, %mul3A_114 : vector<96x50xf32>
    %mul3A_115 = arith.mulf %get3A_113, %get3A_33 : vector<96x50xf32>
    %add3A_116 = arith.addf %add3A, %mul3A_115 : vector<96x50xf32>
    %logistic3A = arith.negf %add3A_116 : vector<96x50xf32>
    %logistic3A_117 = math.exp %logistic3A : vector<96x50xf32>
    %logistic3A_118 = arith.constant 1.000000e+00 : f32
    %logistic3A_119 = vector.broadcast %logistic3A_118 : f32 to vector<96x50xf32>
    %logistic3A_120 = arith.addf %logistic3A_119, %logistic3A_117 : vector<96x50xf32>
    %logistic3A_121 = arith.divf %logistic3A_119, %logistic3A_120 : vector<96x50xf32>
    %jit3A = arith.constant 1.000000e-07 : f32
    %jit3A_122 = arith.constant 0.99999988 : f32
    %max3A = vector.broadcast %jit3A : f32 to vector<96x50xf32>
    %max3A_123 = arith.maximumf %max3A, %logistic3A_121 : vector<96x50xf32>
    %min3A = vector.broadcast %jit3A_122 : f32 to vector<96x50xf32>
    %min3A_124 = arith.minimumf %min3A, %max3A_123 : vector<96x50xf32>
    %log3A = math.log %min3A_124 : vector<96x50xf32>
    %neg3A = arith.constant 0.000000e+00 : f32
    %neg3A_125 = vector.broadcast %neg3A : f32 to vector<96x50xf32>
    %neg3A_126 = arith.subf %neg3A_125, %log3A : vector<96x50xf32>
    %logistic3A_127 = arith.negf %get3A_3 : vector<96x50xf32>
    %logistic3A_128 = math.exp %logistic3A_127 : vector<96x50xf32>
    %logistic3A_129 = arith.constant 1.000000e+00 : f32
    %logistic3A_130 = vector.broadcast %logistic3A_129 : f32 to vector<96x50xf32>
    %logistic3A_131 = arith.addf %logistic3A_130, %logistic3A_128 : vector<96x50xf32>
    %logistic3A_132 = arith.divf %logistic3A_130, %logistic3A_131 : vector<96x50xf32>
    %sub3A = arith.subf %logistic3A_132, %get3A_58 : vector<96x50xf32>
    %integer_pow3A = arith.mulf %sub3A, %sub3A : vector<96x50xf32>
    %add3A_133 = arith.addf %neg3A_126, %integer_pow3A : vector<96x50xf32>
    %logistic3A_134 = arith.negf %get3A_8 : vector<96x50xf32>
    %logistic3A_135 = math.exp %logistic3A_134 : vector<96x50xf32>
    %logistic3A_136 = arith.constant 1.000000e+00 : f32
    %logistic3A_137 = vector.broadcast %logistic3A_136 : f32 to vector<96x50xf32>
    %logistic3A_138 = arith.addf %logistic3A_137, %logistic3A_135 : vector<96x50xf32>
    %logistic3A_139 = arith.divf %logistic3A_137, %logistic3A_138 : vector<96x50xf32>
    %sub3A_140 = arith.subf %logistic3A_139, %get3A_63 : vector<96x50xf32>
    %integer_pow3A_141 = arith.mulf %sub3A_140, %sub3A_140 : vector<96x50xf32>
    %add3A_142 = arith.addf %add3A_133, %integer_pow3A_141 : vector<96x50xf32>
    %sub3A_143 = arith.subf %get3A_13, %get3A_68 : vector<96x50xf32>
    %integer_pow3A_144 = arith.mulf %sub3A_143, %sub3A_143 : vector<96x50xf32>
    %add3A_145 = arith.addf %add3A_142, %integer_pow3A_144 : vector<96x50xf32>
    %sub3A_146 = arith.subf %get3A_18, %get3A_73 : vector<96x50xf32>
    %integer_pow3A_147 = arith.mulf %sub3A_146, %sub3A_146 : vector<96x50xf32>
    %add3A_148 = arith.addf %add3A_145, %integer_pow3A_147 : vector<96x50xf32>
    %mul3A_149 = arith.mulf %get3A_78, %add3A_148 : vector<96x50xf32>
    %broadcast_in_dim3A = arith.constant 0.000000e+00 : f32
    %broadcast_in_dim3A_150 = vector.broadcast %broadcast_in_dim3A : f32 to vector<96x50xf32>
    %logistic3A_151 = arith.negf %get3A_23 : vector<96x50xf32>
    %logistic3A_152 = math.exp %logistic3A_151 : vector<96x50xf32>
    %logistic3A_153 = arith.constant 1.000000e+00 : f32
    %logistic3A_154 = vector.broadcast %logistic3A_153 : f32 to vector<96x50xf32>
    %logistic3A_155 = arith.addf %logistic3A_154, %logistic3A_152 : vector<96x50xf32>
    %logistic3A_156 = arith.divf %logistic3A_154, %logistic3A_155 : vector<96x50xf32>
    %jit3A_157 = arith.constant 1.000000e-07 : f32
    %jit3A_158 = arith.constant 0.99999988 : f32
    %max3A_159 = vector.broadcast %jit3A_157 : f32 to vector<96x50xf32>
    %max3A_160 = arith.maximumf %max3A_159, %logistic3A_156 : vector<96x50xf32>
    %min3A_161 = vector.broadcast %jit3A_158 : f32 to vector<96x50xf32>
    %min3A_162 = arith.minimumf %min3A_161, %max3A_160 : vector<96x50xf32>
    %sub3A_163 = arith.constant 1.000000e+00 : f32
    %sub3A_164 = vector.broadcast %sub3A_163 : f32 to vector<96x50xf32>
    %sub3A_165 = arith.subf %sub3A_164, %min3A_162 : vector<96x50xf32>
    %log3A_166 = math.log %sub3A_165 : vector<96x50xf32>
    %neg3A_167 = arith.constant 0.000000e+00 : f32
    %neg3A_168 = vector.broadcast %neg3A_167 : f32 to vector<96x50xf32>
    %neg3A_169 = arith.subf %neg3A_168, %log3A_166 : vector<96x50xf32>
    %mul3A_170 = arith.mulf %get3A_88, %neg3A_169 : vector<96x50xf32>
    %add3A_171 = arith.addf %broadcast_in_dim3A_150, %mul3A_170 : vector<96x50xf32>
    %logistic3A_172 = arith.negf %get3A_28 : vector<96x50xf32>
    %logistic3A_173 = math.exp %logistic3A_172 : vector<96x50xf32>
    %logistic3A_174 = arith.constant 1.000000e+00 : f32
    %logistic3A_175 = vector.broadcast %logistic3A_174 : f32 to vector<96x50xf32>
    %logistic3A_176 = arith.addf %logistic3A_175, %logistic3A_173 : vector<96x50xf32>
    %logistic3A_177 = arith.divf %logistic3A_175, %logistic3A_176 : vector<96x50xf32>
    %jit3A_178 = arith.constant 1.000000e-07 : f32
    %jit3A_179 = arith.constant 0.99999988 : f32
    %max3A_180 = vector.broadcast %jit3A_178 : f32 to vector<96x50xf32>
    %max3A_181 = arith.maximumf %max3A_180, %logistic3A_177 : vector<96x50xf32>
    %min3A_182 = vector.broadcast %jit3A_179 : f32 to vector<96x50xf32>
    %min3A_183 = arith.minimumf %min3A_182, %max3A_181 : vector<96x50xf32>
    %sub3A_184 = arith.constant 1.000000e+00 : f32
    %sub3A_185 = vector.broadcast %sub3A_184 : f32 to vector<96x50xf32>
    %sub3A_186 = arith.subf %sub3A_185, %min3A_183 : vector<96x50xf32>
    %log3A_187 = math.log %sub3A_186 : vector<96x50xf32>
    %neg3A_188 = arith.constant 0.000000e+00 : f32
    %neg3A_189 = vector.broadcast %neg3A_188 : f32 to vector<96x50xf32>
    %neg3A_190 = arith.subf %neg3A_189, %log3A_187 : vector<96x50xf32>
    %mul3A_191 = arith.mulf %get3A_93, %neg3A_190 : vector<96x50xf32>
    %add3A_192 = arith.addf %add3A_171, %mul3A_191 : vector<96x50xf32>
    %logistic3A_193 = arith.negf %get3A_33 : vector<96x50xf32>
    %logistic3A_194 = math.exp %logistic3A_193 : vector<96x50xf32>
    %logistic3A_195 = arith.constant 1.000000e+00 : f32
    %logistic3A_196 = vector.broadcast %logistic3A_195 : f32 to vector<96x50xf32>
    %logistic3A_197 = arith.addf %logistic3A_196, %logistic3A_194 : vector<96x50xf32>
    %logistic3A_198 = arith.divf %logistic3A_196, %logistic3A_197 : vector<96x50xf32>
    %jit3A_199 = arith.constant 1.000000e-07 : f32
    %jit3A_200 = arith.constant 0.99999988 : f32
    %max3A_201 = vector.broadcast %jit3A_199 : f32 to vector<96x50xf32>
    %max3A_202 = arith.maximumf %max3A_201, %logistic3A_198 : vector<96x50xf32>
    %min3A_203 = vector.broadcast %jit3A_200 : f32 to vector<96x50xf32>
    %min3A_204 = arith.minimumf %min3A_203, %max3A_202 : vector<96x50xf32>
    %sub3A_205 = arith.constant 1.000000e+00 : f32
    %sub3A_206 = vector.broadcast %sub3A_205 : f32 to vector<96x50xf32>
    %sub3A_207 = arith.subf %sub3A_206, %min3A_204 : vector<96x50xf32>
    %log3A_208 = math.log %sub3A_207 : vector<96x50xf32>
    %neg3A_209 = arith.constant 0.000000e+00 : f32
    %neg3A_210 = vector.broadcast %neg3A_209 : f32 to vector<96x50xf32>
    %neg3A_211 = arith.subf %neg3A_210, %log3A_208 : vector<96x50xf32>
    %mul3A_212 = arith.mulf %get3A_98, %neg3A_211 : vector<96x50xf32>
    %add3A_213 = arith.addf %add3A_192, %mul3A_212 : vector<96x50xf32>
    %iota3A = tpu.iota {dimensions = array<i32: 0>} : vector<96x50xi32>
    %jit3A_214 = arith.constant 4 : i32
    %eq3A = arith.constant 0 : i32
    %eq3A_215 = arith.cmpi eq, %jit3A_214, %eq3A : i32
    %jit3A_216 = arith.constant 1 : i32
    %select_n3A = arith.select %eq3A_215, %jit3A_216, %jit3A_214 : i32
    %rem3A = vector.broadcast %select_n3A : i32 to vector<96x50xi32>
    %rem3A_217 = arith.remsi %iota3A, %rem3A : vector<96x50xi32>
    %ne3A = arith.constant 0 : i32
    %ne3A_218 = vector.broadcast %ne3A : i32 to vector<96x50xi32>
    %ne3A_219 = arith.cmpi ne, %rem3A_217, %ne3A_218 : vector<96x50xi32>
    %lt3A = arith.constant 0 : i32
    %lt3A_220 = vector.broadcast %lt3A : i32 to vector<96x50xi32>
    %lt3A_221 = arith.cmpi slt, %rem3A_217, %lt3A_220 : vector<96x50xi32>
    %lt3A_222 = arith.constant 0 : i32
    %lt3A_223 = arith.cmpi slt, %select_n3A, %lt3A_222 : i32
    %ne3A_224 = vector.broadcast %lt3A_223 : i1 to vector<96x50xi1>
    %ne3A_225 = vector.broadcast %ne3A_224 : vector<96x50xi1> to vector<96x50xi1>
    %ne3A_226 = arith.xori %lt3A_221, %ne3A_225 : vector<96x50xi1>
    %and3A = arith.andi %ne3A_226, %ne3A_219 : vector<96x50xi1>
    %add3A_227 = vector.broadcast %select_n3A : i32 to vector<96x50xi32>
    %add3A_228 = arith.addi %rem3A_217, %add3A_227 : vector<96x50xi32>
    %select_n3A_229 = arith.select %and3A, %add3A_228, %rem3A_217 : vector<96x50xi1>, vector<96x50xi32>
    %max3A_230 = arith.maximumf %get3A_38, %get3A_43 : vector<96x50xf32>
    %max3A_231 = arith.maximumf %get3A_48, %get3A_53 : vector<96x50xf32>
    %max3A_232 = arith.maximumf %max3A_230, %max3A_231 : vector<96x50xf32>
    %broadcast_in_dim3A_233 = arith.constant 0.000000e+00 : f32
    %broadcast_in_dim3A_234 = vector.broadcast %broadcast_in_dim3A_233 : f32 to vector<96x50xf32>
    %broadcast_in_dim3A_235 = arith.constant 0.000000e+00 : f32
    %broadcast_in_dim3A_236 = vector.broadcast %broadcast_in_dim3A_235 : f32 to vector<96x50xf32>
    %sub3A_237 = arith.subf %get3A_38, %max3A_232 : vector<96x50xf32>
    %exp3A = math.exp %sub3A_237 : vector<96x50xf32>
    %add3A_238 = arith.addf %broadcast_in_dim3A_234, %exp3A : vector<96x50xf32>
    %eq3A_239 = arith.constant 0 : i32
    %eq3A_240 = vector.broadcast %eq3A_239 : i32 to vector<96x50xi32>
    %eq3A_241 = arith.cmpi eq, %select_n3A_229, %eq3A_240 : vector<96x50xi32>
    %jit3A_242 = arith.constant 0.000000e+00 : f32
    %broadcast_in_dim3A_243 = vector.broadcast %jit3A_242 : f32 to vector<96x50xf32>
    %select_n3A_244 = arith.select %eq3A_241, %get3A_38, %broadcast_in_dim3A_243 : vector<96x50xi1>, vector<96x50xf32>
    %add3A_245 = arith.addf %broadcast_in_dim3A_236, %select_n3A_244 : vector<96x50xf32>
    %sub3A_246 = arith.subf %get3A_43, %max3A_232 : vector<96x50xf32>
    %exp3A_247 = math.exp %sub3A_246 : vector<96x50xf32>
    %add3A_248 = arith.addf %add3A_238, %exp3A_247 : vector<96x50xf32>
    %eq3A_249 = arith.constant 1 : i32
    %eq3A_250 = vector.broadcast %eq3A_249 : i32 to vector<96x50xi32>
    %eq3A_251 = arith.cmpi eq, %select_n3A_229, %eq3A_250 : vector<96x50xi32>
    %jit3A_252 = arith.constant 0.000000e+00 : f32
    %broadcast_in_dim3A_253 = vector.broadcast %jit3A_252 : f32 to vector<96x50xf32>
    %select_n3A_254 = arith.select %eq3A_251, %get3A_43, %broadcast_in_dim3A_253 : vector<96x50xi1>, vector<96x50xf32>
    %add3A_255 = arith.addf %add3A_245, %select_n3A_254 : vector<96x50xf32>
    %sub3A_256 = arith.subf %get3A_48, %max3A_232 : vector<96x50xf32>
    %exp3A_257 = math.exp %sub3A_256 : vector<96x50xf32>
    %add3A_258 = arith.addf %add3A_248, %exp3A_257 : vector<96x50xf32>
    %eq3A_259 = arith.constant 2 : i32
    %eq3A_260 = vector.broadcast %eq3A_259 : i32 to vector<96x50xi32>
    %eq3A_261 = arith.cmpi eq, %select_n3A_229, %eq3A_260 : vector<96x50xi32>
    %jit3A_262 = arith.constant 0.000000e+00 : f32
    %broadcast_in_dim3A_263 = vector.broadcast %jit3A_262 : f32 to vector<96x50xf32>
    %select_n3A_264 = arith.select %eq3A_261, %get3A_48, %broadcast_in_dim3A_263 : vector<96x50xi1>, vector<96x50xf32>
    %add3A_265 = arith.addf %add3A_255, %select_n3A_264 : vector<96x50xf32>
    %sub3A_266 = arith.subf %get3A_53, %max3A_232 : vector<96x50xf32>
    %exp3A_267 = math.exp %sub3A_266 : vector<96x50xf32>
    %add3A_268 = arith.addf %add3A_258, %exp3A_267 : vector<96x50xf32>
    %eq3A_269 = arith.constant 3 : i32
    %eq3A_270 = vector.broadcast %eq3A_269 : i32 to vector<96x50xi32>
    %eq3A_271 = arith.cmpi eq, %select_n3A_229, %eq3A_270 : vector<96x50xi32>
    %jit3A_272 = arith.constant 0.000000e+00 : f32
    %broadcast_in_dim3A_273 = vector.broadcast %jit3A_272 : f32 to vector<96x50xf32>
    %select_n3A_274 = arith.select %eq3A_271, %get3A_53, %broadcast_in_dim3A_273 : vector<96x50xi1>, vector<96x50xf32>
    %add3A_275 = arith.addf %add3A_265, %select_n3A_274 : vector<96x50xf32>
    %log3A_276 = math.log %add3A_268 : vector<96x50xf32>
    %add3A_277 = arith.addf %max3A_232, %log3A_276 : vector<96x50xf32>
    %sub3A_278 = arith.subf %add3A_277, %add3A_275 : vector<96x50xf32>
    %mul3A_279 = arith.mulf %get3A_83, %sub3A_278 : vector<96x50xf32>
    %mul3A_280 = arith.constant 1.000000e+02 : f32
    %mul3A_281 = vector.broadcast %mul3A_280 : f32 to vector<96x50xf32>
    %mul3A_282 = arith.mulf %mul3A_281, %add3A_213 : vector<96x50xf32>
    %sub3A_283 = arith.subf %mul3A_149, %mul3A_282 : vector<96x50xf32>
    %add3A_284 = arith.addf %sub3A_283, %mul3A_279 : vector<96x50xf32>
    %reduce_sum3A = vector.shape_cast %add3A_284 : vector<96x50xf32> to vector<1x96x50xf32>
    %reduce_sum3A_285 = arith.constant dense<0.000000e+00> : vector<1xf32>
    %reduce_sum3A_286 = vector.multi_reduction <add>, %reduce_sum3A, %reduce_sum3A_285 [1, 2] : vector<1x96x50xf32> to vector<1xf32>
    %reduce_sum3A_287 = vector.shape_cast %reduce_sum3A_286 : vector<1xf32> to vector<1x1x1xf32>
    %reduce_sum3A_288 = vector.extract %reduce_sum3A_287[0, 0, 0] : f32 from vector<1x1x1xf32>
    %get3A_289 = arith.constant 0 : index
    %get3A_290 = arith.constant 0 : index
    %get3A_291 = memref.load %arg2[%get3A_289, %get3A_290] : memref<1x1xf32, #tpu.memory_space<smem>>
    %add3A_292 = arith.addf %get3A_291, %reduce_sum3A_288 : f32
    %swap3A = arith.constant 0 : index
    %swap3A_293 = arith.constant 0 : index
    %swap3A_294 = memref.load %arg3[%swap3A, %swap3A_293] : memref<1x1xf32, #tpu.memory_space<smem>>
    memref.store %add3A_292, %arg3[%swap3A, %swap3A_293] : memref<1x1xf32, #tpu.memory_space<smem>>
    return
  }
}

</mosaic_0001>

<sc_bundles>
// kernel: kernel.7.cloned.1.call-start
scs
__scs_entry_jumppad:
0x0: {  	(pc) =	sbr.rel $0x88, $3  }
0x1: {  	(tag) =	ssettag $0x0;
	lr =	simm.s32 $0x1  }
0x2: {  	[smem:$0x3F9F] =	sst lr;
	_ =	strace $0xD0000000  }
0x3: {  	_ = 	snop  }
0x4: {  	_ = 	snop  }
0x5: {  	_ = 	snop  }
0x6: {  	_ = 	snop  }
0x7: {  	_ = 	snop  }
__scs_overlays_trampoline_lowered:
0x8: {  	[smem:$0x3FAE] =	sst s0  }
0x9: {  	[smem:$0x3FAF] =	sst s1  }
0xa: {  	[smem:$0x3FB0] =	sst s2  }
0xb: {  	[smem:$0x3FB1] =	sst s3  }
0xc: {  	[smem:$0x3FB2] =	sst s4  }
0xd: {  	[smem:$0x3FB3] =	sst s5  }
0xe: {  	[smem:$0x3FB4] =	sst s6  }
0xf: {  	[smem:$0x3FB5] =	sst s7  }
0x10: {  	[smem:$0x3FB6] =	sst s8  }
0x11: {  	[smem:$0x3FB7] =	sst s9;
	s0 =	simm.s32 @!p0 $0x0  }
0x12: {  	s1 =	sld [smem:$0x3F9D];
	s0 =	simm.s32 @p0 $0x1  }
0x13: {  	[smem:$0x3FB8] =	sst s0;
	s0 =	simm.s32 @!p1 $0x0  }
0x14: {  	s2 =	sld [smem:$0x3F9C];
	s0 =	simm.s32 @p1 $0x1  }
0x15: {  	[smem:$0x3FB9] =	sst s0;
	s0 =	simm.s32 @!p2 $0x0  }
0x16: {  	s3 =	sld [smem:$0x3FDB];
	s0 =	simm.s32 @p2 $0x1  }
0x17: {  	s4 =	simm.s32 $0x1BF5;
	[smem:$0x3FBB] =	sst s0  }
0x18: {  	s0 =	sld [smem:$0x3F9E];
	_ =	swait.ge [sflag:s4], $0x0  }
0x19: {  	s7 =	sld [smem:$0x3F9F]  }
0x1a: {  	s8 =	sadd.s32 $0xFFFFE003, lr  }
0x1b: {  	s9 =	sadd.s32 $0xFFFFFEF7, lr;
	s5 =	simm.s32 $0xFFFFFFFF;
	p2 =	slt.u32 s8, $0xFFFFF086  }
0x1c: {  	p1 =	slt.u32 s9, $0xF7A;
	s5 =	simm.s32 @!p2 $0x0  }
0x1d: {  	s5 =	simm.s32 @p1 $0x1;
	p0 =	seq.s32 s7, s2  }
0x1e: {  	s7 =	smul.u32 @!p0 $0xF7A, s2;
	p2 =	seq.s32 @!p0 s5, $0x0  }
0x1f: {  	s9 =	smul.u32 $0xF7A, s1;
	s8 =	simm.s32 @!p0 $0x1BF5;
	p2 =	por !p2, p0  }
0x20: {  	[sflag:s8] =	ssyncset.s32 @!p0 $0xFFFFF086;
	s6 =	sadd.s32 @!p0 s3, s7;
	s7 =	simm.s32 @!p0 $0x108  }
0x21: {  	s3 =	sadd.s32 s3, s9;
	s6 =	sadd.s32 @!p0 $0x88, s6;
	s7 =	simm.s32 @p2 $0x1082  }
0x22: {  	[simem:s7], [sflag:s8] =	dma.local @!p0 [hbm:s6], $0xF7A  }
0x23: {  	s9 =	sor.u32 $0xD0000000, s2;
	s6 =	simm.s32 $0x108;
	_ =	swait.ge @!p0 [sflag:s8], $0x0  }
0x24: {  	s3 =	sadd.s32 $0x88, s3;
	s6 =	simm.s32 @!p1 $0x1082;
	[sflag:s4] =	ssyncset.s32 $0xFFFFF086  }
0x25: {  	[simem:s6], [sflag:s4] =	dma.local [hbm:s3], $0xF7A  }
0x26: {  	[smem:$0x3F9F] =	sst s1;
	(tag) =	ssettag s2;
	_ =	strace s9  }
0x27: {  	s1 =	sld [smem:$0x3FAF]  }
0x28: {  	s2 =	sld [smem:$0x3FB0]  }
0x29: {  	s4 =	sld [smem:$0x3FB2]  }
0x2a: {  	p0 =	seq.s32 s5, $0x0;
	s5 =	sld [smem:$0x3FB3]  }
0x2b: {  	s6 =	sld [smem:$0x3FB4]  }
0x2c: {  	s7 =	sld [smem:$0x3FB5]  }
0x2d: {  	s3 =	simm.s32 $0x108;
	s8 =	sld [smem:$0x3FB6]  }
0x2e: {  	s3 =	simm.s32 @!p0 $0x1082;
	s9 =	sld [smem:$0x3FB7]  }
0x2f: {  	lr =	sadd.s32 s0, s3;
	s0 =	sld [smem:$0x3FAE]  }
0x30: {  	s3 =	sld [smem:$0x3FB1]  }
0x31: {  	[smem:$0x3FBA] =	sst s10  }
0x32: {  	s10 =	sld [smem:$0x3FB8];
	_ =	sdelay $0x3  }
0x33: {  	p0 =	seq.s32 s10, $0x1;
	s10 =	sld [smem:$0x3FBA];
	_ =	sdelay $0x3  }
0x34: {  	[smem:$0x3FBA] =	sst s10  }
0x35: {  	s10 =	sld [smem:$0x3FB9];
	_ =	sdelay $0x3  }
0x36: {  	p1 =	seq.s32 s10, $0x1;
	s10 =	sld [smem:$0x3FBA];
	_ =	sdelay $0x3  }
0x37: {  	[smem:$0x3FBA] =	sst s10  }
0x38: {  	s10 =	sld [smem:$0x3FBB]  }
0x39: {  	_ = 	snop;
	(pc) =	sbr.ind lr, $3  }
0x3a: {  	_ = 	snop  }
0x3b: {  	_ = 	snop  }
0x3c: {  	p2 =	seq.s32 s10, $0x1;
	s10 =	sld [smem:$0x3FBA]  }
0x3d: {  	_ =	shalt  }
0x3e: {  	_ =	shalt  }
0x3f: {  	_ =	shalt  }
0x40: {  	_ =	shalt  }
0x41: {  	_ =	shalt  }
0x42: {  	_ =	shalt  }
0x43: {  	_ =	shalt  }
0x44: {  	_ =	shalt  }
0x45: {  	_ =	shalt  }
0x46: {  	_ =	shalt  }
0x47: {  	_ =	shalt  }
0x48: {  	_ =	shalt  }
0x49: {  	_ =	shalt  }
0x4a: {  	_ =	shalt  }
0x4b: {  	_ =	shalt  }
0x4c: {  	_ =	shalt  }
0x4d: {  	_ =	shalt  }
0x4e: {  	_ =	shalt  }
0x4f: {  	_ =	shalt  }
0x50: {  	_ =	shalt  }
0x51: {  	_ =	shalt  }
0x52: {  	_ =	shalt  }
0x53: {  	_ =	shalt  }
0x54: {  	_ =	shalt  }
0x55: {  	_ =	shalt  }
0x56: {  	_ =	shalt  }
0x57: {  	_ =	shalt  }
0x58: {  	_ =	shalt  }
0x59: {  	_ =	shalt  }
0x5a: {  	_ =	shalt  }
0x5b: {  	_ =	shalt  }
0x5c: {  	_ =	shalt  }
0x5d: {  	_ =	shalt  }
0x5e: {  	_ =	shalt  }
0x5f: {  	_ =	shalt  }
0x60: {  	_ =	shalt  }
0x61: {  	_ =	shalt  }
0x62: {  	_ =	shalt  }
0x63: {  	_ =	shalt  }
0x64: {  	_ =	shalt  }
0x65: {  	_ =	shalt  }
0x66: {  	_ =	shalt  }
0x67: {  	_ =	shalt  }
0x68: {  	_ =	shalt  }
0x69: {  	_ =	shalt  }
0x6a: {  	_ =	shalt  }
0x6b: {  	_ =	shalt  }
0x6c: {  	_ =	shalt  }
0x6d: {  	_ =	shalt  }
0x6e: {  	_ =	shalt  }
0x6f: {  	_ =	shalt  }
0x70: {  	_ =	shalt  }
0x71: {  	_ =	shalt  }
0x72: {  	_ =	shalt  }
0x73: {  	_ =	shalt  }
0x74: {  	_ =	shalt  }
0x75: {  	_ =	shalt  }
0x76: {  	_ =	shalt  }
0x77: {  	_ =	shalt  }
0x78: {  	_ =	shalt  }
0x79: {  	_ =	shalt  }
0x7a: {  	_ =	shalt  }
0x7b: {  	_ =	shalt  }
0x7c: {  	_ =	shalt  }
0x7d: {  	_ =	shalt  }
0x7e: {  	_ =	shalt  }
0x7f: {  	_ =	shalt  }
0x80: {  	_ =	shalt  }
0x81: {  	_ =	shalt  }
0x82: {  	_ =	shalt  }
0x83: {  	_ =	shalt  }
0x84: {  	_ =	shalt  }
0x85: {  	_ =	shalt  }
0x86: {  	_ =	shalt  }
0x87: {  	_ =	shalt  }
.Lfunc_end0:
.L_simem_size_0:
called_computation_lowered:
.L_overlay_start_0:
0x88: {  	s2 =	sld [smem:$0x3FD9]  }
0x89: {  	s3 =	sld [smem:$0x3FFE];
	_ =	sdelay $0x1  }
0x8a: {  	s1 =	srdreg.scid  }
0x8b: {  	s0 =	sand.u32 $0x1, s1  }
0x8c: {  	s16 =	sshll.u32 s0, $0xA;
	s2 =	sadd.s32 s3, s2  }
0x8d: {  	s2 =	sadd.s32 s2, s16  }
0x8e: {  	[smem:$0x3FC6] =	sst s2  }
0x8f: {  	_ = 	snop  }
0x90: {  	(tm) =	ssettm $0x1  }
0x91: {  	s17 =	sld [smem:$0x3FFB];
	_ =	sdelay $0x3  }
0x92: {  	_ =	strace s17  }
0x93: {  	s2 =	sld [smem:$0x3FFC];
	_ =	sdelay $0x3  }
0x94: {  	_ =	strace s2  }
0x95: {  	s2 =	sld [smem:$0x3FFD];
	_ =	sdelay $0x3  }
0x96: {  	_ =	strace s2  }
0x97: {  	_ =	strace $0x8FFFFFFF  }
0x98: {  	s18 =	sld [smem:$0x3FDB];
	_ =	sdelay $0x1  }
0x99: {  	s19 =	simm.s32 $_scs_section_size  }
0x9a: {  	s4 =	simm.s32 $_size__tile_overlayer_lowered;
	s5 =	simm.s32 $_tile_overlayer_lowered  }
0x9b: {  	s22 =	simm.s32 $0x1BFF;
	s21 =	sshll.u32 s5, $0x1;
	s2 =	sadd.s32 s19, s18  }
0x9c: {  	s6 =	simm.s32 $0x0;
	s20 =	sshll.u32 s4, $0x1;
	s4 =	sadd.s32 s21, s2  }
0x9d: {  	[timem:s6], [sflag:s22] =	dma.local [hbm:s4], s20  }
0x9e: {  	_ =	swait.ge [sflag:s22], s20  }
0x9f: {  	s3 =	ssub.s32 $0x0, s20;
	[sflag:s22] =	ssyncset.done $0x0  }
0xa0: {  	[sflag:s22] =	ssyncadd.s32 s3;
	_ =	sdelay $0x1  }
0xa1: {  	s23 =	simm.s32 $0x1B8B  }
0xa2: {  	_ =	swait.ge [sflag:s23], $0x1  }
0xa3: {  	[sflag:s23] =	ssyncset.done $0x0  }
0xa4: {  	s25 =	simm.s32 $0x1B8E;
	s24 =	sld [smem:$0x3FFE];
	[sflag:s23] =	ssyncadd.s32 $0xFFFFFFFF  }
0xa5: {  	s26 =	simm.s32 $execute0_lowered;
	[smem:$0x3FD2] =	sst s25  }
0xa6: {  	s4 =	sshll.u32 s26, $0x1;
	_ =	strace $0x80000046;
	[dreg:$0x1] =	wrdreg $0xFFFFFFFF  }
0xa7: {  	s28 =	simm.s32 $_size_execute0_lowered;
	s2 =	sadd.s32 s2, s4;
	[dreg:$0x0] =	wrdreg $0x0  }
0xa8: {  	s4 =	sshll.u32 s28, $0x1;
	[dreg:$0x2] =	wrdreg s2  }
0xa9: {  	[dreg:$0x3] =	wrdreg s4  }
0xaa: {  	[dreg:$0x4] =	wrdreg $0xC0  }
0xab: {  	_ =	task [dreg:s6], $0x5FFFF  }
0xac: {  	[dreg:$0x1] =	wrdreg $0xFFFFFFFF  }
0xad: {  	[dreg:$0x0] =	wrdreg $0x60  }
0xae: {  	[dreg:$0x2] =	wrdreg s24  }
0xaf: {  	[dreg:$0x3] =	wrdreg $0x9  }
0xb0: {  	_ =	task.clear_ibuf [dreg:s6], $0x4FFFF;
	_ =	strace $0x90000046  }
0xb1: {  	s29 =	simm.s32 $0x9;
	_ =	strace $0x80000048  }
0xb2: {  	_ =	swait.ge [sflag:s29], $0x1  }
0xb3: {  	[sflag:s29] =	ssyncadd.s32 $0xFFFFFFFF  }
0xb4: {  	_ =	strace $0x90000048  }
0xb5: {  	_ =	sfence  }
0xb6: {  	s30 =	sld [smem:$0x0];
	_ =	sdelay $0x2  }
0xb7: {  	s31 =	sshll.u32 s1, $0xD;
	s1 =	sshrl.u32 s1, $0x2  }
0xb8: {  	s3 =	sand.u32 $0x4000, s31;
	s1 =	sadd.s32 s1, s30  }
0xb9: {  	s0 =	sor.u32 s3, s0;
	s1 =	sshll.u32 s1, $0x11  }
0xba: {  	s0 =	sor.u32 s1, s0  }
0xbb: {  	s0 =	sadd.s32 $0x8F2B, s0  }
0xbc: {  	[sflag:s0] =	ssyncadd.remote.s32 $0x1  }
0xbd: {  	_ =	sfence.sel $0xFFFF  }
0xbe: {  	[dreg:$0x0] =	wrdreg $0xFFFFFFFF;
	(pc) =	sbr.abs _section_cstart, $3  }
0xbf: {  	[dreg:$0x1] =	wrdreg $0xFFFFFFFF  }
0xc0: {  	_ =	task.clear_ibuf [dreg:s6], $0x2FFFF;
	_ =	strace $0x9FFFFFFF  }
0xc1: {  	(tm) =	ssettm $0x7FFFFFFF  }
tec
execute0_lowered:
.L_overlay_start_1:
0x0: {  	(tag) =	ssettag $0x1  }
0x1: {  	s0 =	rddreg [dreg:$0x0]  }
0x2: {  	s1 =	srdreg.scid;
	s3 =	stileid.u32;
	s2 =	simm.s32 $0x0  }
0x3: {  	s7 =	simm.s32 $0x80;
	s8 =	simm.s32 $0x880;
	s9 =	simm.s32 $0x100  }
0x4: {  	s10 =	simm.s32 $0x900;
	s11 =	simm.s32 $0x180;
	s12 =	simm.s32 $0x980  }
0x5: {  	s13 =	simm.s32 $0x200;
	s14 =	simm.s32 $0xA00;
	s15 =	simm.s32 $0x280  }
0x6: {  	s16 =	simm.s32 $0xA80;
	s17 =	simm.s32 $0x300;
	s18 =	simm.s32 $0xB00  }
0x7: {  	s19 =	simm.s32 $0x380;
	s20 =	simm.s32 $0xB80;
	s21 =	simm.s32 $0x400  }
0x8: {  	s22 =	simm.s32 $0xC00;
	s23 =	simm.s32 $0x480;
	s1 =	sand.u32 $0x1, s1  }
0x9: {  	s3 =	sshll.u32 s3, $0x9;
	s4 =	sshll.u32 s1, $0x8;
	s1 =	ssub.s32 $0x2, s1  }
0xa: {  	p0 =	por $0x0, $0x0;
	s3 =	sor.u32 s4, s3;
	s24 =	sshrl.u32 s1, $0x1  }
0xb: {  	s6 =	sadd.s32 $0x2600, s0;
	s3 =	sadd.s32 s3, s0;
	s0 =	ssub.s32 s1, s24  }
0xc: {  	s28 =	simm.s32 $0x580;
	s29 =	simm.s32 $0xD80;
	s0 =	smax.u32 s0, $0x1  }
0xd: {  	s30 =	simm.s32 $0x600;
	s31 =	simm.s32 $0xE00;
	p1 =	sne.s32 s0, $0x1  }
.Ltmp0:
0xe: {  	s5 =	simm.s32 $0x1;
	[smem:$0x7FF] =	sst s2;
	(pc) =	sbr.rel @!p1 .LBB2_3-.Ltmp0, $4  }
0xf: {  	_ =	strace $0x80000047;
	s4 =	simm.s32 $0x800;
	s25 =	sadd.s32 $0x600, s3  }
0x10: {  	s24 =	simm.s32 $0xC80;
	s26 =	sadd.s32 $0xFE600, s3;
	[dreg:$0x2] =	wrdreg s25  }
0x11: {  	s3 =	simm.s32 $0x2;
	[dreg:$0x3] =	wrdreg s26;
	s25 =	simm.s32 $0x500  }
0x12: {  	s0 =	sadd.s32 $0xFFFFFFFF, s0;
	s26 =	simm.s32 $0xD00;
	s1 =	rddreg [dreg:$0x2]  }
0x13: {  	[tilespmem:s2], [sflag:$0x2] =	stream.linear.gather [hbm4b:s1+s2], $0x680, $0x38;
	[tilespmem:$0x1000] =	vst v63  }
0x14: {  	_ =	swait.ge [sflag:s3], $0x680  }
0x15: {  	[sflag:s3] =	ssyncset.done $0x0  }
0x16: {  	[sflag:s3] =	ssyncadd.s32 $0xFFFFF980  }
0x17: {  	[tilespmem:s4], [sflag:$0x1] =	stream.indirect.gather [hbm4b:s6+s7], $0x1, s2, s7, $0xb8;
	[tilespmem:$0x1000] =	vst v63  }
0x18: {  	_ = 	snop  }
0x19: {  	[tilespmem:s8], [sflag:$0x1] =	stream.indirect.gather [hbm4b:s6+s7], $0x1, s7, s7, $0xb8;
	[tilespmem:$0x1000] =	vst v63  }
0x1a: {  	_ = 	snop  }
0x1b: {  	[tilespmem:s10], [sflag:$0x1] =	stream.indirect.gather [hbm4b:s6+s7], $0x1, s9, s7, $0xb8;
	[tilespmem:$0x1000] =	vst v63  }
0x1c: {  	_ = 	snop  }
0x1d: {  	[tilespmem:s12], [sflag:$0x1] =	stream.indirect.gather [hbm4b:s6+s7], $0x1, s11, s7, $0xb8;
	[tilespmem:$0x1000] =	vst v63  }
0x1e: {  	_ = 	snop  }
0x1f: {  	[tilespmem:s14], [sflag:$0x1] =	stream.indirect.gather [hbm4b:s6+s7], $0x1, s13, s7, $0xb8;
	[tilespmem:$0x1000] =	vst v63  }
0x20: {  	_ = 	snop  }
0x21: {  	[tilespmem:s16], [sflag:$0x1] =	stream.indirect.gather [hbm4b:s6+s7], $0x1, s15, s7, $0xb8;
	[tilespmem:$0x1000] =	vst v63  }
0x22: {  	_ = 	snop  }
0x23: {  	[tilespmem:s18], [sflag:$0x1] =	stream.indirect.gather [hbm4b:s6+s7], $0x1, s17, s7, $0xb8;
	[tilespmem:$0x1000] =	vst v63  }
0x24: {  	_ = 	snop  }
0x25: {  	[tilespmem:s20], [sflag:$0x1] =	stream.indirect.gather [hbm4b:s6+s7], $0x1, s19, s7, $0xb8;
	[tilespmem:$0x1000] =	vst v63  }
0x26: {  	_ = 	snop  }
0x27: {  	[tilespmem:s22], [sflag:$0x1] =	stream.indirect.gather [hbm4b:s6+s7], $0x1, s21, s7, $0xb8;
	[tilespmem:$0x1000] =	vst v63  }
0x28: {  	_ = 	snop  }
0x29: {  	[tilespmem:s24], [sflag:$0x1] =	stream.indirect.gather [hbm4b:s6+s7], $0x1, s23, s7, $0xb8;
	[tilespmem:$0x1000] =	vst v63  }
0x2a: {  	_ = 	snop  }
0x2b: {  	[tilespmem:s26], [sflag:$0x1] =	stream.indirect.gather [hbm4b:s6+s7], $0x1, s25, s7, $0xb8;
	[tilespmem:$0x1000] =	vst v63  }
0x2c: {  	_ = 	snop  }
0x2d: {  	[tilespmem:s29], [sflag:$0x1] =	stream.indirect.gather [hbm4b:s6+s7], $0x1, s28, s7, $0xb8;
	[tilespmem:$0x1000] =	vst v63  }
0x2e: {  	_ = 	snop  }
0x2f: {  	[tilespmem:s31], [sflag:$0x1] =	stream.indirect.gather [hbm4b:s6+s7], $0x1, s30, s7, $0xb8;
	[tilespmem:$0x1000] =	vst v63  }
0x30: {  	_ =	swait.ge [sflag:s5], $0x80  }
0x31: {  	[sflag:s5] =	ssyncset.done $0x0  }
0x32: {  	[sflag:s5] =	ssyncadd.s32 $0xFFFFFF80  }
0x33: {  	_ =	swait.ge [sflag:s5], $0x80  }
0x34: {  	[sflag:s5] =	ssyncset.done $0x0  }
0x35: {  	[sflag:s5] =	ssyncadd.s32 $0xFFFFFF80  }
0x36: {  	_ =	swait.ge [sflag:s5], $0x80  }
0x37: {  	[sflag:s5] =	ssyncset.done $0x0  }
0x38: {  	[sflag:s5] =	ssyncadd.s32 $0xFFFFFF80  }
0x39: {  	_ =	swait.ge [sflag:s5], $0x80  }
0x3a: {  	[sflag:s5] =	ssyncset.done $0x0  }
0x3b: {  	[sflag:s5] =	ssyncadd.s32 $0xFFFFFF80  }
0x3c: {  	_ =	swait.ge [sflag:s5], $0x80  }
0x3d: {  	[sflag:s5] =	ssyncset.done $0x0  }
0x3e: {  	[sflag:s5] =	ssyncadd.s32 $0xFFFFFF80  }
0x3f: {  	_ =	swait.ge [sflag:s5], $0x80  }
0x40: {  	[sflag:s5] =	ssyncset.done $0x0  }
0x41: {  	[sflag:s5] =	ssyncadd.s32 $0xFFFFFF80  }
0x42: {  	_ =	swait.ge [sflag:s5], $0x80  }
0x43: {  	[sflag:s5] =	ssyncset.done $0x0  }
0x44: {  	[sflag:s5] =	ssyncadd.s32 $0xFFFFFF80  }
0x45: {  	_ =	swait.ge [sflag:s5], $0x80  }
0x46: {  	[sflag:s5] =	ssyncset.done $0x0  }
0x47: {  	[sflag:s5] =	ssyncadd.s32 $0xFFFFFF80  }
0x48: {  	_ =	swait.ge [sflag:s5], $0x80  }
0x49: {  	[sflag:s5] =	ssyncset.done $0x0  }
0x4a: {  	[sflag:s5] =	ssyncadd.s32 $0xFFFFFF80  }
0x4b: {  	_ =	swait.ge [sflag:s5], $0x80  }
0x4c: {  	[sflag:s5] =	ssyncset.done $0x0  }
0x4d: {  	[sflag:s5] =	ssyncadd.s32 $0xFFFFFF80  }
0x4e: {  	_ =	swait.ge [sflag:s5], $0x80  }
0x4f: {  	[sflag:s5] =	ssyncset.done $0x0  }
0x50: {  	[sflag:s5] =	ssyncadd.s32 $0xFFFFFF80  }
0x51: {  	_ =	swait.ge [sflag:s5], $0x80  }
0x52: {  	[sflag:s5] =	ssyncset.done $0x0  }
0x53: {  	[sflag:s5] =	ssyncadd.s32 $0xFFFFFF80  }
0x54: {  	p1 =	sne.s32 s0, $0x1;
	_ =	swait.ge [sflag:s5], $0x80  }
.Ltmp1:
0x55: {  	[sflag:s5] =	ssyncset.done $0x0;
	(pc) =	sbr.rel @!p1 .LBB2_3-.Ltmp1, $4  }
0x56: {  	s1 =	rddreg [dreg:$0x3];
	[sflag:s5] =	ssyncadd.s32 $0xFFFFFF80  }
0x57: {  	[hbm4b:s1+s2] =	stream.linear.scatter [tilespmem:s4], [sflag:$0x2], $0x680, $0x38;
	[tilespmem:$0x1000] =	vst v63  }
0x58: {  	s0 =	sadd.s32 $0xFFFFFFFF, s0;
	_ =	swait.ge [sflag:s3], $0x680  }
0x59: {  	p0 =	por $0x1, $0x1;
	s1 =	rddreg [dreg:$0x2];
	[sflag:s3] =	ssyncset.done $0x0  }
.LBB2_2:
0x5a: {  	[sflag:s3] =	ssyncadd.s32 $0xFFFFF980  }
0x5b: {  	[tilespmem:s2], [sflag:$0x2] =	stream.linear.gather [hbm4b:s1+s2], $0x680, $0x38;
	[tilespmem:$0x1000] =	vst v63  }
0x5c: {  	_ =	swait.ge [sflag:s3], $0x680  }
0x5d: {  	[sflag:s3] =	ssyncset.done $0x0  }
0x5e: {  	[sflag:s3] =	ssyncadd.s32 $0xFFFFF980  }
0x5f: {  	[tilespmem:s4], [sflag:$0x1] =	stream.indirect.gather [hbm4b:s6+s7], $0x1, s2, s7, $0xb8;
	[tilespmem:$0x1000] =	vst v63  }
0x60: {  	_ = 	snop  }
0x61: {  	[tilespmem:s8], [sflag:$0x1] =	stream.indirect.gather [hbm4b:s6+s7], $0x1, s7, s7, $0xb8;
	[tilespmem:$0x1000] =	vst v63  }
0x62: {  	_ = 	snop  }
0x63: {  	[tilespmem:s10], [sflag:$0x1] =	stream.indirect.gather [hbm4b:s6+s7], $0x1, s9, s7, $0xb8;
	[tilespmem:$0x1000] =	vst v63  }
0x64: {  	_ = 	snop  }
0x65: {  	[tilespmem:s12], [sflag:$0x1] =	stream.indirect.gather [hbm4b:s6+s7], $0x1, s11, s7, $0xb8;
	[tilespmem:$0x1000] =	vst v63  }
0x66: {  	_ = 	snop  }
0x67: {  	[tilespmem:s14], [sflag:$0x1] =	stream.indirect.gather [hbm4b:s6+s7], $0x1, s13, s7, $0xb8;
	[tilespmem:$0x1000] =	vst v63  }
0x68: {  	_ = 	snop  }
0x69: {  	[tilespmem:s16], [sflag:$0x1] =	stream.indirect.gather [hbm4b:s6+s7], $0x1, s15, s7, $0xb8;
	[tilespmem:$0x1000] =	vst v63  }
0x6a: {  	_ = 	snop  }
0x6b: {  	[tilespmem:s18], [sflag:$0x1] =	stream.indirect.gather [hbm4b:s6+s7], $0x1, s17, s7, $0xb8;
	[tilespmem:$0x1000] =	vst v63  }
0x6c: {  	_ = 	snop  }
0x6d: {  	[tilespmem:s20], [sflag:$0x1] =	stream.indirect.gather [hbm4b:s6+s7], $0x1, s19, s7, $0xb8;
	[tilespmem:$0x1000] =	vst v63  }
0x6e: {  	_ = 	snop  }
0x6f: {  	[tilespmem:s22], [sflag:$0x1] =	stream.indirect.gather [hbm4b:s6+s7], $0x1, s21, s7, $0xb8;
	[tilespmem:$0x1000] =	vst v63  }
0x70: {  	_ = 	snop  }
0x71: {  	[tilespmem:s24], [sflag:$0x1] =	stream.indirect.gather [hbm4b:s6+s7], $0x1, s23, s7, $0xb8;
	[tilespmem:$0x1000] =	vst v63  }
0x72: {  	_ = 	snop  }
0x73: {  	[tilespmem:s26], [sflag:$0x1] =	stream.indirect.gather [hbm4b:s6+s7], $0x1, s25, s7, $0xb8;
	[tilespmem:$0x1000] =	vst v63  }
0x74: {  	_ = 	snop  }
0x75: {  	[tilespmem:s29], [sflag:$0x1] =	stream.indirect.gather [hbm4b:s6+s7], $0x1, s28, s7, $0xb8;
	[tilespmem:$0x1000] =	vst v63  }
0x76: {  	_ = 	snop  }
0x77: {  	[tilespmem:s31], [sflag:$0x1] =	stream.indirect.gather [hbm4b:s6+s7], $0x1, s30, s7, $0xb8;
	[tilespmem:$0x1000] =	vst v63  }
0x78: {  	_ =	swait.ge [sflag:s5], $0x80  }
0x79: {  	[sflag:s5] =	ssyncset.done $0x0  }
0x7a: {  	[sflag:s5] =	ssyncadd.s32 $0xFFFFFF80  }
0x7b: {  	_ =	swait.ge [sflag:s5], $0x80  }
0x7c: {  	[sflag:s5] =	ssyncset.done $0x0  }
0x7d: {  	[sflag:s5] =	ssyncadd.s32 $0xFFFFFF80  }
0x7e: {  	_ =	swait.ge [sflag:s5], $0x80  }
0x7f: {  	[sflag:s5] =	ssyncset.done $0x0  }
0x80: {  	[sflag:s5] =	ssyncadd.s32 $0xFFFFFF80  }
0x81: {  	_ =	swait.ge [sflag:s5], $0x80  }
0x82: {  	[sflag:s5] =	ssyncset.done $0x0  }
0x83: {  	[sflag:s5] =	ssyncadd.s32 $0xFFFFFF80  }
0x84: {  	_ =	swait.ge [sflag:s5], $0x80  }
0x85: {  	[sflag:s5] =	ssyncset.done $0x0  }
0x86: {  	[sflag:s5] =	ssyncadd.s32 $0xFFFFFF80  }
0x87: {  	_ =	swait.ge [sflag:s5], $0x80  }
0x88: {  	[sflag:s5] =	ssyncset.done $0x0  }
0x89: {  	[sflag:s5] =	ssyncadd.s32 $0xFFFFFF80  }
0x8a: {  	_ =	swait.ge [sflag:s5], $0x80  }
0x8b: {  	[sflag:s5] =	ssyncset.done $0x0  }
0x8c: {  	[sflag:s5] =	ssyncadd.s32 $0xFFFFFF80  }
0x8d: {  	_ =	swait.ge [sflag:s5], $0x80  }
0x8e: {  	[sflag:s5] =	ssyncset.done $0x0  }
0x8f: {  	[sflag:s5] =	ssyncadd.s32 $0xFFFFFF80  }
0x90: {  	_ =	swait.ge [sflag:s5], $0x80  }
0x91: {  	[sflag:s5] =	ssyncset.done $0x0  }
0x92: {  	[sflag:s5] =	ssyncadd.s32 $0xFFFFFF80  }
0x93: {  	_ =	swait.ge [sflag:s5], $0x80  }
0x94: {  	[sflag:s5] =	ssyncset.done $0x0  }
0x95: {  	[sflag:s5] =	ssyncadd.s32 $0xFFFFFF80  }
0x96: {  	_ =	swait.ge [sflag:s5], $0x80  }
0x97: {  	[sflag:s5] =	ssyncset.done $0x0  }
0x98: {  	[sflag:s5] =	ssyncadd.s32 $0xFFFFFF80  }
0x99: {  	_ =	swait.ge [sflag:s5], $0x80  }
0x9a: {  	[sflag:s5] =	ssyncset.done $0x0  }
0x9b: {  	[sflag:s5] =	ssyncadd.s32 $0xFFFFFF80  }
0x9c: {  	p1 =	sne.s32 s0, $0x1;
	_ =	swait.ge [sflag:s5], $0x80  }
.Ltmp2:
0x9d: {  	[sflag:s5] =	ssyncset.done $0x0;
	(pc) =	sbr.rel @p1 .LBB2_2-.Ltmp2, $4  }
0x9e: {  	s1 =	rddreg [dreg:$0x3];
	[sflag:s5] =	ssyncadd.s32 $0xFFFFFF80  }
0x9f: {  	[hbm4b:s1+s2] =	stream.linear.scatter [tilespmem:s4], [sflag:$0x2], $0x680, $0x38;
	[tilespmem:$0x1000] =	vst v63  }
0xa0: {  	_ =	swait.ge [sflag:s3], $0x680  }
0xa1: {  	s0 =	sadd.s32 $0xFFFFFFFF, s0;
	s1 =	rddreg [dreg:$0x2];
	[sflag:s3] =	ssyncset.done $0x0  }
.LBB2_3:
0xa2: {  	[sflag:s3] =	ssyncadd.s32 @p0 $0xFFFFF980  }
0xa3: {  	[tilespmem:s2], [sflag:$0x2] =	stream.linear.gather [hbm4b:s1+s2], $0x680, $0x38;
	[tilespmem:$0x1000] =	vst v63  }
0xa4: {  	_ =	swait.ge [sflag:s3], $0x680  }
0xa5: {  	[sflag:s3] =	ssyncset.done $0x0  }
0xa6: {  	[sflag:s3] =	ssyncadd.s32 $0xFFFFF980  }
0xa7: {  	[tilespmem:s4], [sflag:$0x1] =	stream.indirect.gather [hbm4b:s6+s7], $0x1, s2, s7, $0xb8;
	[tilespmem:$0x1000] =	vst v63  }
0xa8: {  	_ = 	snop  }
0xa9: {  	[tilespmem:s8], [sflag:$0x1] =	stream.indirect.gather [hbm4b:s6+s7], $0x1, s7, s7, $0xb8;
	[tilespmem:$0x1000] =	vst v63  }
0xaa: {  	_ = 	snop  }
0xab: {  	[tilespmem:s10], [sflag:$0x1] =	stream.indirect.gather [hbm4b:s6+s7], $0x1, s9, s7, $0xb8;
	[tilespmem:$0x1000] =	vst v63  }
0xac: {  	_ = 	snop  }
0xad: {  	[tilespmem:s12], [sflag:$0x1] =	stream.indirect.gather [hbm4b:s6+s7], $0x1, s11, s7, $0xb8;
	[tilespmem:$0x1000] =	vst v63  }
0xae: {  	_ = 	snop  }
0xaf: {  	[tilespmem:s14], [sflag:$0x1] =	stream.indirect.gather [hbm4b:s6+s7], $0x1, s13, s7, $0xb8;
	[tilespmem:$0x1000] =	vst v63  }
0xb0: {  	_ = 	snop  }
0xb1: {  	[tilespmem:s16], [sflag:$0x1] =	stream.indirect.gather [hbm4b:s6+s7], $0x1, s15, s7, $0xb8;
	[tilespmem:$0x1000] =	vst v63  }
0xb2: {  	_ = 	snop  }
0xb3: {  	[tilespmem:s18], [sflag:$0x1] =	stream.indirect.gather [hbm4b:s6+s7], $0x1, s17, s7, $0xb8;
	[tilespmem:$0x1000] =	vst v63  }
0xb4: {  	_ = 	snop  }
0xb5: {  	[tilespmem:s20], [sflag:$0x1] =	stream.indirect.gather [hbm4b:s6+s7], $0x1, s19, s7, $0xb8;
	[tilespmem:$0x1000] =	vst v63  }
0xb6: {  	_ = 	snop  }
0xb7: {  	[tilespmem:s22], [sflag:$0x1] =	stream.indirect.gather [hbm4b:s6+s7], $0x1, s21, s7, $0xb8;
	[tilespmem:$0x1000] =	vst v63  }
0xb8: {  	_ = 	snop  }
0xb9: {  	[tilespmem:s24], [sflag:$0x1] =	stream.indirect.gather [hbm4b:s6+s7], $0x1, s23, s7, $0xb8;
	[tilespmem:$0x1000] =	vst v63  }
0xba: {  	_ = 	snop  }
0xbb: {  	[tilespmem:s26], [sflag:$0x1] =	stream.indirect.gather [hbm4b:s6+s7], $0x1, s25, s7, $0xb8;
	[tilespmem:$0x1000] =	vst v63  }
0xbc: {  	_ = 	snop  }
0xbd: {  	[tilespmem:s29], [sflag:$0x1] =	stream.indirect.gather [hbm4b:s6+s7], $0x1, s28, s7, $0xb8;
	[tilespmem:$0x1000] =	vst v63  }
0xbe: {  	_ = 	snop  }
0xbf: {  	[tilespmem:s31], [sflag:$0x1] =	stream.indirect.gather [hbm4b:s6+s7], $0x1, s30, s7, $0xb8;
	[tilespmem:$0x1000] =	vst v63  }
0xc0: {  	_ =	swait.ge [sflag:s5], $0x80  }
0xc1: {  	[sflag:s5] =	ssyncset.done $0x0  }
0xc2: {  	[sflag:s5] =	ssyncadd.s32 $0xFFFFFF80  }
0xc3: {  	_ =	swait.ge [sflag:s5], $0x80  }
0xc4: {  	[sflag:s5] =	ssyncset.done $0x0  }
0xc5: {  	[sflag:s5] =	ssyncadd.s32 $0xFFFFFF80  }
0xc6: {  	_ =	swait.ge [sflag:s5], $0x80  }
0xc7: {  	[sflag:s5] =	ssyncset.done $0x0  }
0xc8: {  	[sflag:s5] =	ssyncadd.s32 $0xFFFFFF80  }
0xc9: {  	_ =	swait.ge [sflag:s5], $0x80  }
0xca: {  	[sflag:s5] =	ssyncset.done $0x0  }
0xcb: {  	[sflag:s5] =	ssyncadd.s32 $0xFFFFFF80  }
0xcc: {  	_ =	swait.ge [sflag:s5], $0x80  }
0xcd: {  	[sflag:s5] =	ssyncset.done $0x0  }
0xce: {  	[sflag:s5] =	ssyncadd.s32 $0xFFFFFF80  }
0xcf: {  	_ =	swait.ge [sflag:s5], $0x80  }
0xd0: {  	[sflag:s5] =	ssyncset.done $0x0  }
0xd1: {  	[sflag:s5] =	ssyncadd.s32 $0xFFFFFF80  }
0xd2: {  	_ =	swait.ge [sflag:s5], $0x80  }
0xd3: {  	[sflag:s5] =	ssyncset.done $0x0  }
0xd4: {  	[sflag:s5] =	ssyncadd.s32 $0xFFFFFF80  }
0xd5: {  	_ =	swait.ge [sflag:s5], $0x80  }
0xd6: {  	[sflag:s5] =	ssyncset.done $0x0  }
0xd7: {  	[sflag:s5] =	ssyncadd.s32 $0xFFFFFF80  }
0xd8: {  	_ =	swait.ge [sflag:s5], $0x80  }
0xd9: {  	[sflag:s5] =	ssyncset.done $0x0  }
0xda: {  	[sflag:s5] =	ssyncadd.s32 $0xFFFFFF80  }
0xdb: {  	_ =	swait.ge [sflag:s5], $0x80  }
0xdc: {  	[sflag:s5] =	ssyncset.done $0x0  }
0xdd: {  	[sflag:s5] =	ssyncadd.s32 $0xFFFFFF80  }
0xde: {  	_ =	swait.ge [sflag:s5], $0x80  }
0xdf: {  	[sflag:s5] =	ssyncset.done $0x0  }
0xe0: {  	[sflag:s5] =	ssyncadd.s32 $0xFFFFFF80  }
0xe1: {  	_ =	swait.ge [sflag:s5], $0x80  }
0xe2: {  	[sflag:s5] =	ssyncset.done $0x0  }
0xe3: {  	[sflag:s5] =	ssyncadd.s32 $0xFFFFFF80  }
0xe4: {  	_ =	swait.ge [sflag:s5], $0x80  }
0xe5: {  	[sflag:s5] =	ssyncset.done $0x0  }
0xe6: {  	s0 =	rddreg [dreg:$0x3];
	[sflag:s5] =	ssyncadd.s32 $0xFFFFFF80  }
0xe7: {  	[hbm4b:s0+s2] =	stream.linear.scatter [tilespmem:s4], [sflag:$0x2], $0x680, $0x38;
	[tilespmem:$0x1000] =	vst v63  }
0xe8: {  	_ =	swait.ge [sflag:s3], $0x680  }
0xe9: {  	[sflag:s3] =	ssyncset.done $0x0  }
0xea: {  	[sflag:s3] =	ssyncadd.s32 $0xFFFFF980  }
0xeb: {  	_ =	sfence.sel $0x180000  }
0xec: {  	[bflag:$0x0] =	sbarrier.arrive $0xFFFF  }
0xed: {  	_ =	strace $0x90000047  }
0xee: {  	s31 =	stileid.u32;
	[bflag:$0x2] =	sbarrier.arrive $0xFFFF  }
0xef: {  	p0 =	sne.s32 s31, $0x0;
	s0 =	rddreg [dreg:$0x1]  }
0xf0: {  	s0 =	sadd.s32 @!p0 $0x100000, s0  }
0xf1: {  	[sflag:s0] =	ssyncadd.tile.s32 @!p0 $0x1;
	_ =	shalt  }
.Lfunc_end2:
_tile_overlayer_lowered:
.L_overlay_start_2:
0xf2: {  	(tag) =	ssettag $0x2  }
0xf3: {  	s0 =	rddreg [dreg:$0x0];
	s2 =	stileid.u32  }
0xf4: {  	s1 =	rddreg [dreg:$0x1];
	p0 =	sne.s32 s2, $0x0  }
0xf5: {  	s3 =	rddreg [dreg:$0x2];
	[bflag:$0x3] =	sbarrier.arrive $0xFFFF;
	s2 =	simm.s32 @!p0 $0x1C02  }
0xf6: {  	[timem:s3], [sflag:s2] =	dma.local @!p0 [hbm:s0], s1  }
0xf7: {  	s0 =	simm.s32 @!p0 $0x2  }
0xf8: {  	_ =	swait.ge @!p0 [sflag:s0], s1  }
0xf9: {  	s1 =	ssub.s32 @!p0 $0x0, s1;
	[sflag:s0] =	ssyncset.done @!p0 $0x0  }
0xfa: {  	[sflag:s0] =	ssyncadd.s32 @!p0 s1  }
0xfb: {  	[bflag:$0x3] =	sbarrier.arrive $0xFFFF  }
0xfc: {  	_ =	shalt  }

</sc_bundles>
